<compile_context>
chip_gen: v7x
topology: tpu7x:2x2x1
jax: 0.10.2.dev20260603
libtpu: 0.0.44.dev20260713+nightly
codegen_flags: <defaults>
</compile_context>

<pallas_src>
import functools

import jax
import jax.numpy as jnp
from jax import lax
from jax.experimental import pallas as pl
from jax.experimental.pallas import tpu as pltpu
from jax.experimental.pallas import tpu_sc as plsc

ROW = 64
NC, NS, L = 2, 16, 16
NW = NC * NS

B = 4096
S = 50
PB = B // NW
PW = PB * 2 * S
SLOT = PB
NBUF = 5
LOOKAHEAD = NBUF - 1


def _sc_gather(dt_flat, W_day, W_time):
    mesh = plsc.VectorSubcoreMesh(core_axis_name="c", subcore_axis_name="s")

    @functools.partial(
        pl.kernel,
        out_type=jax.ShapeDtypeStruct((S, B, 2 * ROW), jnp.float32),
        mesh=mesh,
        scratch_types=[
            pltpu.VMEM((PW,), jnp.int32),
            pltpu.VMEM((S, SLOT), jnp.int32),
            pltpu.VMEM((S, SLOT), jnp.int32),
        ] + [pltpu.VMEM((SLOT, ROW), jnp.float32)] * (2 * NBUF) + [
            pltpu.SemaphoreType.DMA,
            pltpu.SemaphoreType.DMA,
        ],
        compiler_params=pltpu.CompilerParams(
            use_tc_tiling_on_sc=False,
            needs_layout_passes=False,
        ),
    )
    def k(dt_hbm, wd_hbm, wt_hbm, out_hbm, rawbuf, tidx, didx, *rest):
        bufs = rest[:2 * NBUF]
        gsem, wsem = rest[2 * NBUF:]
        wid = lax.axis_index("s") * NC + lax.axis_index("c")
        b0 = wid * PB
        lane = lax.iota(jnp.int32, L)

        pltpu.sync_copy(dt_hbm.at[pl.ds(wid * PW, PW)], rawbuf)

        def build_idx(s):
            for u in range(SLOT // L):
                pos = (u * L + lane) * (2 * S) + 2 * s
                d = plsc.load_gather(rawbuf, [pos])
                t = plsc.load_gather(rawbuf, [pos + 1])
                tidx[s, pl.ds(u * L, L)] = t
                didx[s, pl.ds(u * L, L)] = d

        def fire_gathers(s, tbuf, dbuf):
            pltpu.async_copy(wt_hbm.at[tidx.at[s]], tbuf, gsem)
            pltpu.async_copy(wd_hbm.at[didx.at[s]], dbuf, gsem)

        def drain_gathers(tbuf, dbuf):
            pltpu.make_async_copy(wt_hbm.at[tidx.at[0]], tbuf, gsem).wait()
            pltpu.make_async_copy(wd_hbm.at[didx.at[0]], dbuf, gsem).wait()

        def out_t(s):
            return out_hbm.at[s, pl.ds(b0, SLOT), pl.ds(0, ROW)]

        def out_d(s):
            return out_hbm.at[s, pl.ds(b0, SLOT), pl.ds(ROW, ROW)]

        for s in range(LOOKAHEAD):
            build_idx(s)
            fire_gathers(s, bufs[2 * s], bufs[2 * s + 1])

        def outer(s5, _):
            for i in range(NBUF):
                tbuf, dbuf = bufs[2 * i], bufs[2 * i + 1]
                pi = (i - 1) % NBUF
                pbuf_t, pbuf_d = bufs[2 * pi], bufs[2 * pi + 1]
                s = s5 * NBUF + i
                drain_gathers(tbuf, dbuf)

                @pl.when(s > 0)
                def _():
                    pltpu.make_async_copy(pbuf_t, out_t(s - 1), wsem).wait()
                    pltpu.make_async_copy(pbuf_d, out_d(s - 1), wsem).wait()

                pltpu.async_copy(tbuf, out_t(s), wsem)
                pltpu.async_copy(dbuf, out_d(s), wsem)

                @pl.when(s + LOOKAHEAD < S)
                def _():
                    build_idx_s = s + LOOKAHEAD
                    build_idx(build_idx_s)
                    fire_gathers(build_idx_s, pbuf_t, pbuf_d)

            return _

        lax.fori_loop(0, S // NBUF, outer, None)
        li = (S - 1) % NBUF
        pltpu.make_async_copy(bufs[2 * li], out_t(S - 1), wsem).wait()
        pltpu.make_async_copy(bufs[2 * li + 1], out_d(S - 1), wsem).wait()

    return k(dt_flat, W_day, W_time)


def kernel(daytime, W_day, W_time):
    if daytime.dtype != jnp.int32:
        daytime = daytime.astype(jnp.int32)
    dt_flat = daytime.reshape(2 * B * S)
    out3 = _sc_gather(dt_flat, W_day, W_time)
    return out3.transpose(1, 0, 2)

# --- scband reference (transcript-rebuilt; emitter-appended) ---
"""Pipeline reference for scband-day-time-embedding-38843684225550 (READ-ONLY COPY).

The authoritative reference and input builder live on the scoring server;
editing this copy changes nothing except your own understanding.
"""

import jax, jax.numpy as jnp
import numpy as np

TIME_COUNT = 1440
TIME_SIZE = 64
DAY_COUNT = 366
DAY_SIZE = 64


def setup_inputs(seed: int = 0) -> dict:
    key = jax.random.key(seed)
    k1, k2, k3 = jax.random.split(key, 3)
    daytime = jax.random.randint(k1, (4096, 50, 2), 0, 366, dtype=jnp.int64)
    W_day = jax.random.normal(k2, (DAY_COUNT, DAY_SIZE), dtype=jnp.float32)
    W_time = jax.random.normal(k3, (TIME_COUNT, TIME_SIZE), dtype=jnp.float32)
    return {"daytime": daytime, "W_day": W_day, "W_time": W_time}


def reference(daytime, W_day, W_time):
    # embedding lookups: gather rows from tables
    embed_day = jnp.take(W_day, daytime[..., 0], axis=0)
    embed_time = jnp.take(W_time, daytime[..., 1], axis=0)
    # dropout with p=0 is identity (eval semantics)
    return jnp.concatenate((embed_time, embed_day), axis=-1)

if __name__ == "__main__":
    import jax
    _d = setup_inputs()
    print(jax.jit(kernel)(*tuple(_d.values())))

</pallas_src>

<mosaic_0001>
#map = affine_map<(d0, d1) -> (0)>
#map1 = affine_map<(d0, d1) -> (0, 0)>
#map2 = affine_map<(d0, d1) -> (0, 0, 0)>
module attributes {stable_mosaic.version = 14 : i64} {
  func.func @k(%arg0: i32, %arg1: i32, %arg2: memref<409600xi32, #tpu.memory_space<hbm>>, %arg3: memref<366x64xf32, #tpu.memory_space<hbm>>, %arg4: memref<1440x64xf32, #tpu.memory_space<hbm>>, %arg5: memref<50x4096x128xf32, #tpu.memory_space<hbm>>, %arg6: memref<12800xi32, #tpu.memory_space<vmem>>, %arg7: memref<50x128xi32, #tpu.memory_space<vmem>>, %arg8: memref<50x128xi32, #tpu.memory_space<vmem>>, %arg9: memref<128x64xf32, #tpu.memory_space<vmem>>, %arg10: memref<128x64xf32, #tpu.memory_space<vmem>>, %arg11: memref<128x64xf32, #tpu.memory_space<vmem>>, %arg12: memref<128x64xf32, #tpu.memory_space<vmem>>, %arg13: memref<128x64xf32, #tpu.memory_space<vmem>>, %arg14: memref<128x64xf32, #tpu.memory_space<vmem>>, %arg15: memref<128x64xf32, #tpu.memory_space<vmem>>, %arg16: memref<128x64xf32, #tpu.memory_space<vmem>>, %arg17: memref<128x64xf32, #tpu.memory_space<vmem>>, %arg18: memref<128x64xf32, #tpu.memory_space<vmem>>, %arg19: memref<!tpu.dma_semaphore, #tpu.memory_space<semaphore_mem>>, %arg20: memref<!tpu.dma_semaphore, #tpu.memory_space<semaphore_mem>>) attributes {dimension_semantics = [#tpu.dimension_semantics<core_parallel>, #tpu.dimension_semantics<subcore_parallel>], iteration_bounds = array<i64: 2, 16>, scalar_prefetch = 0 : i64, scratch_operands = 15 : i64, tpu.core_type = #tpu.core_type<sc_vector_subcore>, window_params = [{transform_indices = #map}, {transform_indices = #map1}, {transform_indices = #map1}, {transform_indices = #map2}]} {
    %mul3A = arith.constant 2 : i32
    %mul3A_0 = arith.muli %arg1, %mul3A : i32
    %add3A = arith.addi %mul3A_0, %arg0 : i32
    %mul3A_1 = arith.constant 128 : i32
    %mul3A_2 = arith.muli %add3A, %mul3A_1 : i32
    %iota3A = tpu.iota {dimensions = array<i32: 0>} : vector<16xi32>
    %mul3A_3 = arith.constant 12800 : i32
    %mul3A_4 = arith.muli %add3A, %mul3A_3 : i32
    "tpu.region"() ({
      %run_scoped3A = tpu.sem_alloc : memref<!tpu.dma_semaphore, #tpu.memory_space<semaphore_mem>>
      %dma_start3A_779 = tpu.memref_slice %arg2[%mul3A_4] : memref<409600xi32, #tpu.memory_space<hbm>> -> memref<12800xi32, #tpu.memory_space<hbm>>
      %dma_start3A_780 = tpu.memref_slice %arg2[%mul3A_4] : memref<409600xi32, #tpu.memory_space<hbm>> -> memref<12800xi32, #tpu.memory_space<hbm>>
      tpu.enqueue_dma source(%dma_start3A_780 : memref<12800xi32, #tpu.memory_space<hbm>>) target(%arg6 : memref<12800xi32, #tpu.memory_space<vmem>>) target_semaphore(%run_scoped3A : memref<!tpu.dma_semaphore, #tpu.memory_space<semaphore_mem>>)
      %dma_wait3A_781 = tpu.memref_slice %arg2[%mul3A_4] : memref<409600xi32, #tpu.memory_space<hbm>> -> memref<12800xi32, #tpu.memory_space<hbm>>
      %dma_wait3A_782 = tpu.memref_slice %arg2[%mul3A_4] : memref<409600xi32, #tpu.memory_space<hbm>> -> memref<12800xi32, #tpu.memory_space<hbm>>
      tpu.wait_dma2 semaphore(%run_scoped3A : memref<!tpu.dma_semaphore, #tpu.memory_space<semaphore_mem>>) src(%dma_wait3A_782 : memref<12800xi32, #tpu.memory_space<hbm>>) dst(%arg6 : memref<12800xi32, #tpu.memory_space<vmem>>)
      tpu.yield
    }) : () -> ()
    %add3A_5 = arith.constant 0 : i32
    %add3A_6 = vector.broadcast %add3A_5 : i32 to vector<16xi32>
    %add3A_7 = arith.addi %add3A_6, %iota3A : vector<16xi32>
    %mul3A_8 = arith.constant 100 : i32
    %mul3A_9 = vector.broadcast %mul3A_8 : i32 to vector<16xi32>
    %mul3A_10 = arith.muli %add3A_7, %mul3A_9 : vector<16xi32>
    %add3A_11 = arith.constant 0 : i32
    %add3A_12 = vector.broadcast %add3A_11 : i32 to vector<16xi32>
    %add3A_13 = arith.addi %mul3A_10, %add3A_12 : vector<16xi32>
    %gather3A = tpu.vector_load_idx %arg6[%add3A_13] : memref<12800xi32, #tpu.memory_space<vmem>>[vector<16xi32>], vector<16xi32>,
    %add3A_14 = arith.constant 1 : i32
    %add3A_15 = vector.broadcast %add3A_14 : i32 to vector<16xi32>
    %add3A_16 = arith.addi %add3A_13, %add3A_15 : vector<16xi32>
    %gather3A_17 = tpu.vector_load_idx %arg6[%add3A_16] : memref<12800xi32, #tpu.memory_space<vmem>>[vector<16xi32>], vector<16xi32>,
    %swap3A = arith.constant 0 : i32
    %swap3A_18 = arith.index_cast %swap3A : i32 to index
    %swap3A_19 = arith.constant 0 : index
    %swap3A_20 = tpu.vector_load %arg7[%swap3A_18, %swap3A_19] {strides = array<i32>} : memref<50x128xi32, #tpu.memory_space<vmem>>, vector<16xi32>,
    tpu.vector_store %arg7[%swap3A_18, %swap3A_19], %gather3A_17 {strides = array<i32>} : memref<50x128xi32, #tpu.memory_space<vmem>>, vector<16xi32>,
    %swap3A_21 = arith.constant 0 : i32
    %swap3A_22 = arith.index_cast %swap3A_21 : i32 to index
    %swap3A_23 = arith.constant 0 : index
    %swap3A_24 = tpu.vector_load %arg8[%swap3A_22, %swap3A_23] {strides = array<i32>} : memref<50x128xi32, #tpu.memory_space<vmem>>, vector<16xi32>,
    tpu.vector_store %arg8[%swap3A_22, %swap3A_23], %gather3A {strides = array<i32>} : memref<50x128xi32, #tpu.memory_space<vmem>>, vector<16xi32>,
    %add3A_25 = arith.constant 16 : i32
    %add3A_26 = vector.broadcast %add3A_25 : i32 to vector<16xi32>
    %add3A_27 = arith.addi %add3A_26, %iota3A : vector<16xi32>
    %mul3A_28 = arith.constant 100 : i32
    %mul3A_29 = vector.broadcast %mul3A_28 : i32 to vector<16xi32>
    %mul3A_30 = arith.muli %add3A_27, %mul3A_29 : vector<16xi32>
    %add3A_31 = arith.constant 0 : i32
    %add3A_32 = vector.broadcast %add3A_31 : i32 to vector<16xi32>
    %add3A_33 = arith.addi %mul3A_30, %add3A_32 : vector<16xi32>
    %gather3A_34 = tpu.vector_load_idx %arg6[%add3A_33] : memref<12800xi32, #tpu.memory_space<vmem>>[vector<16xi32>], vector<16xi32>,
    %add3A_35 = arith.constant 1 : i32
    %add3A_36 = vector.broadcast %add3A_35 : i32 to vector<16xi32>
    %add3A_37 = arith.addi %add3A_33, %add3A_36 : vector<16xi32>
    %gather3A_38 = tpu.vector_load_idx %arg6[%add3A_37] : memref<12800xi32, #tpu.memory_space<vmem>>[vector<16xi32>], vector<16xi32>,
    %swap3A_39 = arith.constant 0 : i32
    %swap3A_40 = arith.index_cast %swap3A_39 : i32 to index
    %swap3A_41 = arith.constant 16 : index
    %swap3A_42 = tpu.vector_load %arg7[%swap3A_40, %swap3A_41] {strides = array<i32>} : memref<50x128xi32, #tpu.memory_space<vmem>>, vector<16xi32>,
    tpu.vector_store %arg7[%swap3A_40, %swap3A_41], %gather3A_38 {strides = array<i32>} : memref<50x128xi32, #tpu.memory_space<vmem>>, vector<16xi32>,
    %swap3A_43 = arith.constant 0 : i32
    %swap3A_44 = arith.index_cast %swap3A_43 : i32 to index
    %swap3A_45 = arith.constant 16 : index
    %swap3A_46 = tpu.vector_load %arg8[%swap3A_44, %swap3A_45] {strides = array<i32>} : memref<50x128xi32, #tpu.memory_space<vmem>>, vector<16xi32>,
    tpu.vector_store %arg8[%swap3A_44, %swap3A_45], %gather3A_34 {strides = array<i32>} : memref<50x128xi32, #tpu.memory_space<vmem>>, vector<16xi32>,
    %add3A_47 = arith.constant 32 : i32
    %add3A_48 = vector.broadcast %add3A_47 : i32 to vector<16xi32>
    %add3A_49 = arith.addi %add3A_48, %iota3A : vector<16xi32>
    %mul3A_50 = arith.constant 100 : i32
    %mul3A_51 = vector.broadcast %mul3A_50 : i32 to vector<16xi32>
    %mul3A_52 = arith.muli %add3A_49, %mul3A_51 : vector<16xi32>
    %add3A_53 = arith.constant 0 : i32
    %add3A_54 = vector.broadcast %add3A_53 : i32 to vector<16xi32>
    %add3A_55 = arith.addi %mul3A_52, %add3A_54 : vector<16xi32>
    %gather3A_56 = tpu.vector_load_idx %arg6[%add3A_55] : memref<12800xi32, #tpu.memory_space<vmem>>[vector<16xi32>], vector<16xi32>,
    %add3A_57 = arith.constant 1 : i32
    %add3A_58 = vector.broadcast %add3A_57 : i32 to vector<16xi32>
    %add3A_59 = arith.addi %add3A_55, %add3A_58 : vector<16xi32>
    %gather3A_60 = tpu.vector_load_idx %arg6[%add3A_59] : memref<12800xi32, #tpu.memory_space<vmem>>[vector<16xi32>], vector<16xi32>,
    %swap3A_61 = arith.constant 0 : i32
    %swap3A_62 = arith.index_cast %swap3A_61 : i32 to index
    %swap3A_63 = arith.constant 32 : index
    %swap3A_64 = tpu.vector_load %arg7[%swap3A_62, %swap3A_63] {strides = array<i32>} : memref<50x128xi32, #tpu.memory_space<vmem>>, vector<16xi32>,
    tpu.vector_store %arg7[%swap3A_62, %swap3A_63], %gather3A_60 {strides = array<i32>} : memref<50x128xi32, #tpu.memory_space<vmem>>, vector<16xi32>,
    %swap3A_65 = arith.constant 0 : i32
    %swap3A_66 = arith.index_cast %swap3A_65 : i32 to index
    %swap3A_67 = arith.constant 32 : index
    %swap3A_68 = tpu.vector_load %arg8[%swap3A_66, %swap3A_67] {strides = array<i32>} : memref<50x128xi32, #tpu.memory_space<vmem>>, vector<16xi32>,
    tpu.vector_store %arg8[%swap3A_66, %swap3A_67], %gather3A_56 {strides = array<i32>} : memref<50x128xi32, #tpu.memory_space<vmem>>, vector<16xi32>,
    %add3A_69 = arith.constant 48 : i32
    %add3A_70 = vector.broadcast %add3A_69 : i32 to vector<16xi32>
    %add3A_71 = arith.addi %add3A_70, %iota3A : vector<16xi32>
    %mul3A_72 = arith.constant 100 : i32
    %mul3A_73 = vector.broadcast %mul3A_72 : i32 to vector<16xi32>
    %mul3A_74 = arith.muli %add3A_71, %mul3A_73 : vector<16xi32>
    %add3A_75 = arith.constant 0 : i32
    %add3A_76 = vector.broadcast %add3A_75 : i32 to vector<16xi32>
    %add3A_77 = arith.addi %mul3A_74, %add3A_76 : vector<16xi32>
    %gather3A_78 = tpu.vector_load_idx %arg6[%add3A_77] : memref<12800xi32, #tpu.memory_space<vmem>>[vector<16xi32>], vector<16xi32>,
    %add3A_79 = arith.constant 1 : i32
    %add3A_80 = vector.broadcast %add3A_79 : i32 to vector<16xi32>
    %add3A_81 = arith.addi %add3A_77, %add3A_80 : vector<16xi32>
    %gather3A_82 = tpu.vector_load_idx %arg6[%add3A_81] : memref<12800xi32, #tpu.memory_space<vmem>>[vector<16xi32>], vector<16xi32>,
    %swap3A_83 = arith.constant 0 : i32
    %swap3A_84 = arith.index_cast %swap3A_83 : i32 to index
    %swap3A_85 = arith.constant 48 : index
    %swap3A_86 = tpu.vector_load %arg7[%swap3A_84, %swap3A_85] {strides = array<i32>} : memref<50x128xi32, #tpu.memory_space<vmem>>, vector<16xi32>,
    tpu.vector_store %arg7[%swap3A_84, %swap3A_85], %gather3A_82 {strides = array<i32>} : memref<50x128xi32, #tpu.memory_space<vmem>>, vector<16xi32>,
    %swap3A_87 = arith.constant 0 : i32
    %swap3A_88 = arith.index_cast %swap3A_87 : i32 to index
    %swap3A_89 = arith.constant 48 : index
    %swap3A_90 = tpu.vector_load %arg8[%swap3A_88, %swap3A_89] {strides = array<i32>} : memref<50x128xi32, #tpu.memory_space<vmem>>, vector<16xi32>,
    tpu.vector_store %arg8[%swap3A_88, %swap3A_89], %gather3A_78 {strides = array<i32>} : memref<50x128xi32, #tpu.memory_space<vmem>>, vector<16xi32>,
    %add3A_91 = arith.constant 64 : i32
    %add3A_92 = vector.broadcast %add3A_91 : i32 to vector<16xi32>
    %add3A_93 = arith.addi %add3A_92, %iota3A : vector<16xi32>
    %mul3A_94 = arith.constant 100 : i32
    %mul3A_95 = vector.broadcast %mul3A_94 : i32 to vector<16xi32>
    %mul3A_96 = arith.muli %add3A_93, %mul3A_95 : vector<16xi32>
    %add3A_97 = arith.constant 0 : i32
    %add3A_98 = vector.broadcast %add3A_97 : i32 to vector<16xi32>
    %add3A_99 = arith.addi %mul3A_96, %add3A_98 : vector<16xi32>
    %gather3A_100 = tpu.vector_load_idx %arg6[%add3A_99] : memref<12800xi32, #tpu.memory_space<vmem>>[vector<16xi32>], vector<16xi32>,
    %add3A_101 = arith.constant 1 : i32
    %add3A_102 = vector.broadcast %add3A_101 : i32 to vector<16xi32>
    %add3A_103 = arith.addi %add3A_99, %add3A_102 : vector<16xi32>
    %gather3A_104 = tpu.vector_load_idx %arg6[%add3A_103] : memref<12800xi32, #tpu.memory_space<vmem>>[vector<16xi32>], vector<16xi32>,
    %swap3A_105 = arith.constant 0 : i32
    %swap3A_106 = arith.index_cast %swap3A_105 : i32 to index
    %swap3A_107 = arith.constant 64 : index
    %swap3A_108 = tpu.vector_load %arg7[%swap3A_106, %swap3A_107] {strides = array<i32>} : memref<50x128xi32, #tpu.memory_space<vmem>>, vector<16xi32>,
    tpu.vector_store %arg7[%swap3A_106, %swap3A_107], %gather3A_104 {strides = array<i32>} : memref<50x128xi32, #tpu.memory_space<vmem>>, vector<16xi32>,
    %swap3A_109 = arith.constant 0 : i32
    %swap3A_110 = arith.index_cast %swap3A_109 : i32 to index
    %swap3A_111 = arith.constant 64 : index
    %swap3A_112 = tpu.vector_load %arg8[%swap3A_110, %swap3A_111] {strides = array<i32>} : memref<50x128xi32, #tpu.memory_space<vmem>>, vector<16xi32>,
    tpu.vector_store %arg8[%swap3A_110, %swap3A_111], %gather3A_100 {strides = array<i32>} : memref<50x128xi32, #tpu.memory_space<vmem>>, vector<16xi32>,
    %add3A_113 = arith.constant 80 : i32
    %add3A_114 = vector.broadcast %add3A_113 : i32 to vector<16xi32>
    %add3A_115 = arith.addi %add3A_114, %iota3A : vector<16xi32>
    %mul3A_116 = arith.constant 100 : i32
    %mul3A_117 = vector.broadcast %mul3A_116 : i32 to vector<16xi32>
    %mul3A_118 = arith.muli %add3A_115, %mul3A_117 : vector<16xi32>
    %add3A_119 = arith.constant 0 : i32
    %add3A_120 = vector.broadcast %add3A_119 : i32 to vector<16xi32>
    %add3A_121 = arith.addi %mul3A_118, %add3A_120 : vector<16xi32>
    %gather3A_122 = tpu.vector_load_idx %arg6[%add3A_121] : memref<12800xi32, #tpu.memory_space<vmem>>[vector<16xi32>], vector<16xi32>,
    %add3A_123 = arith.constant 1 : i32
    %add3A_124 = vector.broadcast %add3A_123 : i32 to vector<16xi32>
    %add3A_125 = arith.addi %add3A_121, %add3A_124 : vector<16xi32>
    %gather3A_126 = tpu.vector_load_idx %arg6[%add3A_125] : memref<12800xi32, #tpu.memory_space<vmem>>[vector<16xi32>], vector<16xi32>,
    %swap3A_127 = arith.constant 0 : i32
    %swap3A_128 = arith.index_cast %swap3A_127 : i32 to index
    %swap3A_129 = arith.constant 80 : index
    %swap3A_130 = tpu.vector_load %arg7[%swap3A_128, %swap3A_129] {strides = array<i32>} : memref<50x128xi32, #tpu.memory_space<vmem>>, vector<16xi32>,
    tpu.vector_store %arg7[%swap3A_128, %swap3A_129], %gather3A_126 {strides = array<i32>} : memref<50x128xi32, #tpu.memory_space<vmem>>, vector<16xi32>,
    %swap3A_131 = arith.constant 0 : i32
    %swap3A_132 = arith.index_cast %swap3A_131 : i32 to index
    %swap3A_133 = arith.constant 80 : index
    %swap3A_134 = tpu.vector_load %arg8[%swap3A_132, %swap3A_133] {strides = array<i32>} : memref<50x128xi32, #tpu.memory_space<vmem>>, vector<16xi32>,
    tpu.vector_store %arg8[%swap3A_132, %swap3A_133], %gather3A_122 {strides = array<i32>} : memref<50x128xi32, #tpu.memory_space<vmem>>, vector<16xi32>,
    %add3A_135 = arith.constant 96 : i32
    %add3A_136 = vector.broadcast %add3A_135 : i32 to vector<16xi32>
    %add3A_137 = arith.addi %add3A_136, %iota3A : vector<16xi32>
    %mul3A_138 = arith.constant 100 : i32
    %mul3A_139 = vector.broadcast %mul3A_138 : i32 to vector<16xi32>
    %mul3A_140 = arith.muli %add3A_137, %mul3A_139 : vector<16xi32>
    %add3A_141 = arith.constant 0 : i32
    %add3A_142 = vector.broadcast %add3A_141 : i32 to vector<16xi32>
    %add3A_143 = arith.addi %mul3A_140, %add3A_142 : vector<16xi32>
    %gather3A_144 = tpu.vector_load_idx %arg6[%add3A_143] : memref<12800xi32, #tpu.memory_space<vmem>>[vector<16xi32>], vector<16xi32>,
    %add3A_145 = arith.constant 1 : i32
    %add3A_146 = vector.broadcast %add3A_145 : i32 to vector<16xi32>
    %add3A_147 = arith.addi %add3A_143, %add3A_146 : vector<16xi32>
    %gather3A_148 = tpu.vector_load_idx %arg6[%add3A_147] : memref<12800xi32, #tpu.memory_space<vmem>>[vector<16xi32>], vector<16xi32>,
    %swap3A_149 = arith.constant 0 : i32
    %swap3A_150 = arith.index_cast %swap3A_149 : i32 to index
    %swap3A_151 = arith.constant 96 : index
    %swap3A_152 = tpu.vector_load %arg7[%swap3A_150, %swap3A_151] {strides = array<i32>} : memref<50x128xi32, #tpu.memory_space<vmem>>, vector<16xi32>,
    tpu.vector_store %arg7[%swap3A_150, %swap3A_151], %gather3A_148 {strides = array<i32>} : memref<50x128xi32, #tpu.memory_space<vmem>>, vector<16xi32>,
    %swap3A_153 = arith.constant 0 : i32
    %swap3A_154 = arith.index_cast %swap3A_153 : i32 to index
    %swap3A_155 = arith.constant 96 : index
    %swap3A_156 = tpu.vector_load %arg8[%swap3A_154, %swap3A_155] {strides = array<i32>} : memref<50x128xi32, #tpu.memory_space<vmem>>, vector<16xi32>,
    tpu.vector_store %arg8[%swap3A_154, %swap3A_155], %gather3A_144 {strides = array<i32>} : memref<50x128xi32, #tpu.memory_space<vmem>>, vector<16xi32>,
    %add3A_157 = arith.constant 112 : i32
    %add3A_158 = vector.broadcast %add3A_157 : i32 to vector<16xi32>
    %add3A_159 = arith.addi %add3A_158, %iota3A : vector<16xi32>
    %mul3A_160 = arith.constant 100 : i32
    %mul3A_161 = vector.broadcast %mul3A_160 : i32 to vector<16xi32>
    %mul3A_162 = arith.muli %add3A_159, %mul3A_161 : vector<16xi32>
    %add3A_163 = arith.constant 0 : i32
    %add3A_164 = vector.broadcast %add3A_163 : i32 to vector<16xi32>
    %add3A_165 = arith.addi %mul3A_162, %add3A_164 : vector<16xi32>
    %gather3A_166 = tpu.vector_load_idx %arg6[%add3A_165] : memref<12800xi32, #tpu.memory_space<vmem>>[vector<16xi32>], vector<16xi32>,
    %add3A_167 = arith.constant 1 : i32
    %add3A_168 = vector.broadcast %add3A_167 : i32 to vector<16xi32>
    %add3A_169 = arith.addi %add3A_165, %add3A_168 : vector<16xi32>
    %gather3A_170 = tpu.vector_load_idx %arg6[%add3A_169] : memref<12800xi32, #tpu.memory_space<vmem>>[vector<16xi32>], vector<16xi32>,
    %swap3A_171 = arith.constant 0 : i32
    %swap3A_172 = arith.index_cast %swap3A_171 : i32 to index
    %swap3A_173 = arith.constant 112 : index
    %swap3A_174 = tpu.vector_load %arg7[%swap3A_172, %swap3A_173] {strides = array<i32>} : memref<50x128xi32, #tpu.memory_space<vmem>>, vector<16xi32>,
    tpu.vector_store %arg7[%swap3A_172, %swap3A_173], %gather3A_170 {strides = array<i32>} : memref<50x128xi32, #tpu.memory_space<vmem>>, vector<16xi32>,
    %swap3A_175 = arith.constant 0 : i32
    %swap3A_176 = arith.index_cast %swap3A_175 : i32 to index
    %swap3A_177 = arith.constant 112 : index
    %swap3A_178 = tpu.vector_load %arg8[%swap3A_176, %swap3A_177] {strides = array<i32>} : memref<50x128xi32, #tpu.memory_space<vmem>>, vector<16xi32>,
    tpu.vector_store %arg8[%swap3A_176, %swap3A_177], %gather3A_166 {strides = array<i32>} : memref<50x128xi32, #tpu.memory_space<vmem>>, vector<16xi32>,
    %dma_start3A = arith.constant 0 : i32
    %dma_start3A_179 = arith.constant 0 : i32
    %dma_start3A_180 = tpu.memref_slice %arg7[%dma_start3A, %dma_start3A_179] : memref<50x128xi32, #tpu.memory_space<vmem>> -> memref<1x128xi32, #tpu.memory_space<vmem>>
    %dma_start3A_181 = tpu.memref_squeeze %dma_start3A_180 : memref<1x128xi32, #tpu.memory_space<vmem>> -> memref<128xi32, #tpu.memory_space<vmem>>
    %dma_start3A_182 = arith.constant 0 : i32
    %dma_start3A_183 = arith.constant 0 : i32
    %dma_start3A_184 = tpu.memref_slice %arg4[%dma_start3A_182, %dma_start3A_183] : memref<1440x64xf32, #tpu.memory_space<hbm>> -> memref<1440x64xf32, #tpu.memory_space<hbm>>
    tpu.enqueue_indirect_dma source(%dma_start3A_184 : memref<1440x64xf32, #tpu.memory_space<hbm>>) target(%arg9 : memref<128x64xf32, #tpu.memory_space<vmem>>) offsets(%dma_start3A_181 : memref<128xi32, #tpu.memory_space<vmem>>) semaphore(%arg19 : memref<!tpu.dma_semaphore, #tpu.memory_space<semaphore_mem>>)
    %dma_start3A_185 = arith.constant 0 : i32
    %dma_start3A_186 = arith.constant 0 : i32
    %dma_start3A_187 = tpu.memref_slice %arg8[%dma_start3A_185, %dma_start3A_186] : memref<50x128xi32, #tpu.memory_space<vmem>> -> memref<1x128xi32, #tpu.memory_space<vmem>>
    %dma_start3A_188 = tpu.memref_squeeze %dma_start3A_187 : memref<1x128xi32, #tpu.memory_space<vmem>> -> memref<128xi32, #tpu.memory_space<vmem>>
    %dma_start3A_189 = arith.constant 0 : i32
    %dma_start3A_190 = arith.constant 0 : i32
    %dma_start3A_191 = tpu.memref_slice %arg3[%dma_start3A_189, %dma_start3A_190] : memref<366x64xf32, #tpu.memory_space<hbm>> -> memref<366x64xf32, #tpu.memory_space<hbm>>
    tpu.enqueue_indirect_dma source(%dma_start3A_191 : memref<366x64xf32, #tpu.memory_space<hbm>>) target(%arg10 : memref<128x64xf32, #tpu.memory_space<vmem>>) offsets(%dma_start3A_188 : memref<128xi32, #tpu.memory_space<vmem>>) semaphore(%arg19 : memref<!tpu.dma_semaphore, #tpu.memory_space<semaphore_mem>>)
    %add3A_192 = arith.constant 0 : i32
    %add3A_193 = vector.broadcast %add3A_192 : i32 to vector<16xi32>
    %add3A_194 = arith.addi %add3A_193, %iota3A : vector<16xi32>
    %mul3A_195 = arith.constant 100 : i32
    %mul3A_196 = vector.broadcast %mul3A_195 : i32 to vector<16xi32>
    %mul3A_197 = arith.muli %add3A_194, %mul3A_196 : vector<16xi32>
    %add3A_198 = arith.constant 2 : i32
    %add3A_199 = vector.broadcast %add3A_198 : i32 to vector<16xi32>
    %add3A_200 = arith.addi %mul3A_197, %add3A_199 : vector<16xi32>
    %gather3A_201 = tpu.vector_load_idx %arg6[%add3A_200] : memref<12800xi32, #tpu.memory_space<vmem>>[vector<16xi32>], vector<16xi32>,
    %add3A_202 = arith.constant 1 : i32
    %add3A_203 = vector.broadcast %add3A_202 : i32 to vector<16xi32>
    %add3A_204 = arith.addi %add3A_200, %add3A_203 : vector<16xi32>
    %gather3A_205 = tpu.vector_load_idx %arg6[%add3A_204] : memref<12800xi32, #tpu.memory_space<vmem>>[vector<16xi32>], vector<16xi32>,
    %swap3A_206 = arith.constant 1 : i32
    %swap3A_207 = arith.index_cast %swap3A_206 : i32 to index
    %swap3A_208 = arith.constant 0 : index
    %swap3A_209 = tpu.vector_load %arg7[%swap3A_207, %swap3A_208] {strides = array<i32>} : memref<50x128xi32, #tpu.memory_space<vmem>>, vector<16xi32>,
    tpu.vector_store %arg7[%swap3A_207, %swap3A_208], %gather3A_205 {strides = array<i32>} : memref<50x128xi32, #tpu.memory_space<vmem>>, vector<16xi32>,
    %swap3A_210 = arith.constant 1 : i32
    %swap3A_211 = arith.index_cast %swap3A_210 : i32 to index
    %swap3A_212 = arith.constant 0 : index
    %swap3A_213 = tpu.vector_load %arg8[%swap3A_211, %swap3A_212] {strides = array<i32>} : memref<50x128xi32, #tpu.memory_space<vmem>>, vector<16xi32>,
    tpu.vector_store %arg8[%swap3A_211, %swap3A_212], %gather3A_201 {strides = array<i32>} : memref<50x128xi32, #tpu.memory_space<vmem>>, vector<16xi32>,
    %add3A_214 = arith.constant 16 : i32
    %add3A_215 = vector.broadcast %add3A_214 : i32 to vector<16xi32>
    %add3A_216 = arith.addi %add3A_215, %iota3A : vector<16xi32>
    %mul3A_217 = arith.constant 100 : i32
    %mul3A_218 = vector.broadcast %mul3A_217 : i32 to vector<16xi32>
    %mul3A_219 = arith.muli %add3A_216, %mul3A_218 : vector<16xi32>
    %add3A_220 = arith.constant 2 : i32
    %add3A_221 = vector.broadcast %add3A_220 : i32 to vector<16xi32>
    %add3A_222 = arith.addi %mul3A_219, %add3A_221 : vector<16xi32>
    %gather3A_223 = tpu.vector_load_idx %arg6[%add3A_222] : memref<12800xi32, #tpu.memory_space<vmem>>[vector<16xi32>], vector<16xi32>,
    %add3A_224 = arith.constant 1 : i32
    %add3A_225 = vector.broadcast %add3A_224 : i32 to vector<16xi32>
    %add3A_226 = arith.addi %add3A_222, %add3A_225 : vector<16xi32>
    %gather3A_227 = tpu.vector_load_idx %arg6[%add3A_226] : memref<12800xi32, #tpu.memory_space<vmem>>[vector<16xi32>], vector<16xi32>,
    %swap3A_228 = arith.constant 1 : i32
    %swap3A_229 = arith.index_cast %swap3A_228 : i32 to index
    %swap3A_230 = arith.constant 16 : index
    %swap3A_231 = tpu.vector_load %arg7[%swap3A_229, %swap3A_230] {strides = array<i32>} : memref<50x128xi32, #tpu.memory_space<vmem>>, vector<16xi32>,
    tpu.vector_store %arg7[%swap3A_229, %swap3A_230], %gather3A_227 {strides = array<i32>} : memref<50x128xi32, #tpu.memory_space<vmem>>, vector<16xi32>,
    %swap3A_232 = arith.constant 1 : i32
    %swap3A_233 = arith.index_cast %swap3A_232 : i32 to index
    %swap3A_234 = arith.constant 16 : index
    %swap3A_235 = tpu.vector_load %arg8[%swap3A_233, %swap3A_234] {strides = array<i32>} : memref<50x128xi32, #tpu.memory_space<vmem>>, vector<16xi32>,
    tpu.vector_store %arg8[%swap3A_233, %swap3A_234], %gather3A_223 {strides = array<i32>} : memref<50x128xi32, #tpu.memory_space<vmem>>, vector<16xi32>,
    %add3A_236 = arith.constant 32 : i32
    %add3A_237 = vector.broadcast %add3A_236 : i32 to vector<16xi32>
    %add3A_238 = arith.addi %add3A_237, %iota3A : vector<16xi32>
    %mul3A_239 = arith.constant 100 : i32
    %mul3A_240 = vector.broadcast %mul3A_239 : i32 to vector<16xi32>
    %mul3A_241 = arith.muli %add3A_238, %mul3A_240 : vector<16xi32>
    %add3A_242 = arith.constant 2 : i32
    %add3A_243 = vector.broadcast %add3A_242 : i32 to vector<16xi32>
    %add3A_244 = arith.addi %mul3A_241, %add3A_243 : vector<16xi32>
    %gather3A_245 = tpu.vector_load_idx %arg6[%add3A_244] : memref<12800xi32, #tpu.memory_space<vmem>>[vector<16xi32>], vector<16xi32>,
    %add3A_246 = arith.constant 1 : i32
    %add3A_247 = vector.broadcast %add3A_246 : i32 to vector<16xi32>
    %add3A_248 = arith.addi %add3A_244, %add3A_247 : vector<16xi32>
    %gather3A_249 = tpu.vector_load_idx %arg6[%add3A_248] : memref<12800xi32, #tpu.memory_space<vmem>>[vector<16xi32>], vector<16xi32>,
    %swap3A_250 = arith.constant 1 : i32
    %swap3A_251 = arith.index_cast %swap3A_250 : i32 to index
    %swap3A_252 = arith.constant 32 : index
    %swap3A_253 = tpu.vector_load %arg7[%swap3A_251, %swap3A_252] {strides = array<i32>} : memref<50x128xi32, #tpu.memory_space<vmem>>, vector<16xi32>,
    tpu.vector_store %arg7[%swap3A_251, %swap3A_252], %gather3A_249 {strides = array<i32>} : memref<50x128xi32, #tpu.memory_space<vmem>>, vector<16xi32>,
    %swap3A_254 = arith.constant 1 : i32
    %swap3A_255 = arith.index_cast %swap3A_254 : i32 to index
    %swap3A_256 = arith.constant 32 : index
    %swap3A_257 = tpu.vector_load %arg8[%swap3A_255, %swap3A_256] {strides = array<i32>} : memref<50x128xi32, #tpu.memory_space<vmem>>, vector<16xi32>,
    tpu.vector_store %arg8[%swap3A_255, %swap3A_256], %gather3A_245 {strides = array<i32>} : memref<50x128xi32, #tpu.memory_space<vmem>>, vector<16xi32>,
    %add3A_258 = arith.constant 48 : i32
    %add3A_259 = vector.broadcast %add3A_258 : i32 to vector<16xi32>
    %add3A_260 = arith.addi %add3A_259, %iota3A : vector<16xi32>
    %mul3A_261 = arith.constant 100 : i32
    %mul3A_262 = vector.broadcast %mul3A_261 : i32 to vector<16xi32>
    %mul3A_263 = arith.muli %add3A_260, %mul3A_262 : vector<16xi32>
    %add3A_264 = arith.constant 2 : i32
    %add3A_265 = vector.broadcast %add3A_264 : i32 to vector<16xi32>
    %add3A_266 = arith.addi %mul3A_263, %add3A_265 : vector<16xi32>
    %gather3A_267 = tpu.vector_load_idx %arg6[%add3A_266] : memref<12800xi32, #tpu.memory_space<vmem>>[vector<16xi32>], vector<16xi32>,
    %add3A_268 = arith.constant 1 : i32
    %add3A_269 = vector.broadcast %add3A_268 : i32 to vector<16xi32>
    %add3A_270 = arith.addi %add3A_266, %add3A_269 : vector<16xi32>
    %gather3A_271 = tpu.vector_load_idx %arg6[%add3A_270] : memref<12800xi32, #tpu.memory_space<vmem>>[vector<16xi32>], vector<16xi32>,
    %swap3A_272 = arith.constant 1 : i32
    %swap3A_273 = arith.index_cast %swap3A_272 : i32 to index
    %swap3A_274 = arith.constant 48 : index
    %swap3A_275 = tpu.vector_load %arg7[%swap3A_273, %swap3A_274] {strides = array<i32>} : memref<50x128xi32, #tpu.memory_space<vmem>>, vector<16xi32>,
    tpu.vector_store %arg7[%swap3A_273, %swap3A_274], %gather3A_271 {strides = array<i32>} : memref<50x128xi32, #tpu.memory_space<vmem>>, vector<16xi32>,
    %swap3A_276 = arith.constant 1 : i32
    %swap3A_277 = arith.index_cast %swap3A_276 : i32 to index
    %swap3A_278 = arith.constant 48 : index
    %swap3A_279 = tpu.vector_load %arg8[%swap3A_277, %swap3A_278] {strides = array<i32>} : memref<50x128xi32, #tpu.memory_space<vmem>>, vector<16xi32>,
    tpu.vector_store %arg8[%swap3A_277, %swap3A_278], %gather3A_267 {strides = array<i32>} : memref<50x128xi32, #tpu.memory_space<vmem>>, vector<16xi32>,
    %add3A_280 = arith.constant 64 : i32
    %add3A_281 = vector.broadcast %add3A_280 : i32 to vector<16xi32>
    %add3A_282 = arith.addi %add3A_281, %iota3A : vector<16xi32>
    %mul3A_283 = arith.constant 100 : i32
    %mul3A_284 = vector.broadcast %mul3A_283 : i32 to vector<16xi32>
    %mul3A_285 = arith.muli %add3A_282, %mul3A_284 : vector<16xi32>
    %add3A_286 = arith.constant 2 : i32
    %add3A_287 = vector.broadcast %add3A_286 : i32 to vector<16xi32>
    %add3A_288 = arith.addi %mul3A_285, %add3A_287 : vector<16xi32>
    %gather3A_289 = tpu.vector_load_idx %arg6[%add3A_288] : memref<12800xi32, #tpu.memory_space<vmem>>[vector<16xi32>], vector<16xi32>,
    %add3A_290 = arith.constant 1 : i32
    %add3A_291 = vector.broadcast %add3A_290 : i32 to vector<16xi32>
    %add3A_292 = arith.addi %add3A_288, %add3A_291 : vector<16xi32>
    %gather3A_293 = tpu.vector_load_idx %arg6[%add3A_292] : memref<12800xi32, #tpu.memory_space<vmem>>[vector<16xi32>], vector<16xi32>,
    %swap3A_294 = arith.constant 1 : i32
    %swap3A_295 = arith.index_cast %swap3A_294 : i32 to index
    %swap3A_296 = arith.constant 64 : index
    %swap3A_297 = tpu.vector_load %arg7[%swap3A_295, %swap3A_296] {strides = array<i32>} : memref<50x128xi32, #tpu.memory_space<vmem>>, vector<16xi32>,
    tpu.vector_store %arg7[%swap3A_295, %swap3A_296], %gather3A_293 {strides = array<i32>} : memref<50x128xi32, #tpu.memory_space<vmem>>, vector<16xi32>,
    %swap3A_298 = arith.constant 1 : i32
    %swap3A_299 = arith.index_cast %swap3A_298 : i32 to index
    %swap3A_300 = arith.constant 64 : index
    %swap3A_301 = tpu.vector_load %arg8[%swap3A_299, %swap3A_300] {strides = array<i32>} : memref<50x128xi32, #tpu.memory_space<vmem>>, vector<16xi32>,
    tpu.vector_store %arg8[%swap3A_299, %swap3A_300], %gather3A_289 {strides = array<i32>} : memref<50x128xi32, #tpu.memory_space<vmem>>, vector<16xi32>,
    %add3A_302 = arith.constant 80 : i32
    %add3A_303 = vector.broadcast %add3A_302 : i32 to vector<16xi32>
    %add3A_304 = arith.addi %add3A_303, %iota3A : vector<16xi32>
    %mul3A_305 = arith.constant 100 : i32
    %mul3A_306 = vector.broadcast %mul3A_305 : i32 to vector<16xi32>
    %mul3A_307 = arith.muli %add3A_304, %mul3A_306 : vector<16xi32>
    %add3A_308 = arith.constant 2 : i32
    %add3A_309 = vector.broadcast %add3A_308 : i32 to vector<16xi32>
    %add3A_310 = arith.addi %mul3A_307, %add3A_309 : vector<16xi32>
    %gather3A_311 = tpu.vector_load_idx %arg6[%add3A_310] : memref<12800xi32, #tpu.memory_space<vmem>>[vector<16xi32>], vector<16xi32>,
    %add3A_312 = arith.constant 1 : i32
    %add3A_313 = vector.broadcast %add3A_312 : i32 to vector<16xi32>
    %add3A_314 = arith.addi %add3A_310, %add3A_313 : vector<16xi32>
    %gather3A_315 = tpu.vector_load_idx %arg6[%add3A_314] : memref<12800xi32, #tpu.memory_space<vmem>>[vector<16xi32>], vector<16xi32>,
    %swap3A_316 = arith.constant 1 : i32
    %swap3A_317 = arith.index_cast %swap3A_316 : i32 to index
    %swap3A_318 = arith.constant 80 : index
    %swap3A_319 = tpu.vector_load %arg7[%swap3A_317, %swap3A_318] {strides = array<i32>} : memref<50x128xi32, #tpu.memory_space<vmem>>, vector<16xi32>,
    tpu.vector_store %arg7[%swap3A_317, %swap3A_318], %gather3A_315 {strides = array<i32>} : memref<50x128xi32, #tpu.memory_space<vmem>>, vector<16xi32>,
    %swap3A_320 = arith.constant 1 : i32
    %swap3A_321 = arith.index_cast %swap3A_320 : i32 to index
    %swap3A_322 = arith.constant 80 : index
    %swap3A_323 = tpu.vector_load %arg8[%swap3A_321, %swap3A_322] {strides = array<i32>} : memref<50x128xi32, #tpu.memory_space<vmem>>, vector<16xi32>,
    tpu.vector_store %arg8[%swap3A_321, %swap3A_322], %gather3A_311 {strides = array<i32>} : memref<50x128xi32, #tpu.memory_space<vmem>>, vector<16xi32>,
    %add3A_324 = arith.constant 96 : i32
    %add3A_325 = vector.broadcast %add3A_324 : i32 to vector<16xi32>
    %add3A_326 = arith.addi %add3A_325, %iota3A : vector<16xi32>
    %mul3A_327 = arith.constant 100 : i32
    %mul3A_328 = vector.broadcast %mul3A_327 : i32 to vector<16xi32>
    %mul3A_329 = arith.muli %add3A_326, %mul3A_328 : vector<16xi32>
    %add3A_330 = arith.constant 2 : i32
    %add3A_331 = vector.broadcast %add3A_330 : i32 to vector<16xi32>
    %add3A_332 = arith.addi %mul3A_329, %add3A_331 : vector<16xi32>
    %gather3A_333 = tpu.vector_load_idx %arg6[%add3A_332] : memref<12800xi32, #tpu.memory_space<vmem>>[vector<16xi32>], vector<16xi32>,
    %add3A_334 = arith.constant 1 : i32
    %add3A_335 = vector.broadcast %add3A_334 : i32 to vector<16xi32>
    %add3A_336 = arith.addi %add3A_332, %add3A_335 : vector<16xi32>
    %gather3A_337 = tpu.vector_load_idx %arg6[%add3A_336] : memref<12800xi32, #tpu.memory_space<vmem>>[vector<16xi32>], vector<16xi32>,
    %swap3A_338 = arith.constant 1 : i32
    %swap3A_339 = arith.index_cast %swap3A_338 : i32 to index
    %swap3A_340 = arith.constant 96 : index
    %swap3A_341 = tpu.vector_load %arg7[%swap3A_339, %swap3A_340] {strides = array<i32>} : memref<50x128xi32, #tpu.memory_space<vmem>>, vector<16xi32>,
    tpu.vector_store %arg7[%swap3A_339, %swap3A_340], %gather3A_337 {strides = array<i32>} : memref<50x128xi32, #tpu.memory_space<vmem>>, vector<16xi32>,
    %swap3A_342 = arith.constant 1 : i32
    %swap3A_343 = arith.index_cast %swap3A_342 : i32 to index
    %swap3A_344 = arith.constant 96 : index
    %swap3A_345 = tpu.vector_load %arg8[%swap3A_343, %swap3A_344] {strides = array<i32>} : memref<50x128xi32, #tpu.memory_space<vmem>>, vector<16xi32>,
    tpu.vector_store %arg8[%swap3A_343, %swap3A_344], %gather3A_333 {strides = array<i32>} : memref<50x128xi32, #tpu.memory_space<vmem>>, vector<16xi32>,
    %add3A_346 = arith.constant 112 : i32
    %add3A_347 = vector.broadcast %add3A_346 : i32 to vector<16xi32>
    %add3A_348 = arith.addi %add3A_347, %iota3A : vector<16xi32>
    %mul3A_349 = arith.constant 100 : i32
    %mul3A_350 = vector.broadcast %mul3A_349 : i32 to vector<16xi32>
    %mul3A_351 = arith.muli %add3A_348, %mul3A_350 : vector<16xi32>
    %add3A_352 = arith.constant 2 : i32
    %add3A_353 = vector.broadcast %add3A_352 : i32 to vector<16xi32>
    %add3A_354 = arith.addi %mul3A_351, %add3A_353 : vector<16xi32>
    %gather3A_355 = tpu.vector_load_idx %arg6[%add3A_354] : memref<12800xi32, #tpu.memory_space<vmem>>[vector<16xi32>], vector<16xi32>,
    %add3A_356 = arith.constant 1 : i32
    %add3A_357 = vector.broadcast %add3A_356 : i32 to vector<16xi32>
    %add3A_358 = arith.addi %add3A_354, %add3A_357 : vector<16xi32>
    %gather3A_359 = tpu.vector_load_idx %arg6[%add3A_358] : memref<12800xi32, #tpu.memory_space<vmem>>[vector<16xi32>], vector<16xi32>,
    %swap3A_360 = arith.constant 1 : i32
    %swap3A_361 = arith.index_cast %swap3A_360 : i32 to index
    %swap3A_362 = arith.constant 112 : index
    %swap3A_363 = tpu.vector_load %arg7[%swap3A_361, %swap3A_362] {strides = array<i32>} : memref<50x128xi32, #tpu.memory_space<vmem>>, vector<16xi32>,
    tpu.vector_store %arg7[%swap3A_361, %swap3A_362], %gather3A_359 {strides = array<i32>} : memref<50x128xi32, #tpu.memory_space<vmem>>, vector<16xi32>,
    %swap3A_364 = arith.constant 1 : i32
    %swap3A_365 = arith.index_cast %swap3A_364 : i32 to index
    %swap3A_366 = arith.constant 112 : index
    %swap3A_367 = tpu.vector_load %arg8[%swap3A_365, %swap3A_366] {strides = array<i32>} : memref<50x128xi32, #tpu.memory_space<vmem>>, vector<16xi32>,
    tpu.vector_store %arg8[%swap3A_365, %swap3A_366], %gather3A_355 {strides = array<i32>} : memref<50x128xi32, #tpu.memory_space<vmem>>, vector<16xi32>,
    %dma_start3A_368 = arith.constant 1 : i32
    %dma_start3A_369 = arith.constant 0 : i32
    %dma_start3A_370 = tpu.memref_slice %arg7[%dma_start3A_368, %dma_start3A_369] : memref<50x128xi32, #tpu.memory_space<vmem>> -> memref<1x128xi32, #tpu.memory_space<vmem>>
    %dma_start3A_371 = tpu.memref_squeeze %dma_start3A_370 : memref<1x128xi32, #tpu.memory_space<vmem>> -> memref<128xi32, #tpu.memory_space<vmem>>
    %dma_start3A_372 = arith.constant 0 : i32
    %dma_start3A_373 = arith.constant 0 : i32
    %dma_start3A_374 = tpu.memref_slice %arg4[%dma_start3A_372, %dma_start3A_373] : memref<1440x64xf32, #tpu.memory_space<hbm>> -> memref<1440x64xf32, #tpu.memory_space<hbm>>
    tpu.enqueue_indirect_dma source(%dma_start3A_374 : memref<1440x64xf32, #tpu.memory_space<hbm>>) target(%arg11 : memref<128x64xf32, #tpu.memory_space<vmem>>) offsets(%dma_start3A_371 : memref<128xi32, #tpu.memory_space<vmem>>) semaphore(%arg19 : memref<!tpu.dma_semaphore, #tpu.memory_space<semaphore_mem>>)
    %dma_start3A_375 = arith.constant 1 : i32
    %dma_start3A_376 = arith.constant 0 : i32
    %dma_start3A_377 = tpu.memref_slice %arg8[%dma_start3A_375, %dma_start3A_376] : memref<50x128xi32, #tpu.memory_space<vmem>> -> memref<1x128xi32, #tpu.memory_space<vmem>>
    %dma_start3A_378 = tpu.memref_squeeze %dma_start3A_377 : memref<1x128xi32, #tpu.memory_space<vmem>> -> memref<128xi32, #tpu.memory_space<vmem>>
    %dma_start3A_379 = arith.constant 0 : i32
    %dma_start3A_380 = arith.constant 0 : i32
    %dma_start3A_381 = tpu.memref_slice %arg3[%dma_start3A_379, %dma_start3A_380] : memref<366x64xf32, #tpu.memory_space<hbm>> -> memref<366x64xf32, #tpu.memory_space<hbm>>
    tpu.enqueue_indirect_dma source(%dma_start3A_381 : memref<366x64xf32, #tpu.memory_space<hbm>>) target(%arg12 : memref<128x64xf32, #tpu.memory_space<vmem>>) offsets(%dma_start3A_378 : memref<128xi32, #tpu.memory_space<vmem>>) semaphore(%arg19 : memref<!tpu.dma_semaphore, #tpu.memory_space<semaphore_mem>>)
    %add3A_382 = arith.constant 0 : i32
    %add3A_383 = vector.broadcast %add3A_382 : i32 to vector<16xi32>
    %add3A_384 = arith.addi %add3A_383, %iota3A : vector<16xi32>
    %mul3A_385 = arith.constant 100 : i32
    %mul3A_386 = vector.broadcast %mul3A_385 : i32 to vector<16xi32>
    %mul3A_387 = arith.muli %add3A_384, %mul3A_386 : vector<16xi32>
    %add3A_388 = arith.constant 4 : i32
    %add3A_389 = vector.broadcast %add3A_388 : i32 to vector<16xi32>
    %add3A_390 = arith.addi %mul3A_387, %add3A_389 : vector<16xi32>
    %gather3A_391 = tpu.vector_load_idx %arg6[%add3A_390] : memref<12800xi32, #tpu.memory_space<vmem>>[vector<16xi32>], vector<16xi32>,
    %add3A_392 = arith.constant 1 : i32
    %add3A_393 = vector.broadcast %add3A_392 : i32 to vector<16xi32>
    %add3A_394 = arith.addi %add3A_390, %add3A_393 : vector<16xi32>
    %gather3A_395 = tpu.vector_load_idx %arg6[%add3A_394] : memref<12800xi32, #tpu.memory_space<vmem>>[vector<16xi32>], vector<16xi32>,
    %swap3A_396 = arith.constant 2 : i32
    %swap3A_397 = arith.index_cast %swap3A_396 : i32 to index
    %swap3A_398 = arith.constant 0 : index
    %swap3A_399 = tpu.vector_load %arg7[%swap3A_397, %swap3A_398] {strides = array<i32>} : memref<50x128xi32, #tpu.memory_space<vmem>>, vector<16xi32>,
    tpu.vector_store %arg7[%swap3A_397, %swap3A_398], %gather3A_395 {strides = array<i32>} : memref<50x128xi32, #tpu.memory_space<vmem>>, vector<16xi32>,
    %swap3A_400 = arith.constant 2 : i32
    %swap3A_401 = arith.index_cast %swap3A_400 : i32 to index
    %swap3A_402 = arith.constant 0 : index
    %swap3A_403 = tpu.vector_load %arg8[%swap3A_401, %swap3A_402] {strides = array<i32>} : memref<50x128xi32, #tpu.memory_space<vmem>>, vector<16xi32>,
    tpu.vector_store %arg8[%swap3A_401, %swap3A_402], %gather3A_391 {strides = array<i32>} : memref<50x128xi32, #tpu.memory_space<vmem>>, vector<16xi32>,
    %add3A_404 = arith.constant 16 : i32
    %add3A_405 = vector.broadcast %add3A_404 : i32 to vector<16xi32>
    %add3A_406 = arith.addi %add3A_405, %iota3A : vector<16xi32>
    %mul3A_407 = arith.constant 100 : i32
    %mul3A_408 = vector.broadcast %mul3A_407 : i32 to vector<16xi32>
    %mul3A_409 = arith.muli %add3A_406, %mul3A_408 : vector<16xi32>
    %add3A_410 = arith.constant 4 : i32
    %add3A_411 = vector.broadcast %add3A_410 : i32 to vector<16xi32>
    %add3A_412 = arith.addi %mul3A_409, %add3A_411 : vector<16xi32>
    %gather3A_413 = tpu.vector_load_idx %arg6[%add3A_412] : memref<12800xi32, #tpu.memory_space<vmem>>[vector<16xi32>], vector<16xi32>,
    %add3A_414 = arith.constant 1 : i32
    %add3A_415 = vector.broadcast %add3A_414 : i32 to vector<16xi32>
    %add3A_416 = arith.addi %add3A_412, %add3A_415 : vector<16xi32>
    %gather3A_417 = tpu.vector_load_idx %arg6[%add3A_416] : memref<12800xi32, #tpu.memory_space<vmem>>[vector<16xi32>], vector<16xi32>,
    %swap3A_418 = arith.constant 2 : i32
    %swap3A_419 = arith.index_cast %swap3A_418 : i32 to index
    %swap3A_420 = arith.constant 16 : index
    %swap3A_421 = tpu.vector_load %arg7[%swap3A_419, %swap3A_420] {strides = array<i32>} : memref<50x128xi32, #tpu.memory_space<vmem>>, vector<16xi32>,
    tpu.vector_store %arg7[%swap3A_419, %swap3A_420], %gather3A_417 {strides = array<i32>} : memref<50x128xi32, #tpu.memory_space<vmem>>, vector<16xi32>,
    %swap3A_422 = arith.constant 2 : i32
    %swap3A_423 = arith.index_cast %swap3A_422 : i32 to index
    %swap3A_424 = arith.constant 16 : index
    %swap3A_425 = tpu.vector_load %arg8[%swap3A_423, %swap3A_424] {strides = array<i32>} : memref<50x128xi32, #tpu.memory_space<vmem>>, vector<16xi32>,
    tpu.vector_store %arg8[%swap3A_423, %swap3A_424], %gather3A_413 {strides = array<i32>} : memref<50x128xi32, #tpu.memory_space<vmem>>, vector<16xi32>,
    %add3A_426 = arith.constant 32 : i32
    %add3A_427 = vector.broadcast %add3A_426 : i32 to vector<16xi32>
    %add3A_428 = arith.addi %add3A_427, %iota3A : vector<16xi32>
    %mul3A_429 = arith.constant 100 : i32
    %mul3A_430 = vector.broadcast %mul3A_429 : i32 to vector<16xi32>
    %mul3A_431 = arith.muli %add3A_428, %mul3A_430 : vector<16xi32>
    %add3A_432 = arith.constant 4 : i32
    %add3A_433 = vector.broadcast %add3A_432 : i32 to vector<16xi32>
    %add3A_434 = arith.addi %mul3A_431, %add3A_433 : vector<16xi32>
    %gather3A_435 = tpu.vector_load_idx %arg6[%add3A_434] : memref<12800xi32, #tpu.memory_space<vmem>>[vector<16xi32>], vector<16xi32>,
    %add3A_436 = arith.constant 1 : i32
    %add3A_437 = vector.broadcast %add3A_436 : i32 to vector<16xi32>
    %add3A_438 = arith.addi %add3A_434, %add3A_437 : vector<16xi32>
    %gather3A_439 = tpu.vector_load_idx %arg6[%add3A_438] : memref<12800xi32, #tpu.memory_space<vmem>>[vector<16xi32>], vector<16xi32>,
    %swap3A_440 = arith.constant 2 : i32
    %swap3A_441 = arith.index_cast %swap3A_440 : i32 to index
    %swap3A_442 = arith.constant 32 : index
    %swap3A_443 = tpu.vector_load %arg7[%swap3A_441, %swap3A_442] {strides = array<i32>} : memref<50x128xi32, #tpu.memory_space<vmem>>, vector<16xi32>,
    tpu.vector_store %arg7[%swap3A_441, %swap3A_442], %gather3A_439 {strides = array<i32>} : memref<50x128xi32, #tpu.memory_space<vmem>>, vector<16xi32>,
    %swap3A_444 = arith.constant 2 : i32
    %swap3A_445 = arith.index_cast %swap3A_444 : i32 to index
    %swap3A_446 = arith.constant 32 : index
    %swap3A_447 = tpu.vector_load %arg8[%swap3A_445, %swap3A_446] {strides = array<i32>} : memref<50x128xi32, #tpu.memory_space<vmem>>, vector<16xi32>,
    tpu.vector_store %arg8[%swap3A_445, %swap3A_446], %gather3A_435 {strides = array<i32>} : memref<50x128xi32, #tpu.memory_space<vmem>>, vector<16xi32>,
    %add3A_448 = arith.constant 48 : i32
    %add3A_449 = vector.broadcast %add3A_448 : i32 to vector<16xi32>
    %add3A_450 = arith.addi %add3A_449, %iota3A : vector<16xi32>
    %mul3A_451 = arith.constant 100 : i32
    %mul3A_452 = vector.broadcast %mul3A_451 : i32 to vector<16xi32>
    %mul3A_453 = arith.muli %add3A_450, %mul3A_452 : vector<16xi32>
    %add3A_454 = arith.constant 4 : i32
    %add3A_455 = vector.broadcast %add3A_454 : i32 to vector<16xi32>
    %add3A_456 = arith.addi %mul3A_453, %add3A_455 : vector<16xi32>
    %gather3A_457 = tpu.vector_load_idx %arg6[%add3A_456] : memref<12800xi32, #tpu.memory_space<vmem>>[vector<16xi32>], vector<16xi32>,
    %add3A_458 = arith.constant 1 : i32
    %add3A_459 = vector.broadcast %add3A_458 : i32 to vector<16xi32>
    %add3A_460 = arith.addi %add3A_456, %add3A_459 : vector<16xi32>
    %gather3A_461 = tpu.vector_load_idx %arg6[%add3A_460] : memref<12800xi32, #tpu.memory_space<vmem>>[vector<16xi32>], vector<16xi32>,
    %swap3A_462 = arith.constant 2 : i32
    %swap3A_463 = arith.index_cast %swap3A_462 : i32 to index
    %swap3A_464 = arith.constant 48 : index
    %swap3A_465 = tpu.vector_load %arg7[%swap3A_463, %swap3A_464] {strides = array<i32>} : memref<50x128xi32, #tpu.memory_space<vmem>>, vector<16xi32>,
    tpu.vector_store %arg7[%swap3A_463, %swap3A_464], %gather3A_461 {strides = array<i32>} : memref<50x128xi32, #tpu.memory_space<vmem>>, vector<16xi32>,
    %swap3A_466 = arith.constant 2 : i32
    %swap3A_467 = arith.index_cast %swap3A_466 : i32 to index
    %swap3A_468 = arith.constant 48 : index
    %swap3A_469 = tpu.vector_load %arg8[%swap3A_467, %swap3A_468] {strides = array<i32>} : memref<50x128xi32, #tpu.memory_space<vmem>>, vector<16xi32>,
    tpu.vector_store %arg8[%swap3A_467, %swap3A_468], %gather3A_457 {strides = array<i32>} : memref<50x128xi32, #tpu.memory_space<vmem>>, vector<16xi32>,
    %add3A_470 = arith.constant 64 : i32
    %add3A_471 = vector.broadcast %add3A_470 : i32 to vector<16xi32>
    %add3A_472 = arith.addi %add3A_471, %iota3A : vector<16xi32>
    %mul3A_473 = arith.constant 100 : i32
    %mul3A_474 = vector.broadcast %mul3A_473 : i32 to vector<16xi32>
    %mul3A_475 = arith.muli %add3A_472, %mul3A_474 : vector<16xi32>
    %add3A_476 = arith.constant 4 : i32
    %add3A_477 = vector.broadcast %add3A_476 : i32 to vector<16xi32>
    %add3A_478 = arith.addi %mul3A_475, %add3A_477 : vector<16xi32>
    %gather3A_479 = tpu.vector_load_idx %arg6[%add3A_478] : memref<12800xi32, #tpu.memory_space<vmem>>[vector<16xi32>], vector<16xi32>,
    %add3A_480 = arith.constant 1 : i32
    %add3A_481 = vector.broadcast %add3A_480 : i32 to vector<16xi32>
    %add3A_482 = arith.addi %add3A_478, %add3A_481 : vector<16xi32>
    %gather3A_483 = tpu.vector_load_idx %arg6[%add3A_482] : memref<12800xi32, #tpu.memory_space<vmem>>[vector<16xi32>], vector<16xi32>,
    %swap3A_484 = arith.constant 2 : i32
    %swap3A_485 = arith.index_cast %swap3A_484 : i32 to index
    %swap3A_486 = arith.constant 64 : index
    %swap3A_487 = tpu.vector_load %arg7[%swap3A_485, %swap3A_486] {strides = array<i32>} : memref<50x128xi32, #tpu.memory_space<vmem>>, vector<16xi32>,
    tpu.vector_store %arg7[%swap3A_485, %swap3A_486], %gather3A_483 {strides = array<i32>} : memref<50x128xi32, #tpu.memory_space<vmem>>, vector<16xi32>,
    %swap3A_488 = arith.constant 2 : i32
    %swap3A_489 = arith.index_cast %swap3A_488 : i32 to index
    %swap3A_490 = arith.constant 64 : index
    %swap3A_491 = tpu.vector_load %arg8[%swap3A_489, %swap3A_490] {strides = array<i32>} : memref<50x128xi32, #tpu.memory_space<vmem>>, vector<16xi32>,
    tpu.vector_store %arg8[%swap3A_489, %swap3A_490], %gather3A_479 {strides = array<i32>} : memref<50x128xi32, #tpu.memory_space<vmem>>, vector<16xi32>,
    %add3A_492 = arith.constant 80 : i32
    %add3A_493 = vector.broadcast %add3A_492 : i32 to vector<16xi32>
    %add3A_494 = arith.addi %add3A_493, %iota3A : vector<16xi32>
    %mul3A_495 = arith.constant 100 : i32
    %mul3A_496 = vector.broadcast %mul3A_495 : i32 to vector<16xi32>
    %mul3A_497 = arith.muli %add3A_494, %mul3A_496 : vector<16xi32>
    %add3A_498 = arith.constant 4 : i32
    %add3A_499 = vector.broadcast %add3A_498 : i32 to vector<16xi32>
    %add3A_500 = arith.addi %mul3A_497, %add3A_499 : vector<16xi32>
    %gather3A_501 = tpu.vector_load_idx %arg6[%add3A_500] : memref<12800xi32, #tpu.memory_space<vmem>>[vector<16xi32>], vector<16xi32>,
    %add3A_502 = arith.constant 1 : i32
    %add3A_503 = vector.broadcast %add3A_502 : i32 to vector<16xi32>
    %add3A_504 = arith.addi %add3A_500, %add3A_503 : vector<16xi32>
    %gather3A_505 = tpu.vector_load_idx %arg6[%add3A_504] : memref<12800xi32, #tpu.memory_space<vmem>>[vector<16xi32>], vector<16xi32>,
    %swap3A_506 = arith.constant 2 : i32
    %swap3A_507 = arith.index_cast %swap3A_506 : i32 to index
    %swap3A_508 = arith.constant 80 : index
    %swap3A_509 = tpu.vector_load %arg7[%swap3A_507, %swap3A_508] {strides = array<i32>} : memref<50x128xi32, #tpu.memory_space<vmem>>, vector<16xi32>,
    tpu.vector_store %arg7[%swap3A_507, %swap3A_508], %gather3A_505 {strides = array<i32>} : memref<50x128xi32, #tpu.memory_space<vmem>>, vector<16xi32>,
    %swap3A_510 = arith.constant 2 : i32
    %swap3A_511 = arith.index_cast %swap3A_510 : i32 to index
    %swap3A_512 = arith.constant 80 : index
    %swap3A_513 = tpu.vector_load %arg8[%swap3A_511, %swap3A_512] {strides = array<i32>} : memref<50x128xi32, #tpu.memory_space<vmem>>, vector<16xi32>,
    tpu.vector_store %arg8[%swap3A_511, %swap3A_512], %gather3A_501 {strides = array<i32>} : memref<50x128xi32, #tpu.memory_space<vmem>>, vector<16xi32>,
    %add3A_514 = arith.constant 96 : i32
    %add3A_515 = vector.broadcast %add3A_514 : i32 to vector<16xi32>
    %add3A_516 = arith.addi %add3A_515, %iota3A : vector<16xi32>
    %mul3A_517 = arith.constant 100 : i32
    %mul3A_518 = vector.broadcast %mul3A_517 : i32 to vector<16xi32>
    %mul3A_519 = arith.muli %add3A_516, %mul3A_518 : vector<16xi32>
    %add3A_520 = arith.constant 4 : i32
    %add3A_521 = vector.broadcast %add3A_520 : i32 to vector<16xi32>
    %add3A_522 = arith.addi %mul3A_519, %add3A_521 : vector<16xi32>
    %gather3A_523 = tpu.vector_load_idx %arg6[%add3A_522] : memref<12800xi32, #tpu.memory_space<vmem>>[vector<16xi32>], vector<16xi32>,
    %add3A_524 = arith.constant 1 : i32
    %add3A_525 = vector.broadcast %add3A_524 : i32 to vector<16xi32>
    %add3A_526 = arith.addi %add3A_522, %add3A_525 : vector<16xi32>
    %gather3A_527 = tpu.vector_load_idx %arg6[%add3A_526] : memref<12800xi32, #tpu.memory_space<vmem>>[vector<16xi32>], vector<16xi32>,
    %swap3A_528 = arith.constant 2 : i32
    %swap3A_529 = arith.index_cast %swap3A_528 : i32 to index
    %swap3A_530 = arith.constant 96 : index
    %swap3A_531 = tpu.vector_load %arg7[%swap3A_529, %swap3A_530] {strides = array<i32>} : memref<50x128xi32, #tpu.memory_space<vmem>>, vector<16xi32>,
    tpu.vector_store %arg7[%swap3A_529, %swap3A_530], %gather3A_527 {strides = array<i32>} : memref<50x128xi32, #tpu.memory_space<vmem>>, vector<16xi32>,
    %swap3A_532 = arith.constant 2 : i32
    %swap3A_533 = arith.index_cast %swap3A_532 : i32 to index
    %swap3A_534 = arith.constant 96 : index
    %swap3A_535 = tpu.vector_load %arg8[%swap3A_533, %swap3A_534] {strides = array<i32>} : memref<50x128xi32, #tpu.memory_space<vmem>>, vector<16xi32>,
    tpu.vector_store %arg8[%swap3A_533, %swap3A_534], %gather3A_523 {strides = array<i32>} : memref<50x128xi32, #tpu.memory_space<vmem>>, vector<16xi32>,
    %add3A_536 = arith.constant 112 : i32
    %add3A_537 = vector.broadcast %add3A_536 : i32 to vector<16xi32>
    %add3A_538 = arith.addi %add3A_537, %iota3A : vector<16xi32>
    %mul3A_539 = arith.constant 100 : i32
    %mul3A_540 = vector.broadcast %mul3A_539 : i32 to vector<16xi32>
    %mul3A_541 = arith.muli %add3A_538, %mul3A_540 : vector<16xi32>
    %add3A_542 = arith.constant 4 : i32
    %add3A_543 = vector.broadcast %add3A_542 : i32 to vector<16xi32>
    %add3A_544 = arith.addi %mul3A_541, %add3A_543 : vector<16xi32>
    %gather3A_545 = tpu.vector_load_idx %arg6[%add3A_544] : memref<12800xi32, #tpu.memory_space<vmem>>[vector<16xi32>], vector<16xi32>,
    %add3A_546 = arith.constant 1 : i32
    %add3A_547 = vector.broadcast %add3A_546 : i32 to vector<16xi32>
    %add3A_548 = arith.addi %add3A_544, %add3A_547 : vector<16xi32>
    %gather3A_549 = tpu.vector_load_idx %arg6[%add3A_548] : memref<12800xi32, #tpu.memory_space<vmem>>[vector<16xi32>], vector<16xi32>,
    %swap3A_550 = arith.constant 2 : i32
    %swap3A_551 = arith.index_cast %swap3A_550 : i32 to index
    %swap3A_552 = arith.constant 112 : index
    %swap3A_553 = tpu.vector_load %arg7[%swap3A_551, %swap3A_552] {strides = array<i32>} : memref<50x128xi32, #tpu.memory_space<vmem>>, vector<16xi32>,
    tpu.vector_store %arg7[%swap3A_551, %swap3A_552], %gather3A_549 {strides = array<i32>} : memref<50x128xi32, #tpu.memory_space<vmem>>, vector<16xi32>,
    %swap3A_554 = arith.constant 2 : i32
    %swap3A_555 = arith.index_cast %swap3A_554 : i32 to index
    %swap3A_556 = arith.constant 112 : index
    %swap3A_557 = tpu.vector_load %arg8[%swap3A_555, %swap3A_556] {strides = array<i32>} : memref<50x128xi32, #tpu.memory_space<vmem>>, vector<16xi32>,
    tpu.vector_store %arg8[%swap3A_555, %swap3A_556], %gather3A_545 {strides = array<i32>} : memref<50x128xi32, #tpu.memory_space<vmem>>, vector<16xi32>,
    %dma_start3A_558 = arith.constant 2 : i32
    %dma_start3A_559 = arith.constant 0 : i32
    %dma_start3A_560 = tpu.memref_slice %arg7[%dma_start3A_558, %dma_start3A_559] : memref<50x128xi32, #tpu.memory_space<vmem>> -> memref<1x128xi32, #tpu.memory_space<vmem>>
    %dma_start3A_561 = tpu.memref_squeeze %dma_start3A_560 : memref<1x128xi32, #tpu.memory_space<vmem>> -> memref<128xi32, #tpu.memory_space<vmem>>
    %dma_start3A_562 = arith.constant 0 : i32
    %dma_start3A_563 = arith.constant 0 : i32
    %dma_start3A_564 = tpu.memref_slice %arg4[%dma_start3A_562, %dma_start3A_563] : memref<1440x64xf32, #tpu.memory_space<hbm>> -> memref<1440x64xf32, #tpu.memory_space<hbm>>
    tpu.enqueue_indirect_dma source(%dma_start3A_564 : memref<1440x64xf32, #tpu.memory_space<hbm>>) target(%arg13 : memref<128x64xf32, #tpu.memory_space<vmem>>) offsets(%dma_start3A_561 : memref<128xi32, #tpu.memory_space<vmem>>) semaphore(%arg19 : memref<!tpu.dma_semaphore, #tpu.memory_space<semaphore_mem>>)
    %dma_start3A_565 = arith.constant 2 : i32
    %dma_start3A_566 = arith.constant 0 : i32
    %dma_start3A_567 = tpu.memref_slice %arg8[%dma_start3A_565, %dma_start3A_566] : memref<50x128xi32, #tpu.memory_space<vmem>> -> memref<1x128xi32, #tpu.memory_space<vmem>>
    %dma_start3A_568 = tpu.memref_squeeze %dma_start3A_567 : memref<1x128xi32, #tpu.memory_space<vmem>> -> memref<128xi32, #tpu.memory_space<vmem>>
    %dma_start3A_569 = arith.constant 0 : i32
    %dma_start3A_570 = arith.constant 0 : i32
    %dma_start3A_571 = tpu.memref_slice %arg3[%dma_start3A_569, %dma_start3A_570] : memref<366x64xf32, #tpu.memory_space<hbm>> -> memref<366x64xf32, #tpu.memory_space<hbm>>
    tpu.enqueue_indirect_dma source(%dma_start3A_571 : memref<366x64xf32, #tpu.memory_space<hbm>>) target(%arg14 : memref<128x64xf32, #tpu.memory_space<vmem>>) offsets(%dma_start3A_568 : memref<128xi32, #tpu.memory_space<vmem>>) semaphore(%arg19 : memref<!tpu.dma_semaphore, #tpu.memory_space<semaphore_mem>>)
    %add3A_572 = arith.constant 0 : i32
    %add3A_573 = vector.broadcast %add3A_572 : i32 to vector<16xi32>
    %add3A_574 = arith.addi %add3A_573, %iota3A : vector<16xi32>
    %mul3A_575 = arith.constant 100 : i32
    %mul3A_576 = vector.broadcast %mul3A_575 : i32 to vector<16xi32>
    %mul3A_577 = arith.muli %add3A_574, %mul3A_576 : vector<16xi32>
    %add3A_578 = arith.constant 6 : i32
    %add3A_579 = vector.broadcast %add3A_578 : i32 to vector<16xi32>
    %add3A_580 = arith.addi %mul3A_577, %add3A_579 : vector<16xi32>
    %gather3A_581 = tpu.vector_load_idx %arg6[%add3A_580] : memref<12800xi32, #tpu.memory_space<vmem>>[vector<16xi32>], vector<16xi32>,
    %add3A_582 = arith.constant 1 : i32
    %add3A_583 = vector.broadcast %add3A_582 : i32 to vector<16xi32>
    %add3A_584 = arith.addi %add3A_580, %add3A_583 : vector<16xi32>
    %gather3A_585 = tpu.vector_load_idx %arg6[%add3A_584] : memref<12800xi32, #tpu.memory_space<vmem>>[vector<16xi32>], vector<16xi32>,
    %swap3A_586 = arith.constant 3 : i32
    %swap3A_587 = arith.index_cast %swap3A_586 : i32 to index
    %swap3A_588 = arith.constant 0 : index
    %swap3A_589 = tpu.vector_load %arg7[%swap3A_587, %swap3A_588] {strides = array<i32>} : memref<50x128xi32, #tpu.memory_space<vmem>>, vector<16xi32>,
    tpu.vector_store %arg7[%swap3A_587, %swap3A_588], %gather3A_585 {strides = array<i32>} : memref<50x128xi32, #tpu.memory_space<vmem>>, vector<16xi32>,
    %swap3A_590 = arith.constant 3 : i32
    %swap3A_591 = arith.index_cast %swap3A_590 : i32 to index
    %swap3A_592 = arith.constant 0 : index
    %swap3A_593 = tpu.vector_load %arg8[%swap3A_591, %swap3A_592] {strides = array<i32>} : memref<50x128xi32, #tpu.memory_space<vmem>>, vector<16xi32>,
    tpu.vector_store %arg8[%swap3A_591, %swap3A_592], %gather3A_581 {strides = array<i32>} : memref<50x128xi32, #tpu.memory_space<vmem>>, vector<16xi32>,
    %add3A_594 = arith.constant 16 : i32
    %add3A_595 = vector.broadcast %add3A_594 : i32 to vector<16xi32>
    %add3A_596 = arith.addi %add3A_595, %iota3A : vector<16xi32>
    %mul3A_597 = arith.constant 100 : i32
    %mul3A_598 = vector.broadcast %mul3A_597 : i32 to vector<16xi32>
    %mul3A_599 = arith.muli %add3A_596, %mul3A_598 : vector<16xi32>
    %add3A_600 = arith.constant 6 : i32
    %add3A_601 = vector.broadcast %add3A_600 : i32 to vector<16xi32>
    %add3A_602 = arith.addi %mul3A_599, %add3A_601 : vector<16xi32>
    %gather3A_603 = tpu.vector_load_idx %arg6[%add3A_602] : memref<12800xi32, #tpu.memory_space<vmem>>[vector<16xi32>], vector<16xi32>,
    %add3A_604 = arith.constant 1 : i32
    %add3A_605 = vector.broadcast %add3A_604 : i32 to vector<16xi32>
    %add3A_606 = arith.addi %add3A_602, %add3A_605 : vector<16xi32>
    %gather3A_607 = tpu.vector_load_idx %arg6[%add3A_606] : memref<12800xi32, #tpu.memory_space<vmem>>[vector<16xi32>], vector<16xi32>,
    %swap3A_608 = arith.constant 3 : i32
    %swap3A_609 = arith.index_cast %swap3A_608 : i32 to index
    %swap3A_610 = arith.constant 16 : index
    %swap3A_611 = tpu.vector_load %arg7[%swap3A_609, %swap3A_610] {strides = array<i32>} : memref<50x128xi32, #tpu.memory_space<vmem>>, vector<16xi32>,
    tpu.vector_store %arg7[%swap3A_609, %swap3A_610], %gather3A_607 {strides = array<i32>} : memref<50x128xi32, #tpu.memory_space<vmem>>, vector<16xi32>,
    %swap3A_612 = arith.constant 3 : i32
    %swap3A_613 = arith.index_cast %swap3A_612 : i32 to index
    %swap3A_614 = arith.constant 16 : index
    %swap3A_615 = tpu.vector_load %arg8[%swap3A_613, %swap3A_614] {strides = array<i32>} : memref<50x128xi32, #tpu.memory_space<vmem>>, vector<16xi32>,
    tpu.vector_store %arg8[%swap3A_613, %swap3A_614], %gather3A_603 {strides = array<i32>} : memref<50x128xi32, #tpu.memory_space<vmem>>, vector<16xi32>,
    %add3A_616 = arith.constant 32 : i32
    %add3A_617 = vector.broadcast %add3A_616 : i32 to vector<16xi32>
    %add3A_618 = arith.addi %add3A_617, %iota3A : vector<16xi32>
    %mul3A_619 = arith.constant 100 : i32
    %mul3A_620 = vector.broadcast %mul3A_619 : i32 to vector<16xi32>
    %mul3A_621 = arith.muli %add3A_618, %mul3A_620 : vector<16xi32>
    %add3A_622 = arith.constant 6 : i32
    %add3A_623 = vector.broadcast %add3A_622 : i32 to vector<16xi32>
    %add3A_624 = arith.addi %mul3A_621, %add3A_623 : vector<16xi32>
    %gather3A_625 = tpu.vector_load_idx %arg6[%add3A_624] : memref<12800xi32, #tpu.memory_space<vmem>>[vector<16xi32>], vector<16xi32>,
    %add3A_626 = arith.constant 1 : i32
    %add3A_627 = vector.broadcast %add3A_626 : i32 to vector<16xi32>
    %add3A_628 = arith.addi %add3A_624, %add3A_627 : vector<16xi32>
    %gather3A_629 = tpu.vector_load_idx %arg6[%add3A_628] : memref<12800xi32, #tpu.memory_space<vmem>>[vector<16xi32>], vector<16xi32>,
    %swap3A_630 = arith.constant 3 : i32
    %swap3A_631 = arith.index_cast %swap3A_630 : i32 to index
    %swap3A_632 = arith.constant 32 : index
    %swap3A_633 = tpu.vector_load %arg7[%swap3A_631, %swap3A_632] {strides = array<i32>} : memref<50x128xi32, #tpu.memory_space<vmem>>, vector<16xi32>,
    tpu.vector_store %arg7[%swap3A_631, %swap3A_632], %gather3A_629 {strides = array<i32>} : memref<50x128xi32, #tpu.memory_space<vmem>>, vector<16xi32>,
    %swap3A_634 = arith.constant 3 : i32
    %swap3A_635 = arith.index_cast %swap3A_634 : i32 to index
    %swap3A_636 = arith.constant 32 : index
    %swap3A_637 = tpu.vector_load %arg8[%swap3A_635, %swap3A_636] {strides = array<i32>} : memref<50x128xi32, #tpu.memory_space<vmem>>, vector<16xi32>,
    tpu.vector_store %arg8[%swap3A_635, %swap3A_636], %gather3A_625 {strides = array<i32>} : memref<50x128xi32, #tpu.memory_space<vmem>>, vector<16xi32>,
    %add3A_638 = arith.constant 48 : i32
    %add3A_639 = vector.broadcast %add3A_638 : i32 to vector<16xi32>
    %add3A_640 = arith.addi %add3A_639, %iota3A : vector<16xi32>
    %mul3A_641 = arith.constant 100 : i32
    %mul3A_642 = vector.broadcast %mul3A_641 : i32 to vector<16xi32>
    %mul3A_643 = arith.muli %add3A_640, %mul3A_642 : vector<16xi32>
    %add3A_644 = arith.constant 6 : i32
    %add3A_645 = vector.broadcast %add3A_644 : i32 to vector<16xi32>
    %add3A_646 = arith.addi %mul3A_643, %add3A_645 : vector<16xi32>
    %gather3A_647 = tpu.vector_load_idx %arg6[%add3A_646] : memref<12800xi32, #tpu.memory_space<vmem>>[vector<16xi32>], vector<16xi32>,
    %add3A_648 = arith.constant 1 : i32
    %add3A_649 = vector.broadcast %add3A_648 : i32 to vector<16xi32>
    %add3A_650 = arith.addi %add3A_646, %add3A_649 : vector<16xi32>
    %gather3A_651 = tpu.vector_load_idx %arg6[%add3A_650] : memref<12800xi32, #tpu.memory_space<vmem>>[vector<16xi32>], vector<16xi32>,
    %swap3A_652 = arith.constant 3 : i32
    %swap3A_653 = arith.index_cast %swap3A_652 : i32 to index
    %swap3A_654 = arith.constant 48 : index
    %swap3A_655 = tpu.vector_load %arg7[%swap3A_653, %swap3A_654] {strides = array<i32>} : memref<50x128xi32, #tpu.memory_space<vmem>>, vector<16xi32>,
    tpu.vector_store %arg7[%swap3A_653, %swap3A_654], %gather3A_651 {strides = array<i32>} : memref<50x128xi32, #tpu.memory_space<vmem>>, vector<16xi32>,
    %swap3A_656 = arith.constant 3 : i32
    %swap3A_657 = arith.index_cast %swap3A_656 : i32 to index
    %swap3A_658 = arith.constant 48 : index
    %swap3A_659 = tpu.vector_load %arg8[%swap3A_657, %swap3A_658] {strides = array<i32>} : memref<50x128xi32, #tpu.memory_space<vmem>>, vector<16xi32>,
    tpu.vector_store %arg8[%swap3A_657, %swap3A_658], %gather3A_647 {strides = array<i32>} : memref<50x128xi32, #tpu.memory_space<vmem>>, vector<16xi32>,
    %add3A_660 = arith.constant 64 : i32
    %add3A_661 = vector.broadcast %add3A_660 : i32 to vector<16xi32>
    %add3A_662 = arith.addi %add3A_661, %iota3A : vector<16xi32>
    %mul3A_663 = arith.constant 100 : i32
    %mul3A_664 = vector.broadcast %mul3A_663 : i32 to vector<16xi32>
    %mul3A_665 = arith.muli %add3A_662, %mul3A_664 : vector<16xi32>
    %add3A_666 = arith.constant 6 : i32
    %add3A_667 = vector.broadcast %add3A_666 : i32 to vector<16xi32>
    %add3A_668 = arith.addi %mul3A_665, %add3A_667 : vector<16xi32>
    %gather3A_669 = tpu.vector_load_idx %arg6[%add3A_668] : memref<12800xi32, #tpu.memory_space<vmem>>[vector<16xi32>], vector<16xi32>,
    %add3A_670 = arith.constant 1 : i32
    %add3A_671 = vector.broadcast %add3A_670 : i32 to vector<16xi32>
    %add3A_672 = arith.addi %add3A_668, %add3A_671 : vector<16xi32>
    %gather3A_673 = tpu.vector_load_idx %arg6[%add3A_672] : memref<12800xi32, #tpu.memory_space<vmem>>[vector<16xi32>], vector<16xi32>,
    %swap3A_674 = arith.constant 3 : i32
    %swap3A_675 = arith.index_cast %swap3A_674 : i32 to index
    %swap3A_676 = arith.constant 64 : index
    %swap3A_677 = tpu.vector_load %arg7[%swap3A_675, %swap3A_676] {strides = array<i32>} : memref<50x128xi32, #tpu.memory_space<vmem>>, vector<16xi32>,
    tpu.vector_store %arg7[%swap3A_675, %swap3A_676], %gather3A_673 {strides = array<i32>} : memref<50x128xi32, #tpu.memory_space<vmem>>, vector<16xi32>,
    %swap3A_678 = arith.constant 3 : i32
    %swap3A_679 = arith.index_cast %swap3A_678 : i32 to index
    %swap3A_680 = arith.constant 64 : index
    %swap3A_681 = tpu.vector_load %arg8[%swap3A_679, %swap3A_680] {strides = array<i32>} : memref<50x128xi32, #tpu.memory_space<vmem>>, vector<16xi32>,
    tpu.vector_store %arg8[%swap3A_679, %swap3A_680], %gather3A_669 {strides = array<i32>} : memref<50x128xi32, #tpu.memory_space<vmem>>, vector<16xi32>,
    %add3A_682 = arith.constant 80 : i32
    %add3A_683 = vector.broadcast %add3A_682 : i32 to vector<16xi32>
    %add3A_684 = arith.addi %add3A_683, %iota3A : vector<16xi32>
    %mul3A_685 = arith.constant 100 : i32
    %mul3A_686 = vector.broadcast %mul3A_685 : i32 to vector<16xi32>
    %mul3A_687 = arith.muli %add3A_684, %mul3A_686 : vector<16xi32>
    %add3A_688 = arith.constant 6 : i32
    %add3A_689 = vector.broadcast %add3A_688 : i32 to vector<16xi32>
    %add3A_690 = arith.addi %mul3A_687, %add3A_689 : vector<16xi32>
    %gather3A_691 = tpu.vector_load_idx %arg6[%add3A_690] : memref<12800xi32, #tpu.memory_space<vmem>>[vector<16xi32>], vector<16xi32>,
    %add3A_692 = arith.constant 1 : i32
    %add3A_693 = vector.broadcast %add3A_692 : i32 to vector<16xi32>
    %add3A_694 = arith.addi %add3A_690, %add3A_693 : vector<16xi32>
    %gather3A_695 = tpu.vector_load_idx %arg6[%add3A_694] : memref<12800xi32, #tpu.memory_space<vmem>>[vector<16xi32>], vector<16xi32>,
    %swap3A_696 = arith.constant 3 : i32
    %swap3A_697 = arith.index_cast %swap3A_696 : i32 to index
    %swap3A_698 = arith.constant 80 : index
    %swap3A_699 = tpu.vector_load %arg7[%swap3A_697, %swap3A_698] {strides = array<i32>} : memref<50x128xi32, #tpu.memory_space<vmem>>, vector<16xi32>,
    tpu.vector_store %arg7[%swap3A_697, %swap3A_698], %gather3A_695 {strides = array<i32>} : memref<50x128xi32, #tpu.memory_space<vmem>>, vector<16xi32>,
    %swap3A_700 = arith.constant 3 : i32
    %swap3A_701 = arith.index_cast %swap3A_700 : i32 to index
    %swap3A_702 = arith.constant 80 : index
    %swap3A_703 = tpu.vector_load %arg8[%swap3A_701, %swap3A_702] {strides = array<i32>} : memref<50x128xi32, #tpu.memory_space<vmem>>, vector<16xi32>,
    tpu.vector_store %arg8[%swap3A_701, %swap3A_702], %gather3A_691 {strides = array<i32>} : memref<50x128xi32, #tpu.memory_space<vmem>>, vector<16xi32>,
    %add3A_704 = arith.constant 96 : i32
    %add3A_705 = vector.broadcast %add3A_704 : i32 to vector<16xi32>
    %add3A_706 = arith.addi %add3A_705, %iota3A : vector<16xi32>
    %mul3A_707 = arith.constant 100 : i32
    %mul3A_708 = vector.broadcast %mul3A_707 : i32 to vector<16xi32>
    %mul3A_709 = arith.muli %add3A_706, %mul3A_708 : vector<16xi32>
    %add3A_710 = arith.constant 6 : i32
    %add3A_711 = vector.broadcast %add3A_710 : i32 to vector<16xi32>
    %add3A_712 = arith.addi %mul3A_709, %add3A_711 : vector<16xi32>
    %gather3A_713 = tpu.vector_load_idx %arg6[%add3A_712] : memref<12800xi32, #tpu.memory_space<vmem>>[vector<16xi32>], vector<16xi32>,
    %add3A_714 = arith.constant 1 : i32
    %add3A_715 = vector.broadcast %add3A_714 : i32 to vector<16xi32>
    %add3A_716 = arith.addi %add3A_712, %add3A_715 : vector<16xi32>
    %gather3A_717 = tpu.vector_load_idx %arg6[%add3A_716] : memref<12800xi32, #tpu.memory_space<vmem>>[vector<16xi32>], vector<16xi32>,
    %swap3A_718 = arith.constant 3 : i32
    %swap3A_719 = arith.index_cast %swap3A_718 : i32 to index
    %swap3A_720 = arith.constant 96 : index
    %swap3A_721 = tpu.vector_load %arg7[%swap3A_719, %swap3A_720] {strides = array<i32>} : memref<50x128xi32, #tpu.memory_space<vmem>>, vector<16xi32>,
    tpu.vector_store %arg7[%swap3A_719, %swap3A_720], %gather3A_717 {strides = array<i32>} : memref<50x128xi32, #tpu.memory_space<vmem>>, vector<16xi32>,
    %swap3A_722 = arith.constant 3 : i32
    %swap3A_723 = arith.index_cast %swap3A_722 : i32 to index
    %swap3A_724 = arith.constant 96 : index
    %swap3A_725 = tpu.vector_load %arg8[%swap3A_723, %swap3A_724] {strides = array<i32>} : memref<50x128xi32, #tpu.memory_space<vmem>>, vector<16xi32>,
    tpu.vector_store %arg8[%swap3A_723, %swap3A_724], %gather3A_713 {strides = array<i32>} : memref<50x128xi32, #tpu.memory_space<vmem>>, vector<16xi32>,
    %add3A_726 = arith.constant 112 : i32
    %add3A_727 = vector.broadcast %add3A_726 : i32 to vector<16xi32>
    %add3A_728 = arith.addi %add3A_727, %iota3A : vector<16xi32>
    %mul3A_729 = arith.constant 100 : i32
    %mul3A_730 = vector.broadcast %mul3A_729 : i32 to vector<16xi32>
    %mul3A_731 = arith.muli %add3A_728, %mul3A_730 : vector<16xi32>
    %add3A_732 = arith.constant 6 : i32
    %add3A_733 = vector.broadcast %add3A_732 : i32 to vector<16xi32>
    %add3A_734 = arith.addi %mul3A_731, %add3A_733 : vector<16xi32>
    %gather3A_735 = tpu.vector_load_idx %arg6[%add3A_734] : memref<12800xi32, #tpu.memory_space<vmem>>[vector<16xi32>], vector<16xi32>,
    %add3A_736 = arith.constant 1 : i32
    %add3A_737 = vector.broadcast %add3A_736 : i32 to vector<16xi32>
    %add3A_738 = arith.addi %add3A_734, %add3A_737 : vector<16xi32>
    %gather3A_739 = tpu.vector_load_idx %arg6[%add3A_738] : memref<12800xi32, #tpu.memory_space<vmem>>[vector<16xi32>], vector<16xi32>,
    %swap3A_740 = arith.constant 3 : i32
    %swap3A_741 = arith.index_cast %swap3A_740 : i32 to index
    %swap3A_742 = arith.constant 112 : index
    %swap3A_743 = tpu.vector_load %arg7[%swap3A_741, %swap3A_742] {strides = array<i32>} : memref<50x128xi32, #tpu.memory_space<vmem>>, vector<16xi32>,
    tpu.vector_store %arg7[%swap3A_741, %swap3A_742], %gather3A_739 {strides = array<i32>} : memref<50x128xi32, #tpu.memory_space<vmem>>, vector<16xi32>,
    %swap3A_744 = arith.constant 3 : i32
    %swap3A_745 = arith.index_cast %swap3A_744 : i32 to index
    %swap3A_746 = arith.constant 112 : index
    %swap3A_747 = tpu.vector_load %arg8[%swap3A_745, %swap3A_746] {strides = array<i32>} : memref<50x128xi32, #tpu.memory_space<vmem>>, vector<16xi32>,
    tpu.vector_store %arg8[%swap3A_745, %swap3A_746], %gather3A_735 {strides = array<i32>} : memref<50x128xi32, #tpu.memory_space<vmem>>, vector<16xi32>,
    %dma_start3A_748 = arith.constant 3 : i32
    %dma_start3A_749 = arith.constant 0 : i32
    %dma_start3A_750 = tpu.memref_slice %arg7[%dma_start3A_748, %dma_start3A_749] : memref<50x128xi32, #tpu.memory_space<vmem>> -> memref<1x128xi32, #tpu.memory_space<vmem>>
    %dma_start3A_751 = tpu.memref_squeeze %dma_start3A_750 : memref<1x128xi32, #tpu.memory_space<vmem>> -> memref<128xi32, #tpu.memory_space<vmem>>
    %dma_start3A_752 = arith.constant 0 : i32
    %dma_start3A_753 = arith.constant 0 : i32
    %dma_start3A_754 = tpu.memref_slice %arg4[%dma_start3A_752, %dma_start3A_753] : memref<1440x64xf32, #tpu.memory_space<hbm>> -> memref<1440x64xf32, #tpu.memory_space<hbm>>
    tpu.enqueue_indirect_dma source(%dma_start3A_754 : memref<1440x64xf32, #tpu.memory_space<hbm>>) target(%arg15 : memref<128x64xf32, #tpu.memory_space<vmem>>) offsets(%dma_start3A_751 : memref<128xi32, #tpu.memory_space<vmem>>) semaphore(%arg19 : memref<!tpu.dma_semaphore, #tpu.memory_space<semaphore_mem>>)
    %dma_start3A_755 = arith.constant 3 : i32
    %dma_start3A_756 = arith.constant 0 : i32
    %dma_start3A_757 = tpu.memref_slice %arg8[%dma_start3A_755, %dma_start3A_756] : memref<50x128xi32, #tpu.memory_space<vmem>> -> memref<1x128xi32, #tpu.memory_space<vmem>>
    %dma_start3A_758 = tpu.memref_squeeze %dma_start3A_757 : memref<1x128xi32, #tpu.memory_space<vmem>> -> memref<128xi32, #tpu.memory_space<vmem>>
    %dma_start3A_759 = arith.constant 0 : i32
    %dma_start3A_760 = arith.constant 0 : i32
    %dma_start3A_761 = tpu.memref_slice %arg3[%dma_start3A_759, %dma_start3A_760] : memref<366x64xf32, #tpu.memory_space<hbm>> -> memref<366x64xf32, #tpu.memory_space<hbm>>
    tpu.enqueue_indirect_dma source(%dma_start3A_761 : memref<366x64xf32, #tpu.memory_space<hbm>>) target(%arg16 : memref<128x64xf32, #tpu.memory_space<vmem>>) offsets(%dma_start3A_758 : memref<128xi32, #tpu.memory_space<vmem>>) semaphore(%arg19 : memref<!tpu.dma_semaphore, #tpu.memory_space<semaphore_mem>>)
    %scan3A = arith.constant 0 : i32
    %scan3A_762 = arith.constant 10 : i32
    %scan3A_763 = arith.addi %scan3A, %scan3A_762 : i32
    %scan3A_764 = arith.constant 1 : i32
    scf.for %scan3A_779 = %scan3A to %scan3A_763 step %scan3A_764  : i32 {
      %mul3A_780 = arith.constant 5 : i32
      %mul3A_781 = arith.muli %scan3A_779, %mul3A_780 : i32
      %add3A_782 = arith.constant 0 : i32
      %add3A_783 = arith.addi %mul3A_781, %add3A_782 : i32
      %dma_wait3A_784 = arith.constant 0 : i32
      %dma_wait3A_785 = arith.constant 0 : i32
      %dma_wait3A_786 = tpu.memref_slice %arg7[%dma_wait3A_784, %dma_wait3A_785] : memref<50x128xi32, #tpu.memory_space<vmem>> -> memref<1x128xi32, #tpu.memory_space<vmem>>
      %dma_wait3A_787 = tpu.memref_squeeze %dma_wait3A_786 : memref<1x128xi32, #tpu.memory_space<vmem>> -> memref<128xi32, #tpu.memory_space<vmem>>
      %dma_wait3A_788 = arith.constant 0 : i32
      %dma_wait3A_789 = arith.constant 0 : i32
      %dma_wait3A_790 = tpu.memref_slice %arg4[%dma_wait3A_788, %dma_wait3A_789] : memref<1440x64xf32, #tpu.memory_space<hbm>> -> memref<1440x64xf32, #tpu.memory_space<hbm>>
      tpu.wait_indirect_dma semaphore(%arg19 : memref<!tpu.dma_semaphore, #tpu.memory_space<semaphore_mem>>) src(%dma_wait3A_790 : memref<1440x64xf32, #tpu.memory_space<hbm>>) dst(%arg9 : memref<128x64xf32, #tpu.memory_space<vmem>>)
      %dma_wait3A_791 = arith.constant 0 : i32
      %dma_wait3A_792 = arith.constant 0 : i32
      %dma_wait3A_793 = tpu.memref_slice %arg8[%dma_wait3A_791, %dma_wait3A_792] : memref<50x128xi32, #tpu.memory_space<vmem>> -> memref<1x128xi32, #tpu.memory_space<vmem>>
      %dma_wait3A_794 = tpu.memref_squeeze %dma_wait3A_793 : memref<1x128xi32, #tpu.memory_space<vmem>> -> memref<128xi32, #tpu.memory_space<vmem>>
      %dma_wait3A_795 = arith.constant 0 : i32
      %dma_wait3A_796 = arith.constant 0 : i32
      %dma_wait3A_797 = tpu.memref_slice %arg3[%dma_wait3A_795, %dma_wait3A_796] : memref<366x64xf32, #tpu.memory_space<hbm>> -> memref<366x64xf32, #tpu.memory_space<hbm>>
      tpu.wait_indirect_dma semaphore(%arg19 : memref<!tpu.dma_semaphore, #tpu.memory_space<semaphore_mem>>) src(%dma_wait3A_797 : memref<366x64xf32, #tpu.memory_space<hbm>>) dst(%arg10 : memref<128x64xf32, #tpu.memory_space<vmem>>)
      %gt3A = arith.constant 0 : i32
      %gt3A_798 = arith.cmpi sgt, %add3A_783, %gt3A : i32
      %convert_element_type3A = arith.extui %gt3A_798 : i1 to i32
      %cond3A = arith.constant 0 : i32
      %cond3A_799 = arith.cmpi ne, %convert_element_type3A, %cond3A : i32
      scf.if %cond3A_799 {
        %sub3A = arith.constant 1 : i32
        %sub3A_986 = arith.subi %add3A_783, %sub3A : i32
        %dma_wait3A_987 = arith.constant 0 : i32
        %dma_wait3A_988 = tpu.memref_slice %arg5[%sub3A_986, %mul3A_2, %dma_wait3A_987] : memref<50x4096x128xf32, #tpu.memory_space<hbm>> -> memref<1x128x64xf32, #tpu.memory_space<hbm>>
        %dma_wait3A_989 = tpu.memref_squeeze %dma_wait3A_988 : memref<1x128x64xf32, #tpu.memory_space<hbm>> -> memref<128x64xf32, #tpu.memory_space<hbm>>
        %dma_wait3A_990 = arith.constant 0 : i32
        %dma_wait3A_991 = tpu.memref_slice %arg5[%sub3A_986, %mul3A_2, %dma_wait3A_990] : memref<50x4096x128xf32, #tpu.memory_space<hbm>> -> memref<1x128x64xf32, #tpu.memory_space<hbm>>
        %dma_wait3A_992 = tpu.memref_squeeze %dma_wait3A_991 : memref<1x128x64xf32, #tpu.memory_space<hbm>> -> memref<128x64xf32, #tpu.memory_space<hbm>>
        tpu.wait_dma2 semaphore(%arg20 : memref<!tpu.dma_semaphore, #tpu.memory_space<semaphore_mem>>) src(%arg17 : memref<128x64xf32, #tpu.memory_space<vmem>>) dst(%dma_wait3A_992 : memref<128x64xf32, #tpu.memory_space<hbm>>)
        %sub3A_993 = arith.constant 1 : i32
        %sub3A_994 = arith.subi %add3A_783, %sub3A_993 : i32
        %dma_wait3A_995 = arith.constant 64 : i32
        %dma_wait3A_996 = tpu.memref_slice %arg5[%sub3A_994, %mul3A_2, %dma_wait3A_995] : memref<50x4096x128xf32, #tpu.memory_space<hbm>> -> memref<1x128x64xf32, #tpu.memory_space<hbm>>
        %dma_wait3A_997 = tpu.memref_squeeze %dma_wait3A_996 : memref<1x128x64xf32, #tpu.memory_space<hbm>> -> memref<128x64xf32, #tpu.memory_space<hbm>>
        %dma_wait3A_998 = arith.constant 64 : i32
        %dma_wait3A_999 = tpu.memref_slice %arg5[%sub3A_994, %mul3A_2, %dma_wait3A_998] : memref<50x4096x128xf32, #tpu.memory_space<hbm>> -> memref<1x128x64xf32, #tpu.memory_space<hbm>>
        %dma_wait3A_1000 = tpu.memref_squeeze %dma_wait3A_999 : memref<1x128x64xf32, #tpu.memory_space<hbm>> -> memref<128x64xf32, #tpu.memory_space<hbm>>
        tpu.wait_dma2 semaphore(%arg20 : memref<!tpu.dma_semaphore, #tpu.memory_space<semaphore_mem>>) src(%arg18 : memref<128x64xf32, #tpu.memory_space<vmem>>) dst(%dma_wait3A_1000 : memref<128x64xf32, #tpu.memory_space<hbm>>)
      } else {
      }
      %dma_start3A_800 = arith.constant 0 : i32
      %dma_start3A_801 = tpu.memref_slice %arg5[%add3A_783, %mul3A_2, %dma_start3A_800] : memref<50x4096x128xf32, #tpu.memory_space<hbm>> -> memref<1x128x64xf32, #tpu.memory_space<hbm>>
      %dma_start3A_802 = tpu.memref_squeeze %dma_start3A_801 : memref<1x128x64xf32, #tpu.memory_space<hbm>> -> memref<128x64xf32, #tpu.memory_space<hbm>>
      %dma_start3A_803 = arith.constant 0 : i32
      %dma_start3A_804 = tpu.memref_slice %arg5[%add3A_783, %mul3A_2, %dma_start3A_803] : memref<50x4096x128xf32, #tpu.memory_space<hbm>> -> memref<1x128x64xf32, #tpu.memory_space<hbm>>
      %dma_start3A_805 = tpu.memref_squeeze %dma_start3A_804 : memref<1x128x64xf32, #tpu.memory_space<hbm>> -> memref<128x64xf32, #tpu.memory_space<hbm>>
      tpu.enqueue_dma source(%arg9 : memref<128x64xf32, #tpu.memory_space<vmem>>) target(%dma_start3A_805 : memref<128x64xf32, #tpu.memory_space<hbm>>) target_semaphore(%arg20 : memref<!tpu.dma_semaphore, #tpu.memory_space<semaphore_mem>>)
      %dma_start3A_806 = arith.constant 64 : i32
      %dma_start3A_807 = tpu.memref_slice %arg5[%add3A_783, %mul3A_2, %dma_start3A_806] : memref<50x4096x128xf32, #tpu.memory_space<hbm>> -> memref<1x128x64xf32, #tpu.memory_space<hbm>>
      %dma_start3A_808 = tpu.memref_squeeze %dma_start3A_807 : memref<1x128x64xf32, #tpu.memory_space<hbm>> -> memref<128x64xf32, #tpu.memory_space<hbm>>
      %dma_start3A_809 = arith.constant 64 : i32
      %dma_start3A_810 = tpu.memref_slice %arg5[%add3A_783, %mul3A_2, %dma_start3A_809] : memref<50x4096x128xf32, #tpu.memory_space<hbm>> -> memref<1x128x64xf32, #tpu.memory_space<hbm>>
      %dma_start3A_811 = tpu.memref_squeeze %dma_start3A_810 : memref<1x128x64xf32, #tpu.memory_space<hbm>> -> memref<128x64xf32, #tpu.memory_space<hbm>>
      tpu.enqueue_dma source(%arg10 : memref<128x64xf32, #tpu.memory_space<vmem>>) target(%dma_start3A_811 : memref<128x64xf32, #tpu.memory_space<hbm>>) target_semaphore(%arg20 : memref<!tpu.dma_semaphore, #tpu.memory_space<semaphore_mem>>)
      %add3A_812 = arith.constant 4 : i32
      %add3A_813 = arith.addi %add3A_783, %add3A_812 : i32
      %lt3A = arith.constant 50 : i32
      %lt3A_814 = arith.cmpi slt, %add3A_813, %lt3A : i32
      %convert_element_type3A_815 = arith.extui %lt3A_814 : i1 to i32
      %cond3A_816 = arith.constant 0 : i32
      %cond3A_817 = arith.cmpi ne, %convert_element_type3A_815, %cond3A_816 : i32
      scf.if %cond3A_817 {
        %add3A_986 = arith.constant 4 : i32
        %add3A_987 = arith.addi %add3A_783, %add3A_986 : i32
        %add3A_988 = arith.constant 0 : i32
        %add3A_989 = vector.broadcast %add3A_988 : i32 to vector<16xi32>
        %add3A_990 = arith.addi %add3A_989, %iota3A : vector<16xi32>
        %mul3A_991 = arith.constant 100 : i32
        %mul3A_992 = vector.broadcast %mul3A_991 : i32 to vector<16xi32>
        %mul3A_993 = arith.muli %add3A_990, %mul3A_992 : vector<16xi32>
        %mul3A_994 = arith.constant 2 : i32
        %mul3A_995 = arith.muli %mul3A_994, %add3A_987 : i32
        %add3A_996 = vector.broadcast %mul3A_995 : i32 to vector<16xi32>
        %add3A_997 = arith.addi %mul3A_993, %add3A_996 : vector<16xi32>
        %gather3A_998 = tpu.vector_load_idx %arg6[%add3A_997] : memref<12800xi32, #tpu.memory_space<vmem>>[vector<16xi32>], vector<16xi32>,
        %add3A_999 = arith.constant 1 : i32
        %add3A_1000 = vector.broadcast %add3A_999 : i32 to vector<16xi32>
        %add3A_1001 = arith.addi %add3A_997, %add3A_1000 : vector<16xi32>
        %gather3A_1002 = tpu.vector_load_idx %arg6[%add3A_1001] : memref<12800xi32, #tpu.memory_space<vmem>>[vector<16xi32>], vector<16xi32>,
        %swap3A_1003 = arith.index_cast %add3A_987 : i32 to index
        %swap3A_1004 = arith.constant 0 : index
        %swap3A_1005 = tpu.vector_load %arg7[%swap3A_1003, %swap3A_1004] {strides = array<i32>} : memref<50x128xi32, #tpu.memory_space<vmem>>, vector<16xi32>,
        tpu.vector_store %arg7[%swap3A_1003, %swap3A_1004], %gather3A_1002 {strides = array<i32>} : memref<50x128xi32, #tpu.memory_space<vmem>>, vector<16xi32>,
        %swap3A_1006 = arith.index_cast %add3A_987 : i32 to index
        %swap3A_1007 = arith.constant 0 : index
        %swap3A_1008 = tpu.vector_load %arg8[%swap3A_1006, %swap3A_1007] {strides = array<i32>} : memref<50x128xi32, #tpu.memory_space<vmem>>, vector<16xi32>,
        tpu.vector_store %arg8[%swap3A_1006, %swap3A_1007], %gather3A_998 {strides = array<i32>} : memref<50x128xi32, #tpu.memory_space<vmem>>, vector<16xi32>,
        %add3A_1009 = arith.constant 16 : i32
        %add3A_1010 = vector.broadcast %add3A_1009 : i32 to vector<16xi32>
        %add3A_1011 = arith.addi %add3A_1010, %iota3A : vector<16xi32>
        %mul3A_1012 = arith.constant 100 : i32
        %mul3A_1013 = vector.broadcast %mul3A_1012 : i32 to vector<16xi32>
        %mul3A_1014 = arith.muli %add3A_1011, %mul3A_1013 : vector<16xi32>
        %mul3A_1015 = arith.constant 2 : i32
        %mul3A_1016 = arith.muli %mul3A_1015, %add3A_987 : i32
        %add3A_1017 = vector.broadcast %mul3A_1016 : i32 to vector<16xi32>
        %add3A_1018 = arith.addi %mul3A_1014, %add3A_1017 : vector<16xi32>
        %gather3A_1019 = tpu.vector_load_idx %arg6[%add3A_1018] : memref<12800xi32, #tpu.memory_space<vmem>>[vector<16xi32>], vector<16xi32>,
        %add3A_1020 = arith.constant 1 : i32
        %add3A_1021 = vector.broadcast %add3A_1020 : i32 to vector<16xi32>
        %add3A_1022 = arith.addi %add3A_1018, %add3A_1021 : vector<16xi32>
        %gather3A_1023 = tpu.vector_load_idx %arg6[%add3A_1022] : memref<12800xi32, #tpu.memory_space<vmem>>[vector<16xi32>], vector<16xi32>,
        %swap3A_1024 = arith.index_cast %add3A_987 : i32 to index
        %swap3A_1025 = arith.constant 16 : index
        %swap3A_1026 = tpu.vector_load %arg7[%swap3A_1024, %swap3A_1025] {strides = array<i32>} : memref<50x128xi32, #tpu.memory_space<vmem>>, vector<16xi32>,
        tpu.vector_store %arg7[%swap3A_1024, %swap3A_1025], %gather3A_1023 {strides = array<i32>} : memref<50x128xi32, #tpu.memory_space<vmem>>, vector<16xi32>,
        %swap3A_1027 = arith.index_cast %add3A_987 : i32 to index
        %swap3A_1028 = arith.constant 16 : index
        %swap3A_1029 = tpu.vector_load %arg8[%swap3A_1027, %swap3A_1028] {strides = array<i32>} : memref<50x128xi32, #tpu.memory_space<vmem>>, vector<16xi32>,
        tpu.vector_store %arg8[%swap3A_1027, %swap3A_1028], %gather3A_1019 {strides = array<i32>} : memref<50x128xi32, #tpu.memory_space<vmem>>, vector<16xi32>,
        %add3A_1030 = arith.constant 32 : i32
        %add3A_1031 = vector.broadcast %add3A_1030 : i32 to vector<16xi32>
        %add3A_1032 = arith.addi %add3A_1031, %iota3A : vector<16xi32>
        %mul3A_1033 = arith.constant 100 : i32
        %mul3A_1034 = vector.broadcast %mul3A_1033 : i32 to vector<16xi32>
        %mul3A_1035 = arith.muli %add3A_1032, %mul3A_1034 : vector<16xi32>
        %mul3A_1036 = arith.constant 2 : i32
        %mul3A_1037 = arith.muli %mul3A_1036, %add3A_987 : i32
        %add3A_1038 = vector.broadcast %mul3A_1037 : i32 to vector<16xi32>
        %add3A_1039 = arith.addi %mul3A_1035, %add3A_1038 : vector<16xi32>
        %gather3A_1040 = tpu.vector_load_idx %arg6[%add3A_1039] : memref<12800xi32, #tpu.memory_space<vmem>>[vector<16xi32>], vector<16xi32>,
        %add3A_1041 = arith.constant 1 : i32
        %add3A_1042 = vector.broadcast %add3A_1041 : i32 to vector<16xi32>
        %add3A_1043 = arith.addi %add3A_1039, %add3A_1042 : vector<16xi32>
        %gather3A_1044 = tpu.vector_load_idx %arg6[%add3A_1043] : memref<12800xi32, #tpu.memory_space<vmem>>[vector<16xi32>], vector<16xi32>,
        %swap3A_1045 = arith.index_cast %add3A_987 : i32 to index
        %swap3A_1046 = arith.constant 32 : index
        %swap3A_1047 = tpu.vector_load %arg7[%swap3A_1045, %swap3A_1046] {strides = array<i32>} : memref<50x128xi32, #tpu.memory_space<vmem>>, vector<16xi32>,
        tpu.vector_store %arg7[%swap3A_1045, %swap3A_1046], %gather3A_1044 {strides = array<i32>} : memref<50x128xi32, #tpu.memory_space<vmem>>, vector<16xi32>,
        %swap3A_1048 = arith.index_cast %add3A_987 : i32 to index
        %swap3A_1049 = arith.constant 32 : index
        %swap3A_1050 = tpu.vector_load %arg8[%swap3A_1048, %swap3A_1049] {strides = array<i32>} : memref<50x128xi32, #tpu.memory_space<vmem>>, vector<16xi32>,
        tpu.vector_store %arg8[%swap3A_1048, %swap3A_1049], %gather3A_1040 {strides = array<i32>} : memref<50x128xi32, #tpu.memory_space<vmem>>, vector<16xi32>,
        %add3A_1051 = arith.constant 48 : i32
        %add3A_1052 = vector.broadcast %add3A_1051 : i32 to vector<16xi32>
        %add3A_1053 = arith.addi %add3A_1052, %iota3A : vector<16xi32>
        %mul3A_1054 = arith.constant 100 : i32
        %mul3A_1055 = vector.broadcast %mul3A_1054 : i32 to vector<16xi32>
        %mul3A_1056 = arith.muli %add3A_1053, %mul3A_1055 : vector<16xi32>
        %mul3A_1057 = arith.constant 2 : i32
        %mul3A_1058 = arith.muli %mul3A_1057, %add3A_987 : i32
        %add3A_1059 = vector.broadcast %mul3A_1058 : i32 to vector<16xi32>
        %add3A_1060 = arith.addi %mul3A_1056, %add3A_1059 : vector<16xi32>
        %gather3A_1061 = tpu.vector_load_idx %arg6[%add3A_1060] : memref<12800xi32, #tpu.memory_space<vmem>>[vector<16xi32>], vector<16xi32>,
        %add3A_1062 = arith.constant 1 : i32
        %add3A_1063 = vector.broadcast %add3A_1062 : i32 to vector<16xi32>
        %add3A_1064 = arith.addi %add3A_1060, %add3A_1063 : vector<16xi32>
        %gather3A_1065 = tpu.vector_load_idx %arg6[%add3A_1064] : memref<12800xi32, #tpu.memory_space<vmem>>[vector<16xi32>], vector<16xi32>,
        %swap3A_1066 = arith.index_cast %add3A_987 : i32 to index
        %swap3A_1067 = arith.constant 48 : index
        %swap3A_1068 = tpu.vector_load %arg7[%swap3A_1066, %swap3A_1067] {strides = array<i32>} : memref<50x128xi32, #tpu.memory_space<vmem>>, vector<16xi32>,
        tpu.vector_store %arg7[%swap3A_1066, %swap3A_1067], %gather3A_1065 {strides = array<i32>} : memref<50x128xi32, #tpu.memory_space<vmem>>, vector<16xi32>,
        %swap3A_1069 = arith.index_cast %add3A_987 : i32 to index
        %swap3A_1070 = arith.constant 48 : index
        %swap3A_1071 = tpu.vector_load %arg8[%swap3A_1069, %swap3A_1070] {strides = array<i32>} : memref<50x128xi32, #tpu.memory_space<vmem>>, vector<16xi32>,
        tpu.vector_store %arg8[%swap3A_1069, %swap3A_1070], %gather3A_1061 {strides = array<i32>} : memref<50x128xi32, #tpu.memory_space<vmem>>, vector<16xi32>,
        %add3A_1072 = arith.constant 64 : i32
        %add3A_1073 = vector.broadcast %add3A_1072 : i32 to vector<16xi32>
        %add3A_1074 = arith.addi %add3A_1073, %iota3A : vector<16xi32>
        %mul3A_1075 = arith.constant 100 : i32
        %mul3A_1076 = vector.broadcast %mul3A_1075 : i32 to vector<16xi32>
        %mul3A_1077 = arith.muli %add3A_1074, %mul3A_1076 : vector<16xi32>
        %mul3A_1078 = arith.constant 2 : i32
        %mul3A_1079 = arith.muli %mul3A_1078, %add3A_987 : i32
        %add3A_1080 = vector.broadcast %mul3A_1079 : i32 to vector<16xi32>
        %add3A_1081 = arith.addi %mul3A_1077, %add3A_1080 : vector<16xi32>
        %gather3A_1082 = tpu.vector_load_idx %arg6[%add3A_1081] : memref<12800xi32, #tpu.memory_space<vmem>>[vector<16xi32>], vector<16xi32>,
        %add3A_1083 = arith.constant 1 : i32
        %add3A_1084 = vector.broadcast %add3A_1083 : i32 to vector<16xi32>
        %add3A_1085 = arith.addi %add3A_1081, %add3A_1084 : vector<16xi32>
        %gather3A_1086 = tpu.vector_load_idx %arg6[%add3A_1085] : memref<12800xi32, #tpu.memory_space<vmem>>[vector<16xi32>], vector<16xi32>,
        %swap3A_1087 = arith.index_cast %add3A_987 : i32 to index
        %swap3A_1088 = arith.constant 64 : index
        %swap3A_1089 = tpu.vector_load %arg7[%swap3A_1087, %swap3A_1088] {strides = array<i32>} : memref<50x128xi32, #tpu.memory_space<vmem>>, vector<16xi32>,
        tpu.vector_store %arg7[%swap3A_1087, %swap3A_1088], %gather3A_1086 {strides = array<i32>} : memref<50x128xi32, #tpu.memory_space<vmem>>, vector<16xi32>,
        %swap3A_1090 = arith.index_cast %add3A_987 : i32 to index
        %swap3A_1091 = arith.constant 64 : index
        %swap3A_1092 = tpu.vector_load %arg8[%swap3A_1090, %swap3A_1091] {strides = array<i32>} : memref<50x128xi32, #tpu.memory_space<vmem>>, vector<16xi32>,
        tpu.vector_store %arg8[%swap3A_1090, %swap3A_1091], %gather3A_1082 {strides = array<i32>} : memref<50x128xi32, #tpu.memory_space<vmem>>, vector<16xi32>,
        %add3A_1093 = arith.constant 80 : i32
        %add3A_1094 = vector.broadcast %add3A_1093 : i32 to vector<16xi32>
        %add3A_1095 = arith.addi %add3A_1094, %iota3A : vector<16xi32>
        %mul3A_1096 = arith.constant 100 : i32
        %mul3A_1097 = vector.broadcast %mul3A_1096 : i32 to vector<16xi32>
        %mul3A_1098 = arith.muli %add3A_1095, %mul3A_1097 : vector<16xi32>
        %mul3A_1099 = arith.constant 2 : i32
        %mul3A_1100 = arith.muli %mul3A_1099, %add3A_987 : i32
        %add3A_1101 = vector.broadcast %mul3A_1100 : i32 to vector<16xi32>
        %add3A_1102 = arith.addi %mul3A_1098, %add3A_1101 : vector<16xi32>
        %gather3A_1103 = tpu.vector_load_idx %arg6[%add3A_1102] : memref<12800xi32, #tpu.memory_space<vmem>>[vector<16xi32>], vector<16xi32>,
        %add3A_1104 = arith.constant 1 : i32
        %add3A_1105 = vector.broadcast %add3A_1104 : i32 to vector<16xi32>
        %add3A_1106 = arith.addi %add3A_1102, %add3A_1105 : vector<16xi32>
        %gather3A_1107 = tpu.vector_load_idx %arg6[%add3A_1106] : memref<12800xi32, #tpu.memory_space<vmem>>[vector<16xi32>], vector<16xi32>,
        %swap3A_1108 = arith.index_cast %add3A_987 : i32 to index
        %swap3A_1109 = arith.constant 80 : index
        %swap3A_1110 = tpu.vector_load %arg7[%swap3A_1108, %swap3A_1109] {strides = array<i32>} : memref<50x128xi32, #tpu.memory_space<vmem>>, vector<16xi32>,
        tpu.vector_store %arg7[%swap3A_1108, %swap3A_1109], %gather3A_1107 {strides = array<i32>} : memref<50x128xi32, #tpu.memory_space<vmem>>, vector<16xi32>,
        %swap3A_1111 = arith.index_cast %add3A_987 : i32 to index
        %swap3A_1112 = arith.constant 80 : index
        %swap3A_1113 = tpu.vector_load %arg8[%swap3A_1111, %swap3A_1112] {strides = array<i32>} : memref<50x128xi32, #tpu.memory_space<vmem>>, vector<16xi32>,
        tpu.vector_store %arg8[%swap3A_1111, %swap3A_1112], %gather3A_1103 {strides = array<i32>} : memref<50x128xi32, #tpu.memory_space<vmem>>, vector<16xi32>,
        %add3A_1114 = arith.constant 96 : i32
        %add3A_1115 = vector.broadcast %add3A_1114 : i32 to vector<16xi32>
        %add3A_1116 = arith.addi %add3A_1115, %iota3A : vector<16xi32>
        %mul3A_1117 = arith.constant 100 : i32
        %mul3A_1118 = vector.broadcast %mul3A_1117 : i32 to vector<16xi32>
        %mul3A_1119 = arith.muli %add3A_1116, %mul3A_1118 : vector<16xi32>
        %mul3A_1120 = arith.constant 2 : i32
        %mul3A_1121 = arith.muli %mul3A_1120, %add3A_987 : i32
        %add3A_1122 = vector.broadcast %mul3A_1121 : i32 to vector<16xi32>
        %add3A_1123 = arith.addi %mul3A_1119, %add3A_1122 : vector<16xi32>
        %gather3A_1124 = tpu.vector_load_idx %arg6[%add3A_1123] : memref<12800xi32, #tpu.memory_space<vmem>>[vector<16xi32>], vector<16xi32>,
        %add3A_1125 = arith.constant 1 : i32
        %add3A_1126 = vector.broadcast %add3A_1125 : i32 to vector<16xi32>
        %add3A_1127 = arith.addi %add3A_1123, %add3A_1126 : vector<16xi32>
        %gather3A_1128 = tpu.vector_load_idx %arg6[%add3A_1127] : memref<12800xi32, #tpu.memory_space<vmem>>[vector<16xi32>], vector<16xi32>,
        %swap3A_1129 = arith.index_cast %add3A_987 : i32 to index
        %swap3A_1130 = arith.constant 96 : index
        %swap3A_1131 = tpu.vector_load %arg7[%swap3A_1129, %swap3A_1130] {strides = array<i32>} : memref<50x128xi32, #tpu.memory_space<vmem>>, vector<16xi32>,
        tpu.vector_store %arg7[%swap3A_1129, %swap3A_1130], %gather3A_1128 {strides = array<i32>} : memref<50x128xi32, #tpu.memory_space<vmem>>, vector<16xi32>,
        %swap3A_1132 = arith.index_cast %add3A_987 : i32 to index
        %swap3A_1133 = arith.constant 96 : index
        %swap3A_1134 = tpu.vector_load %arg8[%swap3A_1132, %swap3A_1133] {strides = array<i32>} : memref<50x128xi32, #tpu.memory_space<vmem>>, vector<16xi32>,
        tpu.vector_store %arg8[%swap3A_1132, %swap3A_1133], %gather3A_1124 {strides = array<i32>} : memref<50x128xi32, #tpu.memory_space<vmem>>, vector<16xi32>,
        %add3A_1135 = arith.constant 112 : i32
        %add3A_1136 = vector.broadcast %add3A_1135 : i32 to vector<16xi32>
        %add3A_1137 = arith.addi %add3A_1136, %iota3A : vector<16xi32>
        %mul3A_1138 = arith.constant 100 : i32
        %mul3A_1139 = vector.broadcast %mul3A_1138 : i32 to vector<16xi32>
        %mul3A_1140 = arith.muli %add3A_1137, %mul3A_1139 : vector<16xi32>
        %mul3A_1141 = arith.constant 2 : i32
        %mul3A_1142 = arith.muli %mul3A_1141, %add3A_987 : i32
        %add3A_1143 = vector.broadcast %mul3A_1142 : i32 to vector<16xi32>
        %add3A_1144 = arith.addi %mul3A_1140, %add3A_1143 : vector<16xi32>
        %gather3A_1145 = tpu.vector_load_idx %arg6[%add3A_1144] : memref<12800xi32, #tpu.memory_space<vmem>>[vector<16xi32>], vector<16xi32>,
        %add3A_1146 = arith.constant 1 : i32
        %add3A_1147 = vector.broadcast %add3A_1146 : i32 to vector<16xi32>
        %add3A_1148 = arith.addi %add3A_1144, %add3A_1147 : vector<16xi32>
        %gather3A_1149 = tpu.vector_load_idx %arg6[%add3A_1148] : memref<12800xi32, #tpu.memory_space<vmem>>[vector<16xi32>], vector<16xi32>,
        %swap3A_1150 = arith.index_cast %add3A_987 : i32 to index
        %swap3A_1151 = arith.constant 112 : index
        %swap3A_1152 = tpu.vector_load %arg7[%swap3A_1150, %swap3A_1151] {strides = array<i32>} : memref<50x128xi32, #tpu.memory_space<vmem>>, vector<16xi32>,
        tpu.vector_store %arg7[%swap3A_1150, %swap3A_1151], %gather3A_1149 {strides = array<i32>} : memref<50x128xi32, #tpu.memory_space<vmem>>, vector<16xi32>,
        %swap3A_1153 = arith.index_cast %add3A_987 : i32 to index
        %swap3A_1154 = arith.constant 112 : index
        %swap3A_1155 = tpu.vector_load %arg8[%swap3A_1153, %swap3A_1154] {strides = array<i32>} : memref<50x128xi32, #tpu.memory_space<vmem>>, vector<16xi32>,
        tpu.vector_store %arg8[%swap3A_1153, %swap3A_1154], %gather3A_1145 {strides = array<i32>} : memref<50x128xi32, #tpu.memory_space<vmem>>, vector<16xi32>,
        %dma_start3A_1156 = arith.constant 0 : i32
        %dma_start3A_1157 = tpu.memref_slice %arg7[%add3A_987, %dma_start3A_1156] : memref<50x128xi32, #tpu.memory_space<vmem>> -> memref<1x128xi32, #tpu.memory_space<vmem>>
        %dma_start3A_1158 = tpu.memref_squeeze %dma_start3A_1157 : memref<1x128xi32, #tpu.memory_space<vmem>> -> memref<128xi32, #tpu.memory_space<vmem>>
        %dma_start3A_1159 = arith.constant 0 : i32
        %dma_start3A_1160 = arith.constant 0 : i32
        %dma_start3A_1161 = tpu.memref_slice %arg4[%dma_start3A_1159, %dma_start3A_1160] : memref<1440x64xf32, #tpu.memory_space<hbm>> -> memref<1440x64xf32, #tpu.memory_space<hbm>>
        tpu.enqueue_indirect_dma source(%dma_start3A_1161 : memref<1440x64xf32, #tpu.memory_space<hbm>>) target(%arg17 : memref<128x64xf32, #tpu.memory_space<vmem>>) offsets(%dma_start3A_1158 : memref<128xi32, #tpu.memory_space<vmem>>) semaphore(%arg19 : memref<!tpu.dma_semaphore, #tpu.memory_space<semaphore_mem>>)
        %dma_start3A_1162 = arith.constant 0 : i32
        %dma_start3A_1163 = tpu.memref_slice %arg8[%add3A_987, %dma_start3A_1162] : memref<50x128xi32, #tpu.memory_space<vmem>> -> memref<1x128xi32, #tpu.memory_space<vmem>>
        %dma_start3A_1164 = tpu.memref_squeeze %dma_start3A_1163 : memref<1x128xi32, #tpu.memory_space<vmem>> -> memref<128xi32, #tpu.memory_space<vmem>>
        %dma_start3A_1165 = arith.constant 0 : i32
        %dma_start3A_1166 = arith.constant 0 : i32
        %dma_start3A_1167 = tpu.memref_slice %arg3[%dma_start3A_1165, %dma_start3A_1166] : memref<366x64xf32, #tpu.memory_space<hbm>> -> memref<366x64xf32, #tpu.memory_space<hbm>>
        tpu.enqueue_indirect_dma source(%dma_start3A_1167 : memref<366x64xf32, #tpu.memory_space<hbm>>) target(%arg18 : memref<128x64xf32, #tpu.memory_space<vmem>>) offsets(%dma_start3A_1164 : memref<128xi32, #tpu.memory_space<vmem>>) semaphore(%arg19 : memref<!tpu.dma_semaphore, #tpu.memory_space<semaphore_mem>>)
      } else {
      }
      %mul3A_818 = arith.constant 5 : i32
      %mul3A_819 = arith.muli %scan3A_779, %mul3A_818 : i32
      %add3A_820 = arith.constant 1 : i32
      %add3A_821 = arith.addi %mul3A_819, %add3A_820 : i32
      %dma_wait3A_822 = arith.constant 0 : i32
      %dma_wait3A_823 = arith.constant 0 : i32
      %dma_wait3A_824 = tpu.memref_slice %arg7[%dma_wait3A_822, %dma_wait3A_823] : memref<50x128xi32, #tpu.memory_space<vmem>> -> memref<1x128xi32, #tpu.memory_space<vmem>>
      %dma_wait3A_825 = tpu.memref_squeeze %dma_wait3A_824 : memref<1x128xi32, #tpu.memory_space<vmem>> -> memref<128xi32, #tpu.memory_space<vmem>>
      %dma_wait3A_826 = arith.constant 0 : i32
      %dma_wait3A_827 = arith.constant 0 : i32
      %dma_wait3A_828 = tpu.memref_slice %arg4[%dma_wait3A_826, %dma_wait3A_827] : memref<1440x64xf32, #tpu.memory_space<hbm>> -> memref<1440x64xf32, #tpu.memory_space<hbm>>
      tpu.wait_indirect_dma semaphore(%arg19 : memref<!tpu.dma_semaphore, #tpu.memory_space<semaphore_mem>>) src(%dma_wait3A_828 : memref<1440x64xf32, #tpu.memory_space<hbm>>) dst(%arg11 : memref<128x64xf32, #tpu.memory_space<vmem>>)
      %dma_wait3A_829 = arith.constant 0 : i32
      %dma_wait3A_830 = arith.constant 0 : i32
      %dma_wait3A_831 = tpu.memref_slice %arg8[%dma_wait3A_829, %dma_wait3A_830] : memref<50x128xi32, #tpu.memory_space<vmem>> -> memref<1x128xi32, #tpu.memory_space<vmem>>
      %dma_wait3A_832 = tpu.memref_squeeze %dma_wait3A_831 : memref<1x128xi32, #tpu.memory_space<vmem>> -> memref<128xi32, #tpu.memory_space<vmem>>
      %dma_wait3A_833 = arith.constant 0 : i32
      %dma_wait3A_834 = arith.constant 0 : i32
      %dma_wait3A_835 = tpu.memref_slice %arg3[%dma_wait3A_833, %dma_wait3A_834] : memref<366x64xf32, #tpu.memory_space<hbm>> -> memref<366x64xf32, #tpu.memory_space<hbm>>
      tpu.wait_indirect_dma semaphore(%arg19 : memref<!tpu.dma_semaphore, #tpu.memory_space<semaphore_mem>>) src(%dma_wait3A_835 : memref<366x64xf32, #tpu.memory_space<hbm>>) dst(%arg12 : memref<128x64xf32, #tpu.memory_space<vmem>>)
      %gt3A_836 = arith.constant 0 : i32
      %gt3A_837 = arith.cmpi sgt, %add3A_821, %gt3A_836 : i32
      %convert_element_type3A_838 = arith.extui %gt3A_837 : i1 to i32
      %cond3A_839 = arith.constant 0 : i32
      %cond3A_840 = arith.cmpi ne, %convert_element_type3A_838, %cond3A_839 : i32
      scf.if %cond3A_840 {
        %sub3A = arith.constant 1 : i32
        %sub3A_986 = arith.subi %add3A_821, %sub3A : i32
        %dma_wait3A_987 = arith.constant 0 : i32
        %dma_wait3A_988 = tpu.memref_slice %arg5[%sub3A_986, %mul3A_2, %dma_wait3A_987] : memref<50x4096x128xf32, #tpu.memory_space<hbm>> -> memref<1x128x64xf32, #tpu.memory_space<hbm>>
        %dma_wait3A_989 = tpu.memref_squeeze %dma_wait3A_988 : memref<1x128x64xf32, #tpu.memory_space<hbm>> -> memref<128x64xf32, #tpu.memory_space<hbm>>
        %dma_wait3A_990 = arith.constant 0 : i32
        %dma_wait3A_991 = tpu.memref_slice %arg5[%sub3A_986, %mul3A_2, %dma_wait3A_990] : memref<50x4096x128xf32, #tpu.memory_space<hbm>> -> memref<1x128x64xf32, #tpu.memory_space<hbm>>
        %dma_wait3A_992 = tpu.memref_squeeze %dma_wait3A_991 : memref<1x128x64xf32, #tpu.memory_space<hbm>> -> memref<128x64xf32, #tpu.memory_space<hbm>>
        tpu.wait_dma2 semaphore(%arg20 : memref<!tpu.dma_semaphore, #tpu.memory_space<semaphore_mem>>) src(%arg9 : memref<128x64xf32, #tpu.memory_space<vmem>>) dst(%dma_wait3A_992 : memref<128x64xf32, #tpu.memory_space<hbm>>)
        %sub3A_993 = arith.constant 1 : i32
        %sub3A_994 = arith.subi %add3A_821, %sub3A_993 : i32
        %dma_wait3A_995 = arith.constant 64 : i32
        %dma_wait3A_996 = tpu.memref_slice %arg5[%sub3A_994, %mul3A_2, %dma_wait3A_995] : memref<50x4096x128xf32, #tpu.memory_space<hbm>> -> memref<1x128x64xf32, #tpu.memory_space<hbm>>
        %dma_wait3A_997 = tpu.memref_squeeze %dma_wait3A_996 : memref<1x128x64xf32, #tpu.memory_space<hbm>> -> memref<128x64xf32, #tpu.memory_space<hbm>>
        %dma_wait3A_998 = arith.constant 64 : i32
        %dma_wait3A_999 = tpu.memref_slice %arg5[%sub3A_994, %mul3A_2, %dma_wait3A_998] : memref<50x4096x128xf32, #tpu.memory_space<hbm>> -> memref<1x128x64xf32, #tpu.memory_space<hbm>>
        %dma_wait3A_1000 = tpu.memref_squeeze %dma_wait3A_999 : memref<1x128x64xf32, #tpu.memory_space<hbm>> -> memref<128x64xf32, #tpu.memory_space<hbm>>
        tpu.wait_dma2 semaphore(%arg20 : memref<!tpu.dma_semaphore, #tpu.memory_space<semaphore_mem>>) src(%arg10 : memref<128x64xf32, #tpu.memory_space<vmem>>) dst(%dma_wait3A_1000 : memref<128x64xf32, #tpu.memory_space<hbm>>)
      } else {
      }
      %dma_start3A_841 = arith.constant 0 : i32
      %dma_start3A_842 = tpu.memref_slice %arg5[%add3A_821, %mul3A_2, %dma_start3A_841] : memref<50x4096x128xf32, #tpu.memory_space<hbm>> -> memref<1x128x64xf32, #tpu.memory_space<hbm>>
      %dma_start3A_843 = tpu.memref_squeeze %dma_start3A_842 : memref<1x128x64xf32, #tpu.memory_space<hbm>> -> memref<128x64xf32, #tpu.memory_space<hbm>>
      %dma_start3A_844 = arith.constant 0 : i32
      %dma_start3A_845 = tpu.memref_slice %arg5[%add3A_821, %mul3A_2, %dma_start3A_844] : memref<50x4096x128xf32, #tpu.memory_space<hbm>> -> memref<1x128x64xf32, #tpu.memory_space<hbm>>
      %dma_start3A_846 = tpu.memref_squeeze %dma_start3A_845 : memref<1x128x64xf32, #tpu.memory_space<hbm>> -> memref<128x64xf32, #tpu.memory_space<hbm>>
      tpu.enqueue_dma source(%arg11 : memref<128x64xf32, #tpu.memory_space<vmem>>) target(%dma_start3A_846 : memref<128x64xf32, #tpu.memory_space<hbm>>) target_semaphore(%arg20 : memref<!tpu.dma_semaphore, #tpu.memory_space<semaphore_mem>>)
      %dma_start3A_847 = arith.constant 64 : i32
      %dma_start3A_848 = tpu.memref_slice %arg5[%add3A_821, %mul3A_2, %dma_start3A_847] : memref<50x4096x128xf32, #tpu.memory_space<hbm>> -> memref<1x128x64xf32, #tpu.memory_space<hbm>>
      %dma_start3A_849 = tpu.memref_squeeze %dma_start3A_848 : memref<1x128x64xf32, #tpu.memory_space<hbm>> -> memref<128x64xf32, #tpu.memory_space<hbm>>
      %dma_start3A_850 = arith.constant 64 : i32
      %dma_start3A_851 = tpu.memref_slice %arg5[%add3A_821, %mul3A_2, %dma_start3A_850] : memref<50x4096x128xf32, #tpu.memory_space<hbm>> -> memref<1x128x64xf32, #tpu.memory_space<hbm>>
      %dma_start3A_852 = tpu.memref_squeeze %dma_start3A_851 : memref<1x128x64xf32, #tpu.memory_space<hbm>> -> memref<128x64xf32, #tpu.memory_space<hbm>>
      tpu.enqueue_dma source(%arg12 : memref<128x64xf32, #tpu.memory_space<vmem>>) target(%dma_start3A_852 : memref<128x64xf32, #tpu.memory_space<hbm>>) target_semaphore(%arg20 : memref<!tpu.dma_semaphore, #tpu.memory_space<semaphore_mem>>)
      %add3A_853 = arith.constant 4 : i32
      %add3A_854 = arith.addi %add3A_821, %add3A_853 : i32
      %lt3A_855 = arith.constant 50 : i32
      %lt3A_856 = arith.cmpi slt, %add3A_854, %lt3A_855 : i32
      %convert_element_type3A_857 = arith.extui %lt3A_856 : i1 to i32
      %cond3A_858 = arith.constant 0 : i32
      %cond3A_859 = arith.cmpi ne, %convert_element_type3A_857, %cond3A_858 : i32
      scf.if %cond3A_859 {
        %add3A_986 = arith.constant 4 : i32
        %add3A_987 = arith.addi %add3A_821, %add3A_986 : i32
        %add3A_988 = arith.constant 0 : i32
        %add3A_989 = vector.broadcast %add3A_988 : i32 to vector<16xi32>
        %add3A_990 = arith.addi %add3A_989, %iota3A : vector<16xi32>
        %mul3A_991 = arith.constant 100 : i32
        %mul3A_992 = vector.broadcast %mul3A_991 : i32 to vector<16xi32>
        %mul3A_993 = arith.muli %add3A_990, %mul3A_992 : vector<16xi32>
        %mul3A_994 = arith.constant 2 : i32
        %mul3A_995 = arith.muli %mul3A_994, %add3A_987 : i32
        %add3A_996 = vector.broadcast %mul3A_995 : i32 to vector<16xi32>
        %add3A_997 = arith.addi %mul3A_993, %add3A_996 : vector<16xi32>
        %gather3A_998 = tpu.vector_load_idx %arg6[%add3A_997] : memref<12800xi32, #tpu.memory_space<vmem>>[vector<16xi32>], vector<16xi32>,
        %add3A_999 = arith.constant 1 : i32
        %add3A_1000 = vector.broadcast %add3A_999 : i32 to vector<16xi32>
        %add3A_1001 = arith.addi %add3A_997, %add3A_1000 : vector<16xi32>
        %gather3A_1002 = tpu.vector_load_idx %arg6[%add3A_1001] : memref<12800xi32, #tpu.memory_space<vmem>>[vector<16xi32>], vector<16xi32>,
        %swap3A_1003 = arith.index_cast %add3A_987 : i32 to index
        %swap3A_1004 = arith.constant 0 : index
        %swap3A_1005 = tpu.vector_load %arg7[%swap3A_1003, %swap3A_1004] {strides = array<i32>} : memref<50x128xi32, #tpu.memory_space<vmem>>, vector<16xi32>,
        tpu.vector_store %arg7[%swap3A_1003, %swap3A_1004], %gather3A_1002 {strides = array<i32>} : memref<50x128xi32, #tpu.memory_space<vmem>>, vector<16xi32>,
        %swap3A_1006 = arith.index_cast %add3A_987 : i32 to index
        %swap3A_1007 = arith.constant 0 : index
        %swap3A_1008 = tpu.vector_load %arg8[%swap3A_1006, %swap3A_1007] {strides = array<i32>} : memref<50x128xi32, #tpu.memory_space<vmem>>, vector<16xi32>,
        tpu.vector_store %arg8[%swap3A_1006, %swap3A_1007], %gather3A_998 {strides = array<i32>} : memref<50x128xi32, #tpu.memory_space<vmem>>, vector<16xi32>,
        %add3A_1009 = arith.constant 16 : i32
        %add3A_1010 = vector.broadcast %add3A_1009 : i32 to vector<16xi32>
        %add3A_1011 = arith.addi %add3A_1010, %iota3A : vector<16xi32>
        %mul3A_1012 = arith.constant 100 : i32
        %mul3A_1013 = vector.broadcast %mul3A_1012 : i32 to vector<16xi32>
        %mul3A_1014 = arith.muli %add3A_1011, %mul3A_1013 : vector<16xi32>
        %mul3A_1015 = arith.constant 2 : i32
        %mul3A_1016 = arith.muli %mul3A_1015, %add3A_987 : i32
        %add3A_1017 = vector.broadcast %mul3A_1016 : i32 to vector<16xi32>
        %add3A_1018 = arith.addi %mul3A_1014, %add3A_1017 : vector<16xi32>
        %gather3A_1019 = tpu.vector_load_idx %arg6[%add3A_1018] : memref<12800xi32, #tpu.memory_space<vmem>>[vector<16xi32>], vector<16xi32>,
        %add3A_1020 = arith.constant 1 : i32
        %add3A_1021 = vector.broadcast %add3A_1020 : i32 to vector<16xi32>
        %add3A_1022 = arith.addi %add3A_1018, %add3A_1021 : vector<16xi32>
        %gather3A_1023 = tpu.vector_load_idx %arg6[%add3A_1022] : memref<12800xi32, #tpu.memory_space<vmem>>[vector<16xi32>], vector<16xi32>,
        %swap3A_1024 = arith.index_cast %add3A_987 : i32 to index
        %swap3A_1025 = arith.constant 16 : index
        %swap3A_1026 = tpu.vector_load %arg7[%swap3A_1024, %swap3A_1025] {strides = array<i32>} : memref<50x128xi32, #tpu.memory_space<vmem>>, vector<16xi32>,
        tpu.vector_store %arg7[%swap3A_1024, %swap3A_1025], %gather3A_1023 {strides = array<i32>} : memref<50x128xi32, #tpu.memory_space<vmem>>, vector<16xi32>,
        %swap3A_1027 = arith.index_cast %add3A_987 : i32 to index
        %swap3A_1028 = arith.constant 16 : index
        %swap3A_1029 = tpu.vector_load %arg8[%swap3A_1027, %swap3A_1028] {strides = array<i32>} : memref<50x128xi32, #tpu.memory_space<vmem>>, vector<16xi32>,
        tpu.vector_store %arg8[%swap3A_1027, %swap3A_1028], %gather3A_1019 {strides = array<i32>} : memref<50x128xi32, #tpu.memory_space<vmem>>, vector<16xi32>,
        %add3A_1030 = arith.constant 32 : i32
        %add3A_1031 = vector.broadcast %add3A_1030 : i32 to vector<16xi32>
        %add3A_1032 = arith.addi %add3A_1031, %iota3A : vector<16xi32>
        %mul3A_1033 = arith.constant 100 : i32
        %mul3A_1034 = vector.broadcast %mul3A_1033 : i32 to vector<16xi32>
        %mul3A_1035 = arith.muli %add3A_1032, %mul3A_1034 : vector<16xi32>
        %mul3A_1036 = arith.constant 2 : i32
        %mul3A_1037 = arith.muli %mul3A_1036, %add3A_987 : i32
        %add3A_1038 = vector.broadcast %mul3A_1037 : i32 to vector<16xi32>
        %add3A_1039 = arith.addi %mul3A_1035, %add3A_1038 : vector<16xi32>
        %gather3A_1040 = tpu.vector_load_idx %arg6[%add3A_1039] : memref<12800xi32, #tpu.memory_space<vmem>>[vector<16xi32>], vector<16xi32>,
        %add3A_1041 = arith.constant 1 : i32
        %add3A_1042 = vector.broadcast %add3A_1041 : i32 to vector<16xi32>
        %add3A_1043 = arith.addi %add3A_1039, %add3A_1042 : vector<16xi32>
        %gather3A_1044 = tpu.vector_load_idx %arg6[%add3A_1043] : memref<12800xi32, #tpu.memory_space<vmem>>[vector<16xi32>], vector<16xi32>,
        %swap3A_1045 = arith.index_cast %add3A_987 : i32 to index
        %swap3A_1046 = arith.constant 32 : index
        %swap3A_1047 = tpu.vector_load %arg7[%swap3A_1045, %swap3A_1046] {strides = array<i32>} : memref<50x128xi32, #tpu.memory_space<vmem>>, vector<16xi32>,
        tpu.vector_store %arg7[%swap3A_1045, %swap3A_1046], %gather3A_1044 {strides = array<i32>} : memref<50x128xi32, #tpu.memory_space<vmem>>, vector<16xi32>,
        %swap3A_1048 = arith.index_cast %add3A_987 : i32 to index
        %swap3A_1049 = arith.constant 32 : index
        %swap3A_1050 = tpu.vector_load %arg8[%swap3A_1048, %swap3A_1049] {strides = array<i32>} : memref<50x128xi32, #tpu.memory_space<vmem>>, vector<16xi32>,
        tpu.vector_store %arg8[%swap3A_1048, %swap3A_1049], %gather3A_1040 {strides = array<i32>} : memref<50x128xi32, #tpu.memory_space<vmem>>, vector<16xi32>,
        %add3A_1051 = arith.constant 48 : i32
        %add3A_1052 = vector.broadcast %add3A_1051 : i32 to vector<16xi32>
        %add3A_1053 = arith.addi %add3A_1052, %iota3A : vector<16xi32>
        %mul3A_1054 = arith.constant 100 : i32
        %mul3A_1055 = vector.broadcast %mul3A_1054 : i32 to vector<16xi32>
        %mul3A_1056 = arith.muli %add3A_1053, %mul3A_1055 : vector<16xi32>
        %mul3A_1057 = arith.constant 2 : i32
        %mul3A_1058 = arith.muli %mul3A_1057, %add3A_987 : i32
        %add3A_1059 = vector.broadcast %mul3A_1058 : i32 to vector<16xi32>
        %add3A_1060 = arith.addi %mul3A_1056, %add3A_1059 : vector<16xi32>
        %gather3A_1061 = tpu.vector_load_idx %arg6[%add3A_1060] : memref<12800xi32, #tpu.memory_space<vmem>>[vector<16xi32>], vector<16xi32>,
        %add3A_1062 = arith.constant 1 : i32
        %add3A_1063 = vector.broadcast %add3A_1062 : i32 to vector<16xi32>
        %add3A_1064 = arith.addi %add3A_1060, %add3A_1063 : vector<16xi32>
        %gather3A_1065 = tpu.vector_load_idx %arg6[%add3A_1064] : memref<12800xi32, #tpu.memory_space<vmem>>[vector<16xi32>], vector<16xi32>,
        %swap3A_1066 = arith.index_cast %add3A_987 : i32 to index
        %swap3A_1067 = arith.constant 48 : index
        %swap3A_1068 = tpu.vector_load %arg7[%swap3A_1066, %swap3A_1067] {strides = array<i32>} : memref<50x128xi32, #tpu.memory_space<vmem>>, vector<16xi32>,
        tpu.vector_store %arg7[%swap3A_1066, %swap3A_1067], %gather3A_1065 {strides = array<i32>} : memref<50x128xi32, #tpu.memory_space<vmem>>, vector<16xi32>,
        %swap3A_1069 = arith.index_cast %add3A_987 : i32 to index
        %swap3A_1070 = arith.constant 48 : index
        %swap3A_1071 = tpu.vector_load %arg8[%swap3A_1069, %swap3A_1070] {strides = array<i32>} : memref<50x128xi32, #tpu.memory_space<vmem>>, vector<16xi32>,
        tpu.vector_store %arg8[%swap3A_1069, %swap3A_1070], %gather3A_1061 {strides = array<i32>} : memref<50x128xi32, #tpu.memory_space<vmem>>, vector<16xi32>,
        %add3A_1072 = arith.constant 64 : i32
        %add3A_1073 = vector.broadcast %add3A_1072 : i32 to vector<16xi32>
        %add3A_1074 = arith.addi %add3A_1073, %iota3A : vector<16xi32>
        %mul3A_1075 = arith.constant 100 : i32
        %mul3A_1076 = vector.broadcast %mul3A_1075 : i32 to vector<16xi32>
        %mul3A_1077 = arith.muli %add3A_1074, %mul3A_1076 : vector<16xi32>
        %mul3A_1078 = arith.constant 2 : i32
        %mul3A_1079 = arith.muli %mul3A_1078, %add3A_987 : i32
        %add3A_1080 = vector.broadcast %mul3A_1079 : i32 to vector<16xi32>
        %add3A_1081 = arith.addi %mul3A_1077, %add3A_1080 : vector<16xi32>
        %gather3A_1082 = tpu.vector_load_idx %arg6[%add3A_1081] : memref<12800xi32, #tpu.memory_space<vmem>>[vector<16xi32>], vector<16xi32>,
        %add3A_1083 = arith.constant 1 : i32
        %add3A_1084 = vector.broadcast %add3A_1083 : i32 to vector<16xi32>
        %add3A_1085 = arith.addi %add3A_1081, %add3A_1084 : vector<16xi32>
        %gather3A_1086 = tpu.vector_load_idx %arg6[%add3A_1085] : memref<12800xi32, #tpu.memory_space<vmem>>[vector<16xi32>], vector<16xi32>,
        %swap3A_1087 = arith.index_cast %add3A_987 : i32 to index
        %swap3A_1088 = arith.constant 64 : index
        %swap3A_1089 = tpu.vector_load %arg7[%swap3A_1087, %swap3A_1088] {strides = array<i32>} : memref<50x128xi32, #tpu.memory_space<vmem>>, vector<16xi32>,
        tpu.vector_store %arg7[%swap3A_1087, %swap3A_1088], %gather3A_1086 {strides = array<i32>} : memref<50x128xi32, #tpu.memory_space<vmem>>, vector<16xi32>,
        %swap3A_1090 = arith.index_cast %add3A_987 : i32 to index
        %swap3A_1091 = arith.constant 64 : index
        %swap3A_1092 = tpu.vector_load %arg8[%swap3A_1090, %swap3A_1091] {strides = array<i32>} : memref<50x128xi32, #tpu.memory_space<vmem>>, vector<16xi32>,
        tpu.vector_store %arg8[%swap3A_1090, %swap3A_1091], %gather3A_1082 {strides = array<i32>} : memref<50x128xi32, #tpu.memory_space<vmem>>, vector<16xi32>,
        %add3A_1093 = arith.constant 80 : i32
        %add3A_1094 = vector.broadcast %add3A_1093 : i32 to vector<16xi32>
        %add3A_1095 = arith.addi %add3A_1094, %iota3A : vector<16xi32>
        %mul3A_1096 = arith.constant 100 : i32
        %mul3A_1097 = vector.broadcast %mul3A_1096 : i32 to vector<16xi32>
        %mul3A_1098 = arith.muli %add3A_1095, %mul3A_1097 : vector<16xi32>
        %mul3A_1099 = arith.constant 2 : i32
        %mul3A_1100 = arith.muli %mul3A_1099, %add3A_987 : i32
        %add3A_1101 = vector.broadcast %mul3A_1100 : i32 to vector<16xi32>
        %add3A_1102 = arith.addi %mul3A_1098, %add3A_1101 : vector<16xi32>
        %gather3A_1103 = tpu.vector_load_idx %arg6[%add3A_1102] : memref<12800xi32, #tpu.memory_space<vmem>>[vector<16xi32>], vector<16xi32>,
        %add3A_1104 = arith.constant 1 : i32
        %add3A_1105 = vector.broadcast %add3A_1104 : i32 to vector<16xi32>
        %add3A_1106 = arith.addi %add3A_1102, %add3A_1105 : vector<16xi32>
        %gather3A_1107 = tpu.vector_load_idx %arg6[%add3A_1106] : memref<12800xi32, #tpu.memory_space<vmem>>[vector<16xi32>], vector<16xi32>,
        %swap3A_1108 = arith.index_cast %add3A_987 : i32 to index
        %swap3A_1109 = arith.constant 80 : index
        %swap3A_1110 = tpu.vector_load %arg7[%swap3A_1108, %swap3A_1109] {strides = array<i32>} : memref<50x128xi32, #tpu.memory_space<vmem>>, vector<16xi32>,
        tpu.vector_store %arg7[%swap3A_1108, %swap3A_1109], %gather3A_1107 {strides = array<i32>} : memref<50x128xi32, #tpu.memory_space<vmem>>, vector<16xi32>,
        %swap3A_1111 = arith.index_cast %add3A_987 : i32 to index
        %swap3A_1112 = arith.constant 80 : index
        %swap3A_1113 = tpu.vector_load %arg8[%swap3A_1111, %swap3A_1112] {strides = array<i32>} : memref<50x128xi32, #tpu.memory_space<vmem>>, vector<16xi32>,
        tpu.vector_store %arg8[%swap3A_1111, %swap3A_1112], %gather3A_1103 {strides = array<i32>} : memref<50x128xi32, #tpu.memory_space<vmem>>, vector<16xi32>,
        %add3A_1114 = arith.constant 96 : i32
        %add3A_1115 = vector.broadcast %add3A_1114 : i32 to vector<16xi32>
        %add3A_1116 = arith.addi %add3A_1115, %iota3A : vector<16xi32>
        %mul3A_1117 = arith.constant 100 : i32
        %mul3A_1118 = vector.broadcast %mul3A_1117 : i32 to vector<16xi32>
        %mul3A_1119 = arith.muli %add3A_1116, %mul3A_1118 : vector<16xi32>
        %mul3A_1120 = arith.constant 2 : i32
        %mul3A_1121 = arith.muli %mul3A_1120, %add3A_987 : i32
        %add3A_1122 = vector.broadcast %mul3A_1121 : i32 to vector<16xi32>
        %add3A_1123 = arith.addi %mul3A_1119, %add3A_1122 : vector<16xi32>
        %gather3A_1124 = tpu.vector_load_idx %arg6[%add3A_1123] : memref<12800xi32, #tpu.memory_space<vmem>>[vector<16xi32>], vector<16xi32>,
        %add3A_1125 = arith.constant 1 : i32
        %add3A_1126 = vector.broadcast %add3A_1125 : i32 to vector<16xi32>
        %add3A_1127 = arith.addi %add3A_1123, %add3A_1126 : vector<16xi32>
        %gather3A_1128 = tpu.vector_load_idx %arg6[%add3A_1127] : memref<12800xi32, #tpu.memory_space<vmem>>[vector<16xi32>], vector<16xi32>,
        %swap3A_1129 = arith.index_cast %add3A_987 : i32 to index
        %swap3A_1130 = arith.constant 96 : index
        %swap3A_1131 = tpu.vector_load %arg7[%swap3A_1129, %swap3A_1130] {strides = array<i32>} : memref<50x128xi32, #tpu.memory_space<vmem>>, vector<16xi32>,
        tpu.vector_store %arg7[%swap3A_1129, %swap3A_1130], %gather3A_1128 {strides = array<i32>} : memref<50x128xi32, #tpu.memory_space<vmem>>, vector<16xi32>,
        %swap3A_1132 = arith.index_cast %add3A_987 : i32 to index
        %swap3A_1133 = arith.constant 96 : index
        %swap3A_1134 = tpu.vector_load %arg8[%swap3A_1132, %swap3A_1133] {strides = array<i32>} : memref<50x128xi32, #tpu.memory_space<vmem>>, vector<16xi32>,
        tpu.vector_store %arg8[%swap3A_1132, %swap3A_1133], %gather3A_1124 {strides = array<i32>} : memref<50x128xi32, #tpu.memory_space<vmem>>, vector<16xi32>,
        %add3A_1135 = arith.constant 112 : i32
        %add3A_1136 = vector.broadcast %add3A_1135 : i32 to vector<16xi32>
        %add3A_1137 = arith.addi %add3A_1136, %iota3A : vector<16xi32>
        %mul3A_1138 = arith.constant 100 : i32
        %mul3A_1139 = vector.broadcast %mul3A_1138 : i32 to vector<16xi32>
        %mul3A_1140 = arith.muli %add3A_1137, %mul3A_1139 : vector<16xi32>
        %mul3A_1141 = arith.constant 2 : i32
        %mul3A_1142 = arith.muli %mul3A_1141, %add3A_987 : i32
        %add3A_1143 = vector.broadcast %mul3A_1142 : i32 to vector<16xi32>
        %add3A_1144 = arith.addi %mul3A_1140, %add3A_1143 : vector<16xi32>
        %gather3A_1145 = tpu.vector_load_idx %arg6[%add3A_1144] : memref<12800xi32, #tpu.memory_space<vmem>>[vector<16xi32>], vector<16xi32>,
        %add3A_1146 = arith.constant 1 : i32
        %add3A_1147 = vector.broadcast %add3A_1146 : i32 to vector<16xi32>
        %add3A_1148 = arith.addi %add3A_1144, %add3A_1147 : vector<16xi32>
        %gather3A_1149 = tpu.vector_load_idx %arg6[%add3A_1148] : memref<12800xi32, #tpu.memory_space<vmem>>[vector<16xi32>], vector<16xi32>,
        %swap3A_1150 = arith.index_cast %add3A_987 : i32 to index
        %swap3A_1151 = arith.constant 112 : index
        %swap3A_1152 = tpu.vector_load %arg7[%swap3A_1150, %swap3A_1151] {strides = array<i32>} : memref<50x128xi32, #tpu.memory_space<vmem>>, vector<16xi32>,
        tpu.vector_store %arg7[%swap3A_1150, %swap3A_1151], %gather3A_1149 {strides = array<i32>} : memref<50x128xi32, #tpu.memory_space<vmem>>, vector<16xi32>,
        %swap3A_1153 = arith.index_cast %add3A_987 : i32 to index
        %swap3A_1154 = arith.constant 112 : index
        %swap3A_1155 = tpu.vector_load %arg8[%swap3A_1153, %swap3A_1154] {strides = array<i32>} : memref<50x128xi32, #tpu.memory_space<vmem>>, vector<16xi32>,
        tpu.vector_store %arg8[%swap3A_1153, %swap3A_1154], %gather3A_1145 {strides = array<i32>} : memref<50x128xi32, #tpu.memory_space<vmem>>, vector<16xi32>,
        %dma_start3A_1156 = arith.constant 0 : i32
        %dma_start3A_1157 = tpu.memref_slice %arg7[%add3A_987, %dma_start3A_1156] : memref<50x128xi32, #tpu.memory_space<vmem>> -> memref<1x128xi32, #tpu.memory_space<vmem>>
        %dma_start3A_1158 = tpu.memref_squeeze %dma_start3A_1157 : memref<1x128xi32, #tpu.memory_space<vmem>> -> memref<128xi32, #tpu.memory_space<vmem>>
        %dma_start3A_1159 = arith.constant 0 : i32
        %dma_start3A_1160 = arith.constant 0 : i32
        %dma_start3A_1161 = tpu.memref_slice %arg4[%dma_start3A_1159, %dma_start3A_1160] : memref<1440x64xf32, #tpu.memory_space<hbm>> -> memref<1440x64xf32, #tpu.memory_space<hbm>>
        tpu.enqueue_indirect_dma source(%dma_start3A_1161 : memref<1440x64xf32, #tpu.memory_space<hbm>>) target(%arg9 : memref<128x64xf32, #tpu.memory_space<vmem>>) offsets(%dma_start3A_1158 : memref<128xi32, #tpu.memory_space<vmem>>) semaphore(%arg19 : memref<!tpu.dma_semaphore, #tpu.memory_space<semaphore_mem>>)
        %dma_start3A_1162 = arith.constant 0 : i32
        %dma_start3A_1163 = tpu.memref_slice %arg8[%add3A_987, %dma_start3A_1162] : memref<50x128xi32, #tpu.memory_space<vmem>> -> memref<1x128xi32, #tpu.memory_space<vmem>>
        %dma_start3A_1164 = tpu.memref_squeeze %dma_start3A_1163 : memref<1x128xi32, #tpu.memory_space<vmem>> -> memref<128xi32, #tpu.memory_space<vmem>>
        %dma_start3A_1165 = arith.constant 0 : i32
        %dma_start3A_1166 = arith.constant 0 : i32
        %dma_start3A_1167 = tpu.memref_slice %arg3[%dma_start3A_1165, %dma_start3A_1166] : memref<366x64xf32, #tpu.memory_space<hbm>> -> memref<366x64xf32, #tpu.memory_space<hbm>>
        tpu.enqueue_indirect_dma source(%dma_start3A_1167 : memref<366x64xf32, #tpu.memory_space<hbm>>) target(%arg10 : memref<128x64xf32, #tpu.memory_space<vmem>>) offsets(%dma_start3A_1164 : memref<128xi32, #tpu.memory_space<vmem>>) semaphore(%arg19 : memref<!tpu.dma_semaphore, #tpu.memory_space<semaphore_mem>>)
      } else {
      }
      %mul3A_860 = arith.constant 5 : i32
      %mul3A_861 = arith.muli %scan3A_779, %mul3A_860 : i32
      %add3A_862 = arith.constant 2 : i32
      %add3A_863 = arith.addi %mul3A_861, %add3A_862 : i32
      %dma_wait3A_864 = arith.constant 0 : i32
      %dma_wait3A_865 = arith.constant 0 : i32
      %dma_wait3A_866 = tpu.memref_slice %arg7[%dma_wait3A_864, %dma_wait3A_865] : memref<50x128xi32, #tpu.memory_space<vmem>> -> memref<1x128xi32, #tpu.memory_space<vmem>>
      %dma_wait3A_867 = tpu.memref_squeeze %dma_wait3A_866 : memref<1x128xi32, #tpu.memory_space<vmem>> -> memref<128xi32, #tpu.memory_space<vmem>>
      %dma_wait3A_868 = arith.constant 0 : i32
      %dma_wait3A_869 = arith.constant 0 : i32
      %dma_wait3A_870 = tpu.memref_slice %arg4[%dma_wait3A_868, %dma_wait3A_869] : memref<1440x64xf32, #tpu.memory_space<hbm>> -> memref<1440x64xf32, #tpu.memory_space<hbm>>
      tpu.wait_indirect_dma semaphore(%arg19 : memref<!tpu.dma_semaphore, #tpu.memory_space<semaphore_mem>>) src(%dma_wait3A_870 : memref<1440x64xf32, #tpu.memory_space<hbm>>) dst(%arg13 : memref<128x64xf32, #tpu.memory_space<vmem>>)
      %dma_wait3A_871 = arith.constant 0 : i32
      %dma_wait3A_872 = arith.constant 0 : i32
      %dma_wait3A_873 = tpu.memref_slice %arg8[%dma_wait3A_871, %dma_wait3A_872] : memref<50x128xi32, #tpu.memory_space<vmem>> -> memref<1x128xi32, #tpu.memory_space<vmem>>
      %dma_wait3A_874 = tpu.memref_squeeze %dma_wait3A_873 : memref<1x128xi32, #tpu.memory_space<vmem>> -> memref<128xi32, #tpu.memory_space<vmem>>
      %dma_wait3A_875 = arith.constant 0 : i32
      %dma_wait3A_876 = arith.constant 0 : i32
      %dma_wait3A_877 = tpu.memref_slice %arg3[%dma_wait3A_875, %dma_wait3A_876] : memref<366x64xf32, #tpu.memory_space<hbm>> -> memref<366x64xf32, #tpu.memory_space<hbm>>
      tpu.wait_indirect_dma semaphore(%arg19 : memref<!tpu.dma_semaphore, #tpu.memory_space<semaphore_mem>>) src(%dma_wait3A_877 : memref<366x64xf32, #tpu.memory_space<hbm>>) dst(%arg14 : memref<128x64xf32, #tpu.memory_space<vmem>>)
      %gt3A_878 = arith.constant 0 : i32
      %gt3A_879 = arith.cmpi sgt, %add3A_863, %gt3A_878 : i32
      %convert_element_type3A_880 = arith.extui %gt3A_879 : i1 to i32
      %cond3A_881 = arith.constant 0 : i32
      %cond3A_882 = arith.cmpi ne, %convert_element_type3A_880, %cond3A_881 : i32
      scf.if %cond3A_882 {
        %sub3A = arith.constant 1 : i32
        %sub3A_986 = arith.subi %add3A_863, %sub3A : i32
        %dma_wait3A_987 = arith.constant 0 : i32
        %dma_wait3A_988 = tpu.memref_slice %arg5[%sub3A_986, %mul3A_2, %dma_wait3A_987] : memref<50x4096x128xf32, #tpu.memory_space<hbm>> -> memref<1x128x64xf32, #tpu.memory_space<hbm>>
        %dma_wait3A_989 = tpu.memref_squeeze %dma_wait3A_988 : memref<1x128x64xf32, #tpu.memory_space<hbm>> -> memref<128x64xf32, #tpu.memory_space<hbm>>
        %dma_wait3A_990 = arith.constant 0 : i32
        %dma_wait3A_991 = tpu.memref_slice %arg5[%sub3A_986, %mul3A_2, %dma_wait3A_990] : memref<50x4096x128xf32, #tpu.memory_space<hbm>> -> memref<1x128x64xf32, #tpu.memory_space<hbm>>
        %dma_wait3A_992 = tpu.memref_squeeze %dma_wait3A_991 : memref<1x128x64xf32, #tpu.memory_space<hbm>> -> memref<128x64xf32, #tpu.memory_space<hbm>>
        tpu.wait_dma2 semaphore(%arg20 : memref<!tpu.dma_semaphore, #tpu.memory_space<semaphore_mem>>) src(%arg11 : memref<128x64xf32, #tpu.memory_space<vmem>>) dst(%dma_wait3A_992 : memref<128x64xf32, #tpu.memory_space<hbm>>)
        %sub3A_993 = arith.constant 1 : i32
        %sub3A_994 = arith.subi %add3A_863, %sub3A_993 : i32
        %dma_wait3A_995 = arith.constant 64 : i32
        %dma_wait3A_996 = tpu.memref_slice %arg5[%sub3A_994, %mul3A_2, %dma_wait3A_995] : memref<50x4096x128xf32, #tpu.memory_space<hbm>> -> memref<1x128x64xf32, #tpu.memory_space<hbm>>
        %dma_wait3A_997 = tpu.memref_squeeze %dma_wait3A_996 : memref<1x128x64xf32, #tpu.memory_space<hbm>> -> memref<128x64xf32, #tpu.memory_space<hbm>>
        %dma_wait3A_998 = arith.constant 64 : i32
        %dma_wait3A_999 = tpu.memref_slice %arg5[%sub3A_994, %mul3A_2, %dma_wait3A_998] : memref<50x4096x128xf32, #tpu.memory_space<hbm>> -> memref<1x128x64xf32, #tpu.memory_space<hbm>>
        %dma_wait3A_1000 = tpu.memref_squeeze %dma_wait3A_999 : memref<1x128x64xf32, #tpu.memory_space<hbm>> -> memref<128x64xf32, #tpu.memory_space<hbm>>
        tpu.wait_dma2 semaphore(%arg20 : memref<!tpu.dma_semaphore, #tpu.memory_space<semaphore_mem>>) src(%arg12 : memref<128x64xf32, #tpu.memory_space<vmem>>) dst(%dma_wait3A_1000 : memref<128x64xf32, #tpu.memory_space<hbm>>)
      } else {
      }
      %dma_start3A_883 = arith.constant 0 : i32
      %dma_start3A_884 = tpu.memref_slice %arg5[%add3A_863, %mul3A_2, %dma_start3A_883] : memref<50x4096x128xf32, #tpu.memory_space<hbm>> -> memref<1x128x64xf32, #tpu.memory_space<hbm>>
      %dma_start3A_885 = tpu.memref_squeeze %dma_start3A_884 : memref<1x128x64xf32, #tpu.memory_space<hbm>> -> memref<128x64xf32, #tpu.memory_space<hbm>>
      %dma_start3A_886 = arith.constant 0 : i32
      %dma_start3A_887 = tpu.memref_slice %arg5[%add3A_863, %mul3A_2, %dma_start3A_886] : memref<50x4096x128xf32, #tpu.memory_space<hbm>> -> memref<1x128x64xf32, #tpu.memory_space<hbm>>
      %dma_start3A_888 = tpu.memref_squeeze %dma_start3A_887 : memref<1x128x64xf32, #tpu.memory_space<hbm>> -> memref<128x64xf32, #tpu.memory_space<hbm>>
      tpu.enqueue_dma source(%arg13 : memref<128x64xf32, #tpu.memory_space<vmem>>) target(%dma_start3A_888 : memref<128x64xf32, #tpu.memory_space<hbm>>) target_semaphore(%arg20 : memref<!tpu.dma_semaphore, #tpu.memory_space<semaphore_mem>>)
      %dma_start3A_889 = arith.constant 64 : i32
      %dma_start3A_890 = tpu.memref_slice %arg5[%add3A_863, %mul3A_2, %dma_start3A_889] : memref<50x4096x128xf32, #tpu.memory_space<hbm>> -> memref<1x128x64xf32, #tpu.memory_space<hbm>>
      %dma_start3A_891 = tpu.memref_squeeze %dma_start3A_890 : memref<1x128x64xf32, #tpu.memory_space<hbm>> -> memref<128x64xf32, #tpu.memory_space<hbm>>
      %dma_start3A_892 = arith.constant 64 : i32
      %dma_start3A_893 = tpu.memref_slice %arg5[%add3A_863, %mul3A_2, %dma_start3A_892] : memref<50x4096x128xf32, #tpu.memory_space<hbm>> -> memref<1x128x64xf32, #tpu.memory_space<hbm>>
      %dma_start3A_894 = tpu.memref_squeeze %dma_start3A_893 : memref<1x128x64xf32, #tpu.memory_space<hbm>> -> memref<128x64xf32, #tpu.memory_space<hbm>>
      tpu.enqueue_dma source(%arg14 : memref<128x64xf32, #tpu.memory_space<vmem>>) target(%dma_start3A_894 : memref<128x64xf32, #tpu.memory_space<hbm>>) target_semaphore(%arg20 : memref<!tpu.dma_semaphore, #tpu.memory_space<semaphore_mem>>)
      %add3A_895 = arith.constant 4 : i32
      %add3A_896 = arith.addi %add3A_863, %add3A_895 : i32
      %lt3A_897 = arith.constant 50 : i32
      %lt3A_898 = arith.cmpi slt, %add3A_896, %lt3A_897 : i32
      %convert_element_type3A_899 = arith.extui %lt3A_898 : i1 to i32
      %cond3A_900 = arith.constant 0 : i32
      %cond3A_901 = arith.cmpi ne, %convert_element_type3A_899, %cond3A_900 : i32
      scf.if %cond3A_901 {
        %add3A_986 = arith.constant 4 : i32
        %add3A_987 = arith.addi %add3A_863, %add3A_986 : i32
        %add3A_988 = arith.constant 0 : i32
        %add3A_989 = vector.broadcast %add3A_988 : i32 to vector<16xi32>
        %add3A_990 = arith.addi %add3A_989, %iota3A : vector<16xi32>
        %mul3A_991 = arith.constant 100 : i32
        %mul3A_992 = vector.broadcast %mul3A_991 : i32 to vector<16xi32>
        %mul3A_993 = arith.muli %add3A_990, %mul3A_992 : vector<16xi32>
        %mul3A_994 = arith.constant 2 : i32
        %mul3A_995 = arith.muli %mul3A_994, %add3A_987 : i32
        %add3A_996 = vector.broadcast %mul3A_995 : i32 to vector<16xi32>
        %add3A_997 = arith.addi %mul3A_993, %add3A_996 : vector<16xi32>
        %gather3A_998 = tpu.vector_load_idx %arg6[%add3A_997] : memref<12800xi32, #tpu.memory_space<vmem>>[vector<16xi32>], vector<16xi32>,
        %add3A_999 = arith.constant 1 : i32
        %add3A_1000 = vector.broadcast %add3A_999 : i32 to vector<16xi32>
        %add3A_1001 = arith.addi %add3A_997, %add3A_1000 : vector<16xi32>
        %gather3A_1002 = tpu.vector_load_idx %arg6[%add3A_1001] : memref<12800xi32, #tpu.memory_space<vmem>>[vector<16xi32>], vector<16xi32>,
        %swap3A_1003 = arith.index_cast %add3A_987 : i32 to index
        %swap3A_1004 = arith.constant 0 : index
        %swap3A_1005 = tpu.vector_load %arg7[%swap3A_1003, %swap3A_1004] {strides = array<i32>} : memref<50x128xi32, #tpu.memory_space<vmem>>, vector<16xi32>,
        tpu.vector_store %arg7[%swap3A_1003, %swap3A_1004], %gather3A_1002 {strides = array<i32>} : memref<50x128xi32, #tpu.memory_space<vmem>>, vector<16xi32>,
        %swap3A_1006 = arith.index_cast %add3A_987 : i32 to index
        %swap3A_1007 = arith.constant 0 : index
        %swap3A_1008 = tpu.vector_load %arg8[%swap3A_1006, %swap3A_1007] {strides = array<i32>} : memref<50x128xi32, #tpu.memory_space<vmem>>, vector<16xi32>,
        tpu.vector_store %arg8[%swap3A_1006, %swap3A_1007], %gather3A_998 {strides = array<i32>} : memref<50x128xi32, #tpu.memory_space<vmem>>, vector<16xi32>,
        %add3A_1009 = arith.constant 16 : i32
        %add3A_1010 = vector.broadcast %add3A_1009 : i32 to vector<16xi32>
        %add3A_1011 = arith.addi %add3A_1010, %iota3A : vector<16xi32>
        %mul3A_1012 = arith.constant 100 : i32
        %mul3A_1013 = vector.broadcast %mul3A_1012 : i32 to vector<16xi32>
        %mul3A_1014 = arith.muli %add3A_1011, %mul3A_1013 : vector<16xi32>
        %mul3A_1015 = arith.constant 2 : i32
        %mul3A_1016 = arith.muli %mul3A_1015, %add3A_987 : i32
        %add3A_1017 = vector.broadcast %mul3A_1016 : i32 to vector<16xi32>
        %add3A_1018 = arith.addi %mul3A_1014, %add3A_1017 : vector<16xi32>
        %gather3A_1019 = tpu.vector_load_idx %arg6[%add3A_1018] : memref<12800xi32, #tpu.memory_space<vmem>>[vector<16xi32>], vector<16xi32>,
        %add3A_1020 = arith.constant 1 : i32
        %add3A_1021 = vector.broadcast %add3A_1020 : i32 to vector<16xi32>
        %add3A_1022 = arith.addi %add3A_1018, %add3A_1021 : vector<16xi32>
        %gather3A_1023 = tpu.vector_load_idx %arg6[%add3A_1022] : memref<12800xi32, #tpu.memory_space<vmem>>[vector<16xi32>], vector<16xi32>,
        %swap3A_1024 = arith.index_cast %add3A_987 : i32 to index
        %swap3A_1025 = arith.constant 16 : index
        %swap3A_1026 = tpu.vector_load %arg7[%swap3A_1024, %swap3A_1025] {strides = array<i32>} : memref<50x128xi32, #tpu.memory_space<vmem>>, vector<16xi32>,
        tpu.vector_store %arg7[%swap3A_1024, %swap3A_1025], %gather3A_1023 {strides = array<i32>} : memref<50x128xi32, #tpu.memory_space<vmem>>, vector<16xi32>,
        %swap3A_1027 = arith.index_cast %add3A_987 : i32 to index
        %swap3A_1028 = arith.constant 16 : index
        %swap3A_1029 = tpu.vector_load %arg8[%swap3A_1027, %swap3A_1028] {strides = array<i32>} : memref<50x128xi32, #tpu.memory_space<vmem>>, vector<16xi32>,
        tpu.vector_store %arg8[%swap3A_1027, %swap3A_1028], %gather3A_1019 {strides = array<i32>} : memref<50x128xi32, #tpu.memory_space<vmem>>, vector<16xi32>,
        %add3A_1030 = arith.constant 32 : i32
        %add3A_1031 = vector.broadcast %add3A_1030 : i32 to vector<16xi32>
        %add3A_1032 = arith.addi %add3A_1031, %iota3A : vector<16xi32>
        %mul3A_1033 = arith.constant 100 : i32
        %mul3A_1034 = vector.broadcast %mul3A_1033 : i32 to vector<16xi32>
        %mul3A_1035 = arith.muli %add3A_1032, %mul3A_1034 : vector<16xi32>
        %mul3A_1036 = arith.constant 2 : i32
        %mul3A_1037 = arith.muli %mul3A_1036, %add3A_987 : i32
        %add3A_1038 = vector.broadcast %mul3A_1037 : i32 to vector<16xi32>
        %add3A_1039 = arith.addi %mul3A_1035, %add3A_1038 : vector<16xi32>
        %gather3A_1040 = tpu.vector_load_idx %arg6[%add3A_1039] : memref<12800xi32, #tpu.memory_space<vmem>>[vector<16xi32>], vector<16xi32>,
        %add3A_1041 = arith.constant 1 : i32
        %add3A_1042 = vector.broadcast %add3A_1041 : i32 to vector<16xi32>
        %add3A_1043 = arith.addi %add3A_1039, %add3A_1042 : vector<16xi32>
        %gather3A_1044 = tpu.vector_load_idx %arg6[%add3A_1043] : memref<12800xi32, #tpu.memory_space<vmem>>[vector<16xi32>], vector<16xi32>,
        %swap3A_1045 = arith.index_cast %add3A_987 : i32 to index
        %swap3A_1046 = arith.constant 32 : index
        %swap3A_1047 = tpu.vector_load %arg7[%swap3A_1045, %swap3A_1046] {strides = array<i32>} : memref<50x128xi32, #tpu.memory_space<vmem>>, vector<16xi32>,
        tpu.vector_store %arg7[%swap3A_1045, %swap3A_1046], %gather3A_1044 {strides = array<i32>} : memref<50x128xi32, #tpu.memory_space<vmem>>, vector<16xi32>,
        %swap3A_1048 = arith.index_cast %add3A_987 : i32 to index
        %swap3A_1049 = arith.constant 32 : index
        %swap3A_1050 = tpu.vector_load %arg8[%swap3A_1048, %swap3A_1049] {strides = array<i32>} : memref<50x128xi32, #tpu.memory_space<vmem>>, vector<16xi32>,
        tpu.vector_store %arg8[%swap3A_1048, %swap3A_1049], %gather3A_1040 {strides = array<i32>} : memref<50x128xi32, #tpu.memory_space<vmem>>, vector<16xi32>,
        %add3A_1051 = arith.constant 48 : i32
        %add3A_1052 = vector.broadcast %add3A_1051 : i32 to vector<16xi32>
        %add3A_1053 = arith.addi %add3A_1052, %iota3A : vector<16xi32>
        %mul3A_1054 = arith.constant 100 : i32
        %mul3A_1055 = vector.broadcast %mul3A_1054 : i32 to vector<16xi32>
        %mul3A_1056 = arith.muli %add3A_1053, %mul3A_1055 : vector<16xi32>
        %mul3A_1057 = arith.constant 2 : i32
        %mul3A_1058 = arith.muli %mul3A_1057, %add3A_987 : i32
        %add3A_1059 = vector.broadcast %mul3A_1058 : i32 to vector<16xi32>
        %add3A_1060 = arith.addi %mul3A_1056, %add3A_1059 : vector<16xi32>
        %gather3A_1061 = tpu.vector_load_idx %arg6[%add3A_1060] : memref<12800xi32, #tpu.memory_space<vmem>>[vector<16xi32>], vector<16xi32>,
        %add3A_1062 = arith.constant 1 : i32
        %add3A_1063 = vector.broadcast %add3A_1062 : i32 to vector<16xi32>
        %add3A_1064 = arith.addi %add3A_1060, %add3A_1063 : vector<16xi32>
        %gather3A_1065 = tpu.vector_load_idx %arg6[%add3A_1064] : memref<12800xi32, #tpu.memory_space<vmem>>[vector<16xi32>], vector<16xi32>,
        %swap3A_1066 = arith.index_cast %add3A_987 : i32 to index
        %swap3A_1067 = arith.constant 48 : index
        %swap3A_1068 = tpu.vector_load %arg7[%swap3A_1066, %swap3A_1067] {strides = array<i32>} : memref<50x128xi32, #tpu.memory_space<vmem>>, vector<16xi32>,
        tpu.vector_store %arg7[%swap3A_1066, %swap3A_1067], %gather3A_1065 {strides = array<i32>} : memref<50x128xi32, #tpu.memory_space<vmem>>, vector<16xi32>,
        %swap3A_1069 = arith.index_cast %add3A_987 : i32 to index
        %swap3A_1070 = arith.constant 48 : index
        %swap3A_1071 = tpu.vector_load %arg8[%swap3A_1069, %swap3A_1070] {strides = array<i32>} : memref<50x128xi32, #tpu.memory_space<vmem>>, vector<16xi32>,
        tpu.vector_store %arg8[%swap3A_1069, %swap3A_1070], %gather3A_1061 {strides = array<i32>} : memref<50x128xi32, #tpu.memory_space<vmem>>, vector<16xi32>,
        %add3A_1072 = arith.constant 64 : i32
        %add3A_1073 = vector.broadcast %add3A_1072 : i32 to vector<16xi32>
        %add3A_1074 = arith.addi %add3A_1073, %iota3A : vector<16xi32>
        %mul3A_1075 = arith.constant 100 : i32
        %mul3A_1076 = vector.broadcast %mul3A_1075 : i32 to vector<16xi32>
        %mul3A_1077 = arith.muli %add3A_1074, %mul3A_1076 : vector<16xi32>
        %mul3A_1078 = arith.constant 2 : i32
        %mul3A_1079 = arith.muli %mul3A_1078, %add3A_987 : i32
        %add3A_1080 = vector.broadcast %mul3A_1079 : i32 to vector<16xi32>
        %add3A_1081 = arith.addi %mul3A_1077, %add3A_1080 : vector<16xi32>
        %gather3A_1082 = tpu.vector_load_idx %arg6[%add3A_1081] : memref<12800xi32, #tpu.memory_space<vmem>>[vector<16xi32>], vector<16xi32>,
        %add3A_1083 = arith.constant 1 : i32
        %add3A_1084 = vector.broadcast %add3A_1083 : i32 to vector<16xi32>
        %add3A_1085 = arith.addi %add3A_1081, %add3A_1084 : vector<16xi32>
        %gather3A_1086 = tpu.vector_load_idx %arg6[%add3A_1085] : memref<12800xi32, #tpu.memory_space<vmem>>[vector<16xi32>], vector<16xi32>,
        %swap3A_1087 = arith.index_cast %add3A_987 : i32 to index
        %swap3A_1088 = arith.constant 64 : index
        %swap3A_1089 = tpu.vector_load %arg7[%swap3A_1087, %swap3A_1088] {strides = array<i32>} : memref<50x128xi32, #tpu.memory_space<vmem>>, vector<16xi32>,
        tpu.vector_store %arg7[%swap3A_1087, %swap3A_1088], %gather3A_1086 {strides = array<i32>} : memref<50x128xi32, #tpu.memory_space<vmem>>, vector<16xi32>,
        %swap3A_1090 = arith.index_cast %add3A_987 : i32 to index
        %swap3A_1091 = arith.constant 64 : index
        %swap3A_1092 = tpu.vector_load %arg8[%swap3A_1090, %swap3A_1091] {strides = array<i32>} : memref<50x128xi32, #tpu.memory_space<vmem>>, vector<16xi32>,
        tpu.vector_store %arg8[%swap3A_1090, %swap3A_1091], %gather3A_1082 {strides = array<i32>} : memref<50x128xi32, #tpu.memory_space<vmem>>, vector<16xi32>,
        %add3A_1093 = arith.constant 80 : i32
        %add3A_1094 = vector.broadcast %add3A_1093 : i32 to vector<16xi32>
        %add3A_1095 = arith.addi %add3A_1094, %iota3A : vector<16xi32>
        %mul3A_1096 = arith.constant 100 : i32
        %mul3A_1097 = vector.broadcast %mul3A_1096 : i32 to vector<16xi32>
        %mul3A_1098 = arith.muli %add3A_1095, %mul3A_1097 : vector<16xi32>
        %mul3A_1099 = arith.constant 2 : i32
        %mul3A_1100 = arith.muli %mul3A_1099, %add3A_987 : i32
        %add3A_1101 = vector.broadcast %mul3A_1100 : i32 to vector<16xi32>
        %add3A_1102 = arith.addi %mul3A_1098, %add3A_1101 : vector<16xi32>
        %gather3A_1103 = tpu.vector_load_idx %arg6[%add3A_1102] : memref<12800xi32, #tpu.memory_space<vmem>>[vector<16xi32>], vector<16xi32>,
        %add3A_1104 = arith.constant 1 : i32
        %add3A_1105 = vector.broadcast %add3A_1104 : i32 to vector<16xi32>
        %add3A_1106 = arith.addi %add3A_1102, %add3A_1105 : vector<16xi32>
        %gather3A_1107 = tpu.vector_load_idx %arg6[%add3A_1106] : memref<12800xi32, #tpu.memory_space<vmem>>[vector<16xi32>], vector<16xi32>,
        %swap3A_1108 = arith.index_cast %add3A_987 : i32 to index
        %swap3A_1109 = arith.constant 80 : index
        %swap3A_1110 = tpu.vector_load %arg7[%swap3A_1108, %swap3A_1109] {strides = array<i32>} : memref<50x128xi32, #tpu.memory_space<vmem>>, vector<16xi32>,
        tpu.vector_store %arg7[%swap3A_1108, %swap3A_1109], %gather3A_1107 {strides = array<i32>} : memref<50x128xi32, #tpu.memory_space<vmem>>, vector<16xi32>,
        %swap3A_1111 = arith.index_cast %add3A_987 : i32 to index
        %swap3A_1112 = arith.constant 80 : index
        %swap3A_1113 = tpu.vector_load %arg8[%swap3A_1111, %swap3A_1112] {strides = array<i32>} : memref<50x128xi32, #tpu.memory_space<vmem>>, vector<16xi32>,
        tpu.vector_store %arg8[%swap3A_1111, %swap3A_1112], %gather3A_1103 {strides = array<i32>} : memref<50x128xi32, #tpu.memory_space<vmem>>, vector<16xi32>,
        %add3A_1114 = arith.constant 96 : i32
        %add3A_1115 = vector.broadcast %add3A_1114 : i32 to vector<16xi32>
        %add3A_1116 = arith.addi %add3A_1115, %iota3A : vector<16xi32>
        %mul3A_1117 = arith.constant 100 : i32
        %mul3A_1118 = vector.broadcast %mul3A_1117 : i32 to vector<16xi32>
        %mul3A_1119 = arith.muli %add3A_1116, %mul3A_1118 : vector<16xi32>
        %mul3A_1120 = arith.constant 2 : i32
        %mul3A_1121 = arith.muli %mul3A_1120, %add3A_987 : i32
        %add3A_1122 = vector.broadcast %mul3A_1121 : i32 to vector<16xi32>
        %add3A_1123 = arith.addi %mul3A_1119, %add3A_1122 : vector<16xi32>
        %gather3A_1124 = tpu.vector_load_idx %arg6[%add3A_1123] : memref<12800xi32, #tpu.memory_space<vmem>>[vector<16xi32>], vector<16xi32>,
        %add3A_1125 = arith.constant 1 : i32
        %add3A_1126 = vector.broadcast %add3A_1125 : i32 to vector<16xi32>
        %add3A_1127 = arith.addi %add3A_1123, %add3A_1126 : vector<16xi32>
        %gather3A_1128 = tpu.vector_load_idx %arg6[%add3A_1127] : memref<12800xi32, #tpu.memory_space<vmem>>[vector<16xi32>], vector<16xi32>,
        %swap3A_1129 = arith.index_cast %add3A_987 : i32 to index
        %swap3A_1130 = arith.constant 96 : index
        %swap3A_1131 = tpu.vector_load %arg7[%swap3A_1129, %swap3A_1130] {strides = array<i32>} : memref<50x128xi32, #tpu.memory_space<vmem>>, vector<16xi32>,
        tpu.vector_store %arg7[%swap3A_1129, %swap3A_1130], %gather3A_1128 {strides = array<i32>} : memref<50x128xi32, #tpu.memory_space<vmem>>, vector<16xi32>,
        %swap3A_1132 = arith.index_cast %add3A_987 : i32 to index
        %swap3A_1133 = arith.constant 96 : index
        %swap3A_1134 = tpu.vector_load %arg8[%swap3A_1132, %swap3A_1133] {strides = array<i32>} : memref<50x128xi32, #tpu.memory_space<vmem>>, vector<16xi32>,
        tpu.vector_store %arg8[%swap3A_1132, %swap3A_1133], %gather3A_1124 {strides = array<i32>} : memref<50x128xi32, #tpu.memory_space<vmem>>, vector<16xi32>,
        %add3A_1135 = arith.constant 112 : i32
        %add3A_1136 = vector.broadcast %add3A_1135 : i32 to vector<16xi32>
        %add3A_1137 = arith.addi %add3A_1136, %iota3A : vector<16xi32>
        %mul3A_1138 = arith.constant 100 : i32
        %mul3A_1139 = vector.broadcast %mul3A_1138 : i32 to vector<16xi32>
        %mul3A_1140 = arith.muli %add3A_1137, %mul3A_1139 : vector<16xi32>
        %mul3A_1141 = arith.constant 2 : i32
        %mul3A_1142 = arith.muli %mul3A_1141, %add3A_987 : i32
        %add3A_1143 = vector.broadcast %mul3A_1142 : i32 to vector<16xi32>
        %add3A_1144 = arith.addi %mul3A_1140, %add3A_1143 : vector<16xi32>
        %gather3A_1145 = tpu.vector_load_idx %arg6[%add3A_1144] : memref<12800xi32, #tpu.memory_space<vmem>>[vector<16xi32>], vector<16xi32>,
        %add3A_1146 = arith.constant 1 : i32
        %add3A_1147 = vector.broadcast %add3A_1146 : i32 to vector<16xi32>
        %add3A_1148 = arith.addi %add3A_1144, %add3A_1147 : vector<16xi32>
        %gather3A_1149 = tpu.vector_load_idx %arg6[%add3A_1148] : memref<12800xi32, #tpu.memory_space<vmem>>[vector<16xi32>], vector<16xi32>,
        %swap3A_1150 = arith.index_cast %add3A_987 : i32 to index
        %swap3A_1151 = arith.constant 112 : index
        %swap3A_1152 = tpu.vector_load %arg7[%swap3A_1150, %swap3A_1151] {strides = array<i32>} : memref<50x128xi32, #tpu.memory_space<vmem>>, vector<16xi32>,
        tpu.vector_store %arg7[%swap3A_1150, %swap3A_1151], %gather3A_1149 {strides = array<i32>} : memref<50x128xi32, #tpu.memory_space<vmem>>, vector<16xi32>,
        %swap3A_1153 = arith.index_cast %add3A_987 : i32 to index
        %swap3A_1154 = arith.constant 112 : index
        %swap3A_1155 = tpu.vector_load %arg8[%swap3A_1153, %swap3A_1154] {strides = array<i32>} : memref<50x128xi32, #tpu.memory_space<vmem>>, vector<16xi32>,
        tpu.vector_store %arg8[%swap3A_1153, %swap3A_1154], %gather3A_1145 {strides = array<i32>} : memref<50x128xi32, #tpu.memory_space<vmem>>, vector<16xi32>,
        %dma_start3A_1156 = arith.constant 0 : i32
        %dma_start3A_1157 = tpu.memref_slice %arg7[%add3A_987, %dma_start3A_1156] : memref<50x128xi32, #tpu.memory_space<vmem>> -> memref<1x128xi32, #tpu.memory_space<vmem>>
        %dma_start3A_1158 = tpu.memref_squeeze %dma_start3A_1157 : memref<1x128xi32, #tpu.memory_space<vmem>> -> memref<128xi32, #tpu.memory_space<vmem>>
        %dma_start3A_1159 = arith.constant 0 : i32
        %dma_start3A_1160 = arith.constant 0 : i32
        %dma_start3A_1161 = tpu.memref_slice %arg4[%dma_start3A_1159, %dma_start3A_1160] : memref<1440x64xf32, #tpu.memory_space<hbm>> -> memref<1440x64xf32, #tpu.memory_space<hbm>>
        tpu.enqueue_indirect_dma source(%dma_start3A_1161 : memref<1440x64xf32, #tpu.memory_space<hbm>>) target(%arg11 : memref<128x64xf32, #tpu.memory_space<vmem>>) offsets(%dma_start3A_1158 : memref<128xi32, #tpu.memory_space<vmem>>) semaphore(%arg19 : memref<!tpu.dma_semaphore, #tpu.memory_space<semaphore_mem>>)
        %dma_start3A_1162 = arith.constant 0 : i32
        %dma_start3A_1163 = tpu.memref_slice %arg8[%add3A_987, %dma_start3A_1162] : memref<50x128xi32, #tpu.memory_space<vmem>> -> memref<1x128xi32, #tpu.memory_space<vmem>>
        %dma_start3A_1164 = tpu.memref_squeeze %dma_start3A_1163 : memref<1x128xi32, #tpu.memory_space<vmem>> -> memref<128xi32, #tpu.memory_space<vmem>>
        %dma_start3A_1165 = arith.constant 0 : i32
        %dma_start3A_1166 = arith.constant 0 : i32
        %dma_start3A_1167 = tpu.memref_slice %arg3[%dma_start3A_1165, %dma_start3A_1166] : memref<366x64xf32, #tpu.memory_space<hbm>> -> memref<366x64xf32, #tpu.memory_space<hbm>>
        tpu.enqueue_indirect_dma source(%dma_start3A_1167 : memref<366x64xf32, #tpu.memory_space<hbm>>) target(%arg12 : memref<128x64xf32, #tpu.memory_space<vmem>>) offsets(%dma_start3A_1164 : memref<128xi32, #tpu.memory_space<vmem>>) semaphore(%arg19 : memref<!tpu.dma_semaphore, #tpu.memory_space<semaphore_mem>>)
      } else {
      }
      %mul3A_902 = arith.constant 5 : i32
      %mul3A_903 = arith.muli %scan3A_779, %mul3A_902 : i32
      %add3A_904 = arith.constant 3 : i32
      %add3A_905 = arith.addi %mul3A_903, %add3A_904 : i32
      %dma_wait3A_906 = arith.constant 0 : i32
      %dma_wait3A_907 = arith.constant 0 : i32
      %dma_wait3A_908 = tpu.memref_slice %arg7[%dma_wait3A_906, %dma_wait3A_907] : memref<50x128xi32, #tpu.memory_space<vmem>> -> memref<1x128xi32, #tpu.memory_space<vmem>>
      %dma_wait3A_909 = tpu.memref_squeeze %dma_wait3A_908 : memref<1x128xi32, #tpu.memory_space<vmem>> -> memref<128xi32, #tpu.memory_space<vmem>>
      %dma_wait3A_910 = arith.constant 0 : i32
      %dma_wait3A_911 = arith.constant 0 : i32
      %dma_wait3A_912 = tpu.memref_slice %arg4[%dma_wait3A_910, %dma_wait3A_911] : memref<1440x64xf32, #tpu.memory_space<hbm>> -> memref<1440x64xf32, #tpu.memory_space<hbm>>
      tpu.wait_indirect_dma semaphore(%arg19 : memref<!tpu.dma_semaphore, #tpu.memory_space<semaphore_mem>>) src(%dma_wait3A_912 : memref<1440x64xf32, #tpu.memory_space<hbm>>) dst(%arg15 : memref<128x64xf32, #tpu.memory_space<vmem>>)
      %dma_wait3A_913 = arith.constant 0 : i32
      %dma_wait3A_914 = arith.constant 0 : i32
      %dma_wait3A_915 = tpu.memref_slice %arg8[%dma_wait3A_913, %dma_wait3A_914] : memref<50x128xi32, #tpu.memory_space<vmem>> -> memref<1x128xi32, #tpu.memory_space<vmem>>
      %dma_wait3A_916 = tpu.memref_squeeze %dma_wait3A_915 : memref<1x128xi32, #tpu.memory_space<vmem>> -> memref<128xi32, #tpu.memory_space<vmem>>
      %dma_wait3A_917 = arith.constant 0 : i32
      %dma_wait3A_918 = arith.constant 0 : i32
      %dma_wait3A_919 = tpu.memref_slice %arg3[%dma_wait3A_917, %dma_wait3A_918] : memref<366x64xf32, #tpu.memory_space<hbm>> -> memref<366x64xf32, #tpu.memory_space<hbm>>
      tpu.wait_indirect_dma semaphore(%arg19 : memref<!tpu.dma_semaphore, #tpu.memory_space<semaphore_mem>>) src(%dma_wait3A_919 : memref<366x64xf32, #tpu.memory_space<hbm>>) dst(%arg16 : memref<128x64xf32, #tpu.memory_space<vmem>>)
      %gt3A_920 = arith.constant 0 : i32
      %gt3A_921 = arith.cmpi sgt, %add3A_905, %gt3A_920 : i32
      %convert_element_type3A_922 = arith.extui %gt3A_921 : i1 to i32
      %cond3A_923 = arith.constant 0 : i32
      %cond3A_924 = arith.cmpi ne, %convert_element_type3A_922, %cond3A_923 : i32
      scf.if %cond3A_924 {
        %sub3A = arith.constant 1 : i32
        %sub3A_986 = arith.subi %add3A_905, %sub3A : i32
        %dma_wait3A_987 = arith.constant 0 : i32
        %dma_wait3A_988 = tpu.memref_slice %arg5[%sub3A_986, %mul3A_2, %dma_wait3A_987] : memref<50x4096x128xf32, #tpu.memory_space<hbm>> -> memref<1x128x64xf32, #tpu.memory_space<hbm>>
        %dma_wait3A_989 = tpu.memref_squeeze %dma_wait3A_988 : memref<1x128x64xf32, #tpu.memory_space<hbm>> -> memref<128x64xf32, #tpu.memory_space<hbm>>
        %dma_wait3A_990 = arith.constant 0 : i32
        %dma_wait3A_991 = tpu.memref_slice %arg5[%sub3A_986, %mul3A_2, %dma_wait3A_990] : memref<50x4096x128xf32, #tpu.memory_space<hbm>> -> memref<1x128x64xf32, #tpu.memory_space<hbm>>
        %dma_wait3A_992 = tpu.memref_squeeze %dma_wait3A_991 : memref<1x128x64xf32, #tpu.memory_space<hbm>> -> memref<128x64xf32, #tpu.memory_space<hbm>>
        tpu.wait_dma2 semaphore(%arg20 : memref<!tpu.dma_semaphore, #tpu.memory_space<semaphore_mem>>) src(%arg13 : memref<128x64xf32, #tpu.memory_space<vmem>>) dst(%dma_wait3A_992 : memref<128x64xf32, #tpu.memory_space<hbm>>)
        %sub3A_993 = arith.constant 1 : i32
        %sub3A_994 = arith.subi %add3A_905, %sub3A_993 : i32
        %dma_wait3A_995 = arith.constant 64 : i32
        %dma_wait3A_996 = tpu.memref_slice %arg5[%sub3A_994, %mul3A_2, %dma_wait3A_995] : memref<50x4096x128xf32, #tpu.memory_space<hbm>> -> memref<1x128x64xf32, #tpu.memory_space<hbm>>
        %dma_wait3A_997 = tpu.memref_squeeze %dma_wait3A_996 : memref<1x128x64xf32, #tpu.memory_space<hbm>> -> memref<128x64xf32, #tpu.memory_space<hbm>>
        %dma_wait3A_998 = arith.constant 64 : i32
        %dma_wait3A_999 = tpu.memref_slice %arg5[%sub3A_994, %mul3A_2, %dma_wait3A_998] : memref<50x4096x128xf32, #tpu.memory_space<hbm>> -> memref<1x128x64xf32, #tpu.memory_space<hbm>>
        %dma_wait3A_1000 = tpu.memref_squeeze %dma_wait3A_999 : memref<1x128x64xf32, #tpu.memory_space<hbm>> -> memref<128x64xf32, #tpu.memory_space<hbm>>
        tpu.wait_dma2 semaphore(%arg20 : memref<!tpu.dma_semaphore, #tpu.memory_space<semaphore_mem>>) src(%arg14 : memref<128x64xf32, #tpu.memory_space<vmem>>) dst(%dma_wait3A_1000 : memref<128x64xf32, #tpu.memory_space<hbm>>)
      } else {
      }
      %dma_start3A_925 = arith.constant 0 : i32
      %dma_start3A_926 = tpu.memref_slice %arg5[%add3A_905, %mul3A_2, %dma_start3A_925] : memref<50x4096x128xf32, #tpu.memory_space<hbm>> -> memref<1x128x64xf32, #tpu.memory_space<hbm>>
      %dma_start3A_927 = tpu.memref_squeeze %dma_start3A_926 : memref<1x128x64xf32, #tpu.memory_space<hbm>> -> memref<128x64xf32, #tpu.memory_space<hbm>>
      %dma_start3A_928 = arith.constant 0 : i32
      %dma_start3A_929 = tpu.memref_slice %arg5[%add3A_905, %mul3A_2, %dma_start3A_928] : memref<50x4096x128xf32, #tpu.memory_space<hbm>> -> memref<1x128x64xf32, #tpu.memory_space<hbm>>
      %dma_start3A_930 = tpu.memref_squeeze %dma_start3A_929 : memref<1x128x64xf32, #tpu.memory_space<hbm>> -> memref<128x64xf32, #tpu.memory_space<hbm>>
      tpu.enqueue_dma source(%arg15 : memref<128x64xf32, #tpu.memory_space<vmem>>) target(%dma_start3A_930 : memref<128x64xf32, #tpu.memory_space<hbm>>) target_semaphore(%arg20 : memref<!tpu.dma_semaphore, #tpu.memory_space<semaphore_mem>>)
      %dma_start3A_931 = arith.constant 64 : i32
      %dma_start3A_932 = tpu.memref_slice %arg5[%add3A_905, %mul3A_2, %dma_start3A_931] : memref<50x4096x128xf32, #tpu.memory_space<hbm>> -> memref<1x128x64xf32, #tpu.memory_space<hbm>>
      %dma_start3A_933 = tpu.memref_squeeze %dma_start3A_932 : memref<1x128x64xf32, #tpu.memory_space<hbm>> -> memref<128x64xf32, #tpu.memory_space<hbm>>
      %dma_start3A_934 = arith.constant 64 : i32
      %dma_start3A_935 = tpu.memref_slice %arg5[%add3A_905, %mul3A_2, %dma_start3A_934] : memref<50x4096x128xf32, #tpu.memory_space<hbm>> -> memref<1x128x64xf32, #tpu.memory_space<hbm>>
      %dma_start3A_936 = tpu.memref_squeeze %dma_start3A_935 : memref<1x128x64xf32, #tpu.memory_space<hbm>> -> memref<128x64xf32, #tpu.memory_space<hbm>>
      tpu.enqueue_dma source(%arg16 : memref<128x64xf32, #tpu.memory_space<vmem>>) target(%dma_start3A_936 : memref<128x64xf32, #tpu.memory_space<hbm>>) target_semaphore(%arg20 : memref<!tpu.dma_semaphore, #tpu.memory_space<semaphore_mem>>)
      %add3A_937 = arith.constant 4 : i32
      %add3A_938 = arith.addi %add3A_905, %add3A_937 : i32
      %lt3A_939 = arith.constant 50 : i32
      %lt3A_940 = arith.cmpi slt, %add3A_938, %lt3A_939 : i32
      %convert_element_type3A_941 = arith.extui %lt3A_940 : i1 to i32
      %cond3A_942 = arith.constant 0 : i32
      %cond3A_943 = arith.cmpi ne, %convert_element_type3A_941, %cond3A_942 : i32
      scf.if %cond3A_943 {
        %add3A_986 = arith.constant 4 : i32
        %add3A_987 = arith.addi %add3A_905, %add3A_986 : i32
        %add3A_988 = arith.constant 0 : i32
        %add3A_989 = vector.broadcast %add3A_988 : i32 to vector<16xi32>
        %add3A_990 = arith.addi %add3A_989, %iota3A : vector<16xi32>
        %mul3A_991 = arith.constant 100 : i32
        %mul3A_992 = vector.broadcast %mul3A_991 : i32 to vector<16xi32>
        %mul3A_993 = arith.muli %add3A_990, %mul3A_992 : vector<16xi32>
        %mul3A_994 = arith.constant 2 : i32
        %mul3A_995 = arith.muli %mul3A_994, %add3A_987 : i32
        %add3A_996 = vector.broadcast %mul3A_995 : i32 to vector<16xi32>
        %add3A_997 = arith.addi %mul3A_993, %add3A_996 : vector<16xi32>
        %gather3A_998 = tpu.vector_load_idx %arg6[%add3A_997] : memref<12800xi32, #tpu.memory_space<vmem>>[vector<16xi32>], vector<16xi32>,
        %add3A_999 = arith.constant 1 : i32
        %add3A_1000 = vector.broadcast %add3A_999 : i32 to vector<16xi32>
        %add3A_1001 = arith.addi %add3A_997, %add3A_1000 : vector<16xi32>
        %gather3A_1002 = tpu.vector_load_idx %arg6[%add3A_1001] : memref<12800xi32, #tpu.memory_space<vmem>>[vector<16xi32>], vector<16xi32>,
        %swap3A_1003 = arith.index_cast %add3A_987 : i32 to index
        %swap3A_1004 = arith.constant 0 : index
        %swap3A_1005 = tpu.vector_load %arg7[%swap3A_1003, %swap3A_1004] {strides = array<i32>} : memref<50x128xi32, #tpu.memory_space<vmem>>, vector<16xi32>,
        tpu.vector_store %arg7[%swap3A_1003, %swap3A_1004], %gather3A_1002 {strides = array<i32>} : memref<50x128xi32, #tpu.memory_space<vmem>>, vector<16xi32>,
        %swap3A_1006 = arith.index_cast %add3A_987 : i32 to index
        %swap3A_1007 = arith.constant 0 : index
        %swap3A_1008 = tpu.vector_load %arg8[%swap3A_1006, %swap3A_1007] {strides = array<i32>} : memref<50x128xi32, #tpu.memory_space<vmem>>, vector<16xi32>,
        tpu.vector_store %arg8[%swap3A_1006, %swap3A_1007], %gather3A_998 {strides = array<i32>} : memref<50x128xi32, #tpu.memory_space<vmem>>, vector<16xi32>,
        %add3A_1009 = arith.constant 16 : i32
        %add3A_1010 = vector.broadcast %add3A_1009 : i32 to vector<16xi32>
        %add3A_1011 = arith.addi %add3A_1010, %iota3A : vector<16xi32>
        %mul3A_1012 = arith.constant 100 : i32
        %mul3A_1013 = vector.broadcast %mul3A_1012 : i32 to vector<16xi32>
        %mul3A_1014 = arith.muli %add3A_1011, %mul3A_1013 : vector<16xi32>
        %mul3A_1015 = arith.constant 2 : i32
        %mul3A_1016 = arith.muli %mul3A_1015, %add3A_987 : i32
        %add3A_1017 = vector.broadcast %mul3A_1016 : i32 to vector<16xi32>
        %add3A_1018 = arith.addi %mul3A_1014, %add3A_1017 : vector<16xi32>
        %gather3A_1019 = tpu.vector_load_idx %arg6[%add3A_1018] : memref<12800xi32, #tpu.memory_space<vmem>>[vector<16xi32>], vector<16xi32>,
        %add3A_1020 = arith.constant 1 : i32
        %add3A_1021 = vector.broadcast %add3A_1020 : i32 to vector<16xi32>
        %add3A_1022 = arith.addi %add3A_1018, %add3A_1021 : vector<16xi32>
        %gather3A_1023 = tpu.vector_load_idx %arg6[%add3A_1022] : memref<12800xi32, #tpu.memory_space<vmem>>[vector<16xi32>], vector<16xi32>,
        %swap3A_1024 = arith.index_cast %add3A_987 : i32 to index
        %swap3A_1025 = arith.constant 16 : index
        %swap3A_1026 = tpu.vector_load %arg7[%swap3A_1024, %swap3A_1025] {strides = array<i32>} : memref<50x128xi32, #tpu.memory_space<vmem>>, vector<16xi32>,
        tpu.vector_store %arg7[%swap3A_1024, %swap3A_1025], %gather3A_1023 {strides = array<i32>} : memref<50x128xi32, #tpu.memory_space<vmem>>, vector<16xi32>,
        %swap3A_1027 = arith.index_cast %add3A_987 : i32 to index
        %swap3A_1028 = arith.constant 16 : index
        %swap3A_1029 = tpu.vector_load %arg8[%swap3A_1027, %swap3A_1028] {strides = array<i32>} : memref<50x128xi32, #tpu.memory_space<vmem>>, vector<16xi32>,
        tpu.vector_store %arg8[%swap3A_1027, %swap3A_1028], %gather3A_1019 {strides = array<i32>} : memref<50x128xi32, #tpu.memory_space<vmem>>, vector<16xi32>,
        %add3A_1030 = arith.constant 32 : i32
        %add3A_1031 = vector.broadcast %add3A_1030 : i32 to vector<16xi32>
        %add3A_1032 = arith.addi %add3A_1031, %iota3A : vector<16xi32>
        %mul3A_1033 = arith.constant 100 : i32
        %mul3A_1034 = vector.broadcast %mul3A_1033 : i32 to vector<16xi32>
        %mul3A_1035 = arith.muli %add3A_1032, %mul3A_1034 : vector<16xi32>
        %mul3A_1036 = arith.constant 2 : i32
        %mul3A_1037 = arith.muli %mul3A_1036, %add3A_987 : i32
        %add3A_1038 = vector.broadcast %mul3A_1037 : i32 to vector<16xi32>
        %add3A_1039 = arith.addi %mul3A_1035, %add3A_1038 : vector<16xi32>
        %gather3A_1040 = tpu.vector_load_idx %arg6[%add3A_1039] : memref<12800xi32, #tpu.memory_space<vmem>>[vector<16xi32>], vector<16xi32>,
        %add3A_1041 = arith.constant 1 : i32
        %add3A_1042 = vector.broadcast %add3A_1041 : i32 to vector<16xi32>
        %add3A_1043 = arith.addi %add3A_1039, %add3A_1042 : vector<16xi32>
        %gather3A_1044 = tpu.vector_load_idx %arg6[%add3A_1043] : memref<12800xi32, #tpu.memory_space<vmem>>[vector<16xi32>], vector<16xi32>,
        %swap3A_1045 = arith.index_cast %add3A_987 : i32 to index
        %swap3A_1046 = arith.constant 32 : index
        %swap3A_1047 = tpu.vector_load %arg7[%swap3A_1045, %swap3A_1046] {strides = array<i32>} : memref<50x128xi32, #tpu.memory_space<vmem>>, vector<16xi32>,
        tpu.vector_store %arg7[%swap3A_1045, %swap3A_1046], %gather3A_1044 {strides = array<i32>} : memref<50x128xi32, #tpu.memory_space<vmem>>, vector<16xi32>,
        %swap3A_1048 = arith.index_cast %add3A_987 : i32 to index
        %swap3A_1049 = arith.constant 32 : index
        %swap3A_1050 = tpu.vector_load %arg8[%swap3A_1048, %swap3A_1049] {strides = array<i32>} : memref<50x128xi32, #tpu.memory_space<vmem>>, vector<16xi32>,
        tpu.vector_store %arg8[%swap3A_1048, %swap3A_1049], %gather3A_1040 {strides = array<i32>} : memref<50x128xi32, #tpu.memory_space<vmem>>, vector<16xi32>,
        %add3A_1051 = arith.constant 48 : i32
        %add3A_1052 = vector.broadcast %add3A_1051 : i32 to vector<16xi32>
        %add3A_1053 = arith.addi %add3A_1052, %iota3A : vector<16xi32>
        %mul3A_1054 = arith.constant 100 : i32
        %mul3A_1055 = vector.broadcast %mul3A_1054 : i32 to vector<16xi32>
        %mul3A_1056 = arith.muli %add3A_1053, %mul3A_1055 : vector<16xi32>
        %mul3A_1057 = arith.constant 2 : i32
        %mul3A_1058 = arith.muli %mul3A_1057, %add3A_987 : i32
        %add3A_1059 = vector.broadcast %mul3A_1058 : i32 to vector<16xi32>
        %add3A_1060 = arith.addi %mul3A_1056, %add3A_1059 : vector<16xi32>
        %gather3A_1061 = tpu.vector_load_idx %arg6[%add3A_1060] : memref<12800xi32, #tpu.memory_space<vmem>>[vector<16xi32>], vector<16xi32>,
        %add3A_1062 = arith.constant 1 : i32
        %add3A_1063 = vector.broadcast %add3A_1062 : i32 to vector<16xi32>
        %add3A_1064 = arith.addi %add3A_1060, %add3A_1063 : vector<16xi32>
        %gather3A_1065 = tpu.vector_load_idx %arg6[%add3A_1064] : memref<12800xi32, #tpu.memory_space<vmem>>[vector<16xi32>], vector<16xi32>,
        %swap3A_1066 = arith.index_cast %add3A_987 : i32 to index
        %swap3A_1067 = arith.constant 48 : index
        %swap3A_1068 = tpu.vector_load %arg7[%swap3A_1066, %swap3A_1067] {strides = array<i32>} : memref<50x128xi32, #tpu.memory_space<vmem>>, vector<16xi32>,
        tpu.vector_store %arg7[%swap3A_1066, %swap3A_1067], %gather3A_1065 {strides = array<i32>} : memref<50x128xi32, #tpu.memory_space<vmem>>, vector<16xi32>,
        %swap3A_1069 = arith.index_cast %add3A_987 : i32 to index
        %swap3A_1070 = arith.constant 48 : index
        %swap3A_1071 = tpu.vector_load %arg8[%swap3A_1069, %swap3A_1070] {strides = array<i32>} : memref<50x128xi32, #tpu.memory_space<vmem>>, vector<16xi32>,
        tpu.vector_store %arg8[%swap3A_1069, %swap3A_1070], %gather3A_1061 {strides = array<i32>} : memref<50x128xi32, #tpu.memory_space<vmem>>, vector<16xi32>,
        %add3A_1072 = arith.constant 64 : i32
        %add3A_1073 = vector.broadcast %add3A_1072 : i32 to vector<16xi32>
        %add3A_1074 = arith.addi %add3A_1073, %iota3A : vector<16xi32>
        %mul3A_1075 = arith.constant 100 : i32
        %mul3A_1076 = vector.broadcast %mul3A_1075 : i32 to vector<16xi32>
        %mul3A_1077 = arith.muli %add3A_1074, %mul3A_1076 : vector<16xi32>
        %mul3A_1078 = arith.constant 2 : i32
        %mul3A_1079 = arith.muli %mul3A_1078, %add3A_987 : i32
        %add3A_1080 = vector.broadcast %mul3A_1079 : i32 to vector<16xi32>
        %add3A_1081 = arith.addi %mul3A_1077, %add3A_1080 : vector<16xi32>
        %gather3A_1082 = tpu.vector_load_idx %arg6[%add3A_1081] : memref<12800xi32, #tpu.memory_space<vmem>>[vector<16xi32>], vector<16xi32>,
        %add3A_1083 = arith.constant 1 : i32
        %add3A_1084 = vector.broadcast %add3A_1083 : i32 to vector<16xi32>
        %add3A_1085 = arith.addi %add3A_1081, %add3A_1084 : vector<16xi32>
        %gather3A_1086 = tpu.vector_load_idx %arg6[%add3A_1085] : memref<12800xi32, #tpu.memory_space<vmem>>[vector<16xi32>], vector<16xi32>,
        %swap3A_1087 = arith.index_cast %add3A_987 : i32 to index
        %swap3A_1088 = arith.constant 64 : index
        %swap3A_1089 = tpu.vector_load %arg7[%swap3A_1087, %swap3A_1088] {strides = array<i32>} : memref<50x128xi32, #tpu.memory_space<vmem>>, vector<16xi32>,
        tpu.vector_store %arg7[%swap3A_1087, %swap3A_1088], %gather3A_1086 {strides = array<i32>} : memref<50x128xi32, #tpu.memory_space<vmem>>, vector<16xi32>,
        %swap3A_1090 = arith.index_cast %add3A_987 : i32 to index
        %swap3A_1091 = arith.constant 64 : index
        %swap3A_1092 = tpu.vector_load %arg8[%swap3A_1090, %swap3A_1091] {strides = array<i32>} : memref<50x128xi32, #tpu.memory_space<vmem>>, vector<16xi32>,
        tpu.vector_store %arg8[%swap3A_1090, %swap3A_1091], %gather3A_1082 {strides = array<i32>} : memref<50x128xi32, #tpu.memory_space<vmem>>, vector<16xi32>,
        %add3A_1093 = arith.constant 80 : i32
        %add3A_1094 = vector.broadcast %add3A_1093 : i32 to vector<16xi32>
        %add3A_1095 = arith.addi %add3A_1094, %iota3A : vector<16xi32>
        %mul3A_1096 = arith.constant 100 : i32
        %mul3A_1097 = vector.broadcast %mul3A_1096 : i32 to vector<16xi32>
        %mul3A_1098 = arith.muli %add3A_1095, %mul3A_1097 : vector<16xi32>
        %mul3A_1099 = arith.constant 2 : i32
        %mul3A_1100 = arith.muli %mul3A_1099, %add3A_987 : i32
        %add3A_1101 = vector.broadcast %mul3A_1100 : i32 to vector<16xi32>
        %add3A_1102 = arith.addi %mul3A_1098, %add3A_1101 : vector<16xi32>
        %gather3A_1103 = tpu.vector_load_idx %arg6[%add3A_1102] : memref<12800xi32, #tpu.memory_space<vmem>>[vector<16xi32>], vector<16xi32>,
        %add3A_1104 = arith.constant 1 : i32
        %add3A_1105 = vector.broadcast %add3A_1104 : i32 to vector<16xi32>
        %add3A_1106 = arith.addi %add3A_1102, %add3A_1105 : vector<16xi32>
        %gather3A_1107 = tpu.vector_load_idx %arg6[%add3A_1106] : memref<12800xi32, #tpu.memory_space<vmem>>[vector<16xi32>], vector<16xi32>,
        %swap3A_1108 = arith.index_cast %add3A_987 : i32 to index
        %swap3A_1109 = arith.constant 80 : index
        %swap3A_1110 = tpu.vector_load %arg7[%swap3A_1108, %swap3A_1109] {strides = array<i32>} : memref<50x128xi32, #tpu.memory_space<vmem>>, vector<16xi32>,
        tpu.vector_store %arg7[%swap3A_1108, %swap3A_1109], %gather3A_1107 {strides = array<i32>} : memref<50x128xi32, #tpu.memory_space<vmem>>, vector<16xi32>,
        %swap3A_1111 = arith.index_cast %add3A_987 : i32 to index
        %swap3A_1112 = arith.constant 80 : index
        %swap3A_1113 = tpu.vector_load %arg8[%swap3A_1111, %swap3A_1112] {strides = array<i32>} : memref<50x128xi32, #tpu.memory_space<vmem>>, vector<16xi32>,
        tpu.vector_store %arg8[%swap3A_1111, %swap3A_1112], %gather3A_1103 {strides = array<i32>} : memref<50x128xi32, #tpu.memory_space<vmem>>, vector<16xi32>,
        %add3A_1114 = arith.constant 96 : i32
        %add3A_1115 = vector.broadcast %add3A_1114 : i32 to vector<16xi32>
        %add3A_1116 = arith.addi %add3A_1115, %iota3A : vector<16xi32>
        %mul3A_1117 = arith.constant 100 : i32
        %mul3A_1118 = vector.broadcast %mul3A_1117 : i32 to vector<16xi32>
        %mul3A_1119 = arith.muli %add3A_1116, %mul3A_1118 : vector<16xi32>
        %mul3A_1120 = arith.constant 2 : i32
        %mul3A_1121 = arith.muli %mul3A_1120, %add3A_987 : i32
        %add3A_1122 = vector.broadcast %mul3A_1121 : i32 to vector<16xi32>
        %add3A_1123 = arith.addi %mul3A_1119, %add3A_1122 : vector<16xi32>
        %gather3A_1124 = tpu.vector_load_idx %arg6[%add3A_1123] : memref<12800xi32, #tpu.memory_space<vmem>>[vector<16xi32>], vector<16xi32>,
        %add3A_1125 = arith.constant 1 : i32
        %add3A_1126 = vector.broadcast %add3A_1125 : i32 to vector<16xi32>
        %add3A_1127 = arith.addi %add3A_1123, %add3A_1126 : vector<16xi32>
        %gather3A_1128 = tpu.vector_load_idx %arg6[%add3A_1127] : memref<12800xi32, #tpu.memory_space<vmem>>[vector<16xi32>], vector<16xi32>,
        %swap3A_1129 = arith.index_cast %add3A_987 : i32 to index
        %swap3A_1130 = arith.constant 96 : index
        %swap3A_1131 = tpu.vector_load %arg7[%swap3A_1129, %swap3A_1130] {strides = array<i32>} : memref<50x128xi32, #tpu.memory_space<vmem>>, vector<16xi32>,
        tpu.vector_store %arg7[%swap3A_1129, %swap3A_1130], %gather3A_1128 {strides = array<i32>} : memref<50x128xi32, #tpu.memory_space<vmem>>, vector<16xi32>,
        %swap3A_1132 = arith.index_cast %add3A_987 : i32 to index
        %swap3A_1133 = arith.constant 96 : index
        %swap3A_1134 = tpu.vector_load %arg8[%swap3A_1132, %swap3A_1133] {strides = array<i32>} : memref<50x128xi32, #tpu.memory_space<vmem>>, vector<16xi32>,
        tpu.vector_store %arg8[%swap3A_1132, %swap3A_1133], %gather3A_1124 {strides = array<i32>} : memref<50x128xi32, #tpu.memory_space<vmem>>, vector<16xi32>,
        %add3A_1135 = arith.constant 112 : i32
        %add3A_1136 = vector.broadcast %add3A_1135 : i32 to vector<16xi32>
        %add3A_1137 = arith.addi %add3A_1136, %iota3A : vector<16xi32>
        %mul3A_1138 = arith.constant 100 : i32
        %mul3A_1139 = vector.broadcast %mul3A_1138 : i32 to vector<16xi32>
        %mul3A_1140 = arith.muli %add3A_1137, %mul3A_1139 : vector<16xi32>
        %mul3A_1141 = arith.constant 2 : i32
        %mul3A_1142 = arith.muli %mul3A_1141, %add3A_987 : i32
        %add3A_1143 = vector.broadcast %mul3A_1142 : i32 to vector<16xi32>
        %add3A_1144 = arith.addi %mul3A_1140, %add3A_1143 : vector<16xi32>
        %gather3A_1145 = tpu.vector_load_idx %arg6[%add3A_1144] : memref<12800xi32, #tpu.memory_space<vmem>>[vector<16xi32>], vector<16xi32>,
        %add3A_1146 = arith.constant 1 : i32
        %add3A_1147 = vector.broadcast %add3A_1146 : i32 to vector<16xi32>
        %add3A_1148 = arith.addi %add3A_1144, %add3A_1147 : vector<16xi32>
        %gather3A_1149 = tpu.vector_load_idx %arg6[%add3A_1148] : memref<12800xi32, #tpu.memory_space<vmem>>[vector<16xi32>], vector<16xi32>,
        %swap3A_1150 = arith.index_cast %add3A_987 : i32 to index
        %swap3A_1151 = arith.constant 112 : index
        %swap3A_1152 = tpu.vector_load %arg7[%swap3A_1150, %swap3A_1151] {strides = array<i32>} : memref<50x128xi32, #tpu.memory_space<vmem>>, vector<16xi32>,
        tpu.vector_store %arg7[%swap3A_1150, %swap3A_1151], %gather3A_1149 {strides = array<i32>} : memref<50x128xi32, #tpu.memory_space<vmem>>, vector<16xi32>,
        %swap3A_1153 = arith.index_cast %add3A_987 : i32 to index
        %swap3A_1154 = arith.constant 112 : index
        %swap3A_1155 = tpu.vector_load %arg8[%swap3A_1153, %swap3A_1154] {strides = array<i32>} : memref<50x128xi32, #tpu.memory_space<vmem>>, vector<16xi32>,
        tpu.vector_store %arg8[%swap3A_1153, %swap3A_1154], %gather3A_1145 {strides = array<i32>} : memref<50x128xi32, #tpu.memory_space<vmem>>, vector<16xi32>,
        %dma_start3A_1156 = arith.constant 0 : i32
        %dma_start3A_1157 = tpu.memref_slice %arg7[%add3A_987, %dma_start3A_1156] : memref<50x128xi32, #tpu.memory_space<vmem>> -> memref<1x128xi32, #tpu.memory_space<vmem>>
        %dma_start3A_1158 = tpu.memref_squeeze %dma_start3A_1157 : memref<1x128xi32, #tpu.memory_space<vmem>> -> memref<128xi32, #tpu.memory_space<vmem>>
        %dma_start3A_1159 = arith.constant 0 : i32
        %dma_start3A_1160 = arith.constant 0 : i32
        %dma_start3A_1161 = tpu.memref_slice %arg4[%dma_start3A_1159, %dma_start3A_1160] : memref<1440x64xf32, #tpu.memory_space<hbm>> -> memref<1440x64xf32, #tpu.memory_space<hbm>>
        tpu.enqueue_indirect_dma source(%dma_start3A_1161 : memref<1440x64xf32, #tpu.memory_space<hbm>>) target(%arg13 : memref<128x64xf32, #tpu.memory_space<vmem>>) offsets(%dma_start3A_1158 : memref<128xi32, #tpu.memory_space<vmem>>) semaphore(%arg19 : memref<!tpu.dma_semaphore, #tpu.memory_space<semaphore_mem>>)
        %dma_start3A_1162 = arith.constant 0 : i32
        %dma_start3A_1163 = tpu.memref_slice %arg8[%add3A_987, %dma_start3A_1162] : memref<50x128xi32, #tpu.memory_space<vmem>> -> memref<1x128xi32, #tpu.memory_space<vmem>>
        %dma_start3A_1164 = tpu.memref_squeeze %dma_start3A_1163 : memref<1x128xi32, #tpu.memory_space<vmem>> -> memref<128xi32, #tpu.memory_space<vmem>>
        %dma_start3A_1165 = arith.constant 0 : i32
        %dma_start3A_1166 = arith.constant 0 : i32
        %dma_start3A_1167 = tpu.memref_slice %arg3[%dma_start3A_1165, %dma_start3A_1166] : memref<366x64xf32, #tpu.memory_space<hbm>> -> memref<366x64xf32, #tpu.memory_space<hbm>>
        tpu.enqueue_indirect_dma source(%dma_start3A_1167 : memref<366x64xf32, #tpu.memory_space<hbm>>) target(%arg14 : memref<128x64xf32, #tpu.memory_space<vmem>>) offsets(%dma_start3A_1164 : memref<128xi32, #tpu.memory_space<vmem>>) semaphore(%arg19 : memref<!tpu.dma_semaphore, #tpu.memory_space<semaphore_mem>>)
      } else {
      }
      %mul3A_944 = arith.constant 5 : i32
      %mul3A_945 = arith.muli %scan3A_779, %mul3A_944 : i32
      %add3A_946 = arith.constant 4 : i32
      %add3A_947 = arith.addi %mul3A_945, %add3A_946 : i32
      %dma_wait3A_948 = arith.constant 0 : i32
      %dma_wait3A_949 = arith.constant 0 : i32
      %dma_wait3A_950 = tpu.memref_slice %arg7[%dma_wait3A_948, %dma_wait3A_949] : memref<50x128xi32, #tpu.memory_space<vmem>> -> memref<1x128xi32, #tpu.memory_space<vmem>>
      %dma_wait3A_951 = tpu.memref_squeeze %dma_wait3A_950 : memref<1x128xi32, #tpu.memory_space<vmem>> -> memref<128xi32, #tpu.memory_space<vmem>>
      %dma_wait3A_952 = arith.constant 0 : i32
      %dma_wait3A_953 = arith.constant 0 : i32
      %dma_wait3A_954 = tpu.memref_slice %arg4[%dma_wait3A_952, %dma_wait3A_953] : memref<1440x64xf32, #tpu.memory_space<hbm>> -> memref<1440x64xf32, #tpu.memory_space<hbm>>
      tpu.wait_indirect_dma semaphore(%arg19 : memref<!tpu.dma_semaphore, #tpu.memory_space<semaphore_mem>>) src(%dma_wait3A_954 : memref<1440x64xf32, #tpu.memory_space<hbm>>) dst(%arg17 : memref<128x64xf32, #tpu.memory_space<vmem>>)
      %dma_wait3A_955 = arith.constant 0 : i32
      %dma_wait3A_956 = arith.constant 0 : i32
      %dma_wait3A_957 = tpu.memref_slice %arg8[%dma_wait3A_955, %dma_wait3A_956] : memref<50x128xi32, #tpu.memory_space<vmem>> -> memref<1x128xi32, #tpu.memory_space<vmem>>
      %dma_wait3A_958 = tpu.memref_squeeze %dma_wait3A_957 : memref<1x128xi32, #tpu.memory_space<vmem>> -> memref<128xi32, #tpu.memory_space<vmem>>
      %dma_wait3A_959 = arith.constant 0 : i32
      %dma_wait3A_960 = arith.constant 0 : i32
      %dma_wait3A_961 = tpu.memref_slice %arg3[%dma_wait3A_959, %dma_wait3A_960] : memref<366x64xf32, #tpu.memory_space<hbm>> -> memref<366x64xf32, #tpu.memory_space<hbm>>
      tpu.wait_indirect_dma semaphore(%arg19 : memref<!tpu.dma_semaphore, #tpu.memory_space<semaphore_mem>>) src(%dma_wait3A_961 : memref<366x64xf32, #tpu.memory_space<hbm>>) dst(%arg18 : memref<128x64xf32, #tpu.memory_space<vmem>>)
      %gt3A_962 = arith.constant 0 : i32
      %gt3A_963 = arith.cmpi sgt, %add3A_947, %gt3A_962 : i32
      %convert_element_type3A_964 = arith.extui %gt3A_963 : i1 to i32
      %cond3A_965 = arith.constant 0 : i32
      %cond3A_966 = arith.cmpi ne, %convert_element_type3A_964, %cond3A_965 : i32
      scf.if %cond3A_966 {
        %sub3A = arith.constant 1 : i32
        %sub3A_986 = arith.subi %add3A_947, %sub3A : i32
        %dma_wait3A_987 = arith.constant 0 : i32
        %dma_wait3A_988 = tpu.memref_slice %arg5[%sub3A_986, %mul3A_2, %dma_wait3A_987] : memref<50x4096x128xf32, #tpu.memory_space<hbm>> -> memref<1x128x64xf32, #tpu.memory_space<hbm>>
        %dma_wait3A_989 = tpu.memref_squeeze %dma_wait3A_988 : memref<1x128x64xf32, #tpu.memory_space<hbm>> -> memref<128x64xf32, #tpu.memory_space<hbm>>
        %dma_wait3A_990 = arith.constant 0 : i32
        %dma_wait3A_991 = tpu.memref_slice %arg5[%sub3A_986, %mul3A_2, %dma_wait3A_990] : memref<50x4096x128xf32, #tpu.memory_space<hbm>> -> memref<1x128x64xf32, #tpu.memory_space<hbm>>
        %dma_wait3A_992 = tpu.memref_squeeze %dma_wait3A_991 : memref<1x128x64xf32, #tpu.memory_space<hbm>> -> memref<128x64xf32, #tpu.memory_space<hbm>>
        tpu.wait_dma2 semaphore(%arg20 : memref<!tpu.dma_semaphore, #tpu.memory_space<semaphore_mem>>) src(%arg15 : memref<128x64xf32, #tpu.memory_space<vmem>>) dst(%dma_wait3A_992 : memref<128x64xf32, #tpu.memory_space<hbm>>)
        %sub3A_993 = arith.constant 1 : i32
        %sub3A_994 = arith.subi %add3A_947, %sub3A_993 : i32
        %dma_wait3A_995 = arith.constant 64 : i32
        %dma_wait3A_996 = tpu.memref_slice %arg5[%sub3A_994, %mul3A_2, %dma_wait3A_995] : memref<50x4096x128xf32, #tpu.memory_space<hbm>> -> memref<1x128x64xf32, #tpu.memory_space<hbm>>
        %dma_wait3A_997 = tpu.memref_squeeze %dma_wait3A_996 : memref<1x128x64xf32, #tpu.memory_space<hbm>> -> memref<128x64xf32, #tpu.memory_space<hbm>>
        %dma_wait3A_998 = arith.constant 64 : i32
        %dma_wait3A_999 = tpu.memref_slice %arg5[%sub3A_994, %mul3A_2, %dma_wait3A_998] : memref<50x4096x128xf32, #tpu.memory_space<hbm>> -> memref<1x128x64xf32, #tpu.memory_space<hbm>>
        %dma_wait3A_1000 = tpu.memref_squeeze %dma_wait3A_999 : memref<1x128x64xf32, #tpu.memory_space<hbm>> -> memref<128x64xf32, #tpu.memory_space<hbm>>
        tpu.wait_dma2 semaphore(%arg20 : memref<!tpu.dma_semaphore, #tpu.memory_space<semaphore_mem>>) src(%arg16 : memref<128x64xf32, #tpu.memory_space<vmem>>) dst(%dma_wait3A_1000 : memref<128x64xf32, #tpu.memory_space<hbm>>)
      } else {
      }
      %dma_start3A_967 = arith.constant 0 : i32
      %dma_start3A_968 = tpu.memref_slice %arg5[%add3A_947, %mul3A_2, %dma_start3A_967] : memref<50x4096x128xf32, #tpu.memory_space<hbm>> -> memref<1x128x64xf32, #tpu.memory_space<hbm>>
      %dma_start3A_969 = tpu.memref_squeeze %dma_start3A_968 : memref<1x128x64xf32, #tpu.memory_space<hbm>> -> memref<128x64xf32, #tpu.memory_space<hbm>>
      %dma_start3A_970 = arith.constant 0 : i32
      %dma_start3A_971 = tpu.memref_slice %arg5[%add3A_947, %mul3A_2, %dma_start3A_970] : memref<50x4096x128xf32, #tpu.memory_space<hbm>> -> memref<1x128x64xf32, #tpu.memory_space<hbm>>
      %dma_start3A_972 = tpu.memref_squeeze %dma_start3A_971 : memref<1x128x64xf32, #tpu.memory_space<hbm>> -> memref<128x64xf32, #tpu.memory_space<hbm>>
      tpu.enqueue_dma source(%arg17 : memref<128x64xf32, #tpu.memory_space<vmem>>) target(%dma_start3A_972 : memref<128x64xf32, #tpu.memory_space<hbm>>) target_semaphore(%arg20 : memref<!tpu.dma_semaphore, #tpu.memory_space<semaphore_mem>>)
      %dma_start3A_973 = arith.constant 64 : i32
      %dma_start3A_974 = tpu.memref_slice %arg5[%add3A_947, %mul3A_2, %dma_start3A_973] : memref<50x4096x128xf32, #tpu.memory_space<hbm>> -> memref<1x128x64xf32, #tpu.memory_space<hbm>>
      %dma_start3A_975 = tpu.memref_squeeze %dma_start3A_974 : memref<1x128x64xf32, #tpu.memory_space<hbm>> -> memref<128x64xf32, #tpu.memory_space<hbm>>
      %dma_start3A_976 = arith.constant 64 : i32
      %dma_start3A_977 = tpu.memref_slice %arg5[%add3A_947, %mul3A_2, %dma_start3A_976] : memref<50x4096x128xf32, #tpu.memory_space<hbm>> -> memref<1x128x64xf32, #tpu.memory_space<hbm>>
      %dma_start3A_978 = tpu.memref_squeeze %dma_start3A_977 : memref<1x128x64xf32, #tpu.memory_space<hbm>> -> memref<128x64xf32, #tpu.memory_space<hbm>>
      tpu.enqueue_dma source(%arg18 : memref<128x64xf32, #tpu.memory_space<vmem>>) target(%dma_start3A_978 : memref<128x64xf32, #tpu.memory_space<hbm>>) target_semaphore(%arg20 : memref<!tpu.dma_semaphore, #tpu.memory_space<semaphore_mem>>)
      %add3A_979 = arith.constant 4 : i32
      %add3A_980 = arith.addi %add3A_947, %add3A_979 : i32
      %lt3A_981 = arith.constant 50 : i32
      %lt3A_982 = arith.cmpi slt, %add3A_980, %lt3A_981 : i32
      %convert_element_type3A_983 = arith.extui %lt3A_982 : i1 to i32
      %cond3A_984 = arith.constant 0 : i32
      %cond3A_985 = arith.cmpi ne, %convert_element_type3A_983, %cond3A_984 : i32
      scf.if %cond3A_985 {
        %add3A_986 = arith.constant 4 : i32
        %add3A_987 = arith.addi %add3A_947, %add3A_986 : i32
        %add3A_988 = arith.constant 0 : i32
        %add3A_989 = vector.broadcast %add3A_988 : i32 to vector<16xi32>
        %add3A_990 = arith.addi %add3A_989, %iota3A : vector<16xi32>
        %mul3A_991 = arith.constant 100 : i32
        %mul3A_992 = vector.broadcast %mul3A_991 : i32 to vector<16xi32>
        %mul3A_993 = arith.muli %add3A_990, %mul3A_992 : vector<16xi32>
        %mul3A_994 = arith.constant 2 : i32
        %mul3A_995 = arith.muli %mul3A_994, %add3A_987 : i32
        %add3A_996 = vector.broadcast %mul3A_995 : i32 to vector<16xi32>
        %add3A_997 = arith.addi %mul3A_993, %add3A_996 : vector<16xi32>
        %gather3A_998 = tpu.vector_load_idx %arg6[%add3A_997] : memref<12800xi32, #tpu.memory_space<vmem>>[vector<16xi32>], vector<16xi32>,
        %add3A_999 = arith.constant 1 : i32
        %add3A_1000 = vector.broadcast %add3A_999 : i32 to vector<16xi32>
        %add3A_1001 = arith.addi %add3A_997, %add3A_1000 : vector<16xi32>
        %gather3A_1002 = tpu.vector_load_idx %arg6[%add3A_1001] : memref<12800xi32, #tpu.memory_space<vmem>>[vector<16xi32>], vector<16xi32>,
        %swap3A_1003 = arith.index_cast %add3A_987 : i32 to index
        %swap3A_1004 = arith.constant 0 : index
        %swap3A_1005 = tpu.vector_load %arg7[%swap3A_1003, %swap3A_1004] {strides = array<i32>} : memref<50x128xi32, #tpu.memory_space<vmem>>, vector<16xi32>,
        tpu.vector_store %arg7[%swap3A_1003, %swap3A_1004], %gather3A_1002 {strides = array<i32>} : memref<50x128xi32, #tpu.memory_space<vmem>>, vector<16xi32>,
        %swap3A_1006 = arith.index_cast %add3A_987 : i32 to index
        %swap3A_1007 = arith.constant 0 : index
        %swap3A_1008 = tpu.vector_load %arg8[%swap3A_1006, %swap3A_1007] {strides = array<i32>} : memref<50x128xi32, #tpu.memory_space<vmem>>, vector<16xi32>,
        tpu.vector_store %arg8[%swap3A_1006, %swap3A_1007], %gather3A_998 {strides = array<i32>} : memref<50x128xi32, #tpu.memory_space<vmem>>, vector<16xi32>,
        %add3A_1009 = arith.constant 16 : i32
        %add3A_1010 = vector.broadcast %add3A_1009 : i32 to vector<16xi32>
        %add3A_1011 = arith.addi %add3A_1010, %iota3A : vector<16xi32>
        %mul3A_1012 = arith.constant 100 : i32
        %mul3A_1013 = vector.broadcast %mul3A_1012 : i32 to vector<16xi32>
        %mul3A_1014 = arith.muli %add3A_1011, %mul3A_1013 : vector<16xi32>
        %mul3A_1015 = arith.constant 2 : i32
        %mul3A_1016 = arith.muli %mul3A_1015, %add3A_987 : i32
        %add3A_1017 = vector.broadcast %mul3A_1016 : i32 to vector<16xi32>
        %add3A_1018 = arith.addi %mul3A_1014, %add3A_1017 : vector<16xi32>
        %gather3A_1019 = tpu.vector_load_idx %arg6[%add3A_1018] : memref<12800xi32, #tpu.memory_space<vmem>>[vector<16xi32>], vector<16xi32>,
        %add3A_1020 = arith.constant 1 : i32
        %add3A_1021 = vector.broadcast %add3A_1020 : i32 to vector<16xi32>
        %add3A_1022 = arith.addi %add3A_1018, %add3A_1021 : vector<16xi32>
        %gather3A_1023 = tpu.vector_load_idx %arg6[%add3A_1022] : memref<12800xi32, #tpu.memory_space<vmem>>[vector<16xi32>], vector<16xi32>,
        %swap3A_1024 = arith.index_cast %add3A_987 : i32 to index
        %swap3A_1025 = arith.constant 16 : index
        %swap3A_1026 = tpu.vector_load %arg7[%swap3A_1024, %swap3A_1025] {strides = array<i32>} : memref<50x128xi32, #tpu.memory_space<vmem>>, vector<16xi32>,
        tpu.vector_store %arg7[%swap3A_1024, %swap3A_1025], %gather3A_1023 {strides = array<i32>} : memref<50x128xi32, #tpu.memory_space<vmem>>, vector<16xi32>,
        %swap3A_1027 = arith.index_cast %add3A_987 : i32 to index
        %swap3A_1028 = arith.constant 16 : index
        %swap3A_1029 = tpu.vector_load %arg8[%swap3A_1027, %swap3A_1028] {strides = array<i32>} : memref<50x128xi32, #tpu.memory_space<vmem>>, vector<16xi32>,
        tpu.vector_store %arg8[%swap3A_1027, %swap3A_1028], %gather3A_1019 {strides = array<i32>} : memref<50x128xi32, #tpu.memory_space<vmem>>, vector<16xi32>,
        %add3A_1030 = arith.constant 32 : i32
        %add3A_1031 = vector.broadcast %add3A_1030 : i32 to vector<16xi32>
        %add3A_1032 = arith.addi %add3A_1031, %iota3A : vector<16xi32>
        %mul3A_1033 = arith.constant 100 : i32
        %mul3A_1034 = vector.broadcast %mul3A_1033 : i32 to vector<16xi32>
        %mul3A_1035 = arith.muli %add3A_1032, %mul3A_1034 : vector<16xi32>
        %mul3A_1036 = arith.constant 2 : i32
        %mul3A_1037 = arith.muli %mul3A_1036, %add3A_987 : i32
        %add3A_1038 = vector.broadcast %mul3A_1037 : i32 to vector<16xi32>
        %add3A_1039 = arith.addi %mul3A_1035, %add3A_1038 : vector<16xi32>
        %gather3A_1040 = tpu.vector_load_idx %arg6[%add3A_1039] : memref<12800xi32, #tpu.memory_space<vmem>>[vector<16xi32>], vector<16xi32>,
        %add3A_1041 = arith.constant 1 : i32
        %add3A_1042 = vector.broadcast %add3A_1041 : i32 to vector<16xi32>
        %add3A_1043 = arith.addi %add3A_1039, %add3A_1042 : vector<16xi32>
        %gather3A_1044 = tpu.vector_load_idx %arg6[%add3A_1043] : memref<12800xi32, #tpu.memory_space<vmem>>[vector<16xi32>], vector<16xi32>,
        %swap3A_1045 = arith.index_cast %add3A_987 : i32 to index
        %swap3A_1046 = arith.constant 32 : index
        %swap3A_1047 = tpu.vector_load %arg7[%swap3A_1045, %swap3A_1046] {strides = array<i32>} : memref<50x128xi32, #tpu.memory_space<vmem>>, vector<16xi32>,
        tpu.vector_store %arg7[%swap3A_1045, %swap3A_1046], %gather3A_1044 {strides = array<i32>} : memref<50x128xi32, #tpu.memory_space<vmem>>, vector<16xi32>,
        %swap3A_1048 = arith.index_cast %add3A_987 : i32 to index
        %swap3A_1049 = arith.constant 32 : index
        %swap3A_1050 = tpu.vector_load %arg8[%swap3A_1048, %swap3A_1049] {strides = array<i32>} : memref<50x128xi32, #tpu.memory_space<vmem>>, vector<16xi32>,
        tpu.vector_store %arg8[%swap3A_1048, %swap3A_1049], %gather3A_1040 {strides = array<i32>} : memref<50x128xi32, #tpu.memory_space<vmem>>, vector<16xi32>,
        %add3A_1051 = arith.constant 48 : i32
        %add3A_1052 = vector.broadcast %add3A_1051 : i32 to vector<16xi32>
        %add3A_1053 = arith.addi %add3A_1052, %iota3A : vector<16xi32>
        %mul3A_1054 = arith.constant 100 : i32
        %mul3A_1055 = vector.broadcast %mul3A_1054 : i32 to vector<16xi32>
        %mul3A_1056 = arith.muli %add3A_1053, %mul3A_1055 : vector<16xi32>
        %mul3A_1057 = arith.constant 2 : i32
        %mul3A_1058 = arith.muli %mul3A_1057, %add3A_987 : i32
        %add3A_1059 = vector.broadcast %mul3A_1058 : i32 to vector<16xi32>
        %add3A_1060 = arith.addi %mul3A_1056, %add3A_1059 : vector<16xi32>
        %gather3A_1061 = tpu.vector_load_idx %arg6[%add3A_1060] : memref<12800xi32, #tpu.memory_space<vmem>>[vector<16xi32>], vector<16xi32>,
        %add3A_1062 = arith.constant 1 : i32
        %add3A_1063 = vector.broadcast %add3A_1062 : i32 to vector<16xi32>
        %add3A_1064 = arith.addi %add3A_1060, %add3A_1063 : vector<16xi32>
        %gather3A_1065 = tpu.vector_load_idx %arg6[%add3A_1064] : memref<12800xi32, #tpu.memory_space<vmem>>[vector<16xi32>], vector<16xi32>,
        %swap3A_1066 = arith.index_cast %add3A_987 : i32 to index
        %swap3A_1067 = arith.constant 48 : index
        %swap3A_1068 = tpu.vector_load %arg7[%swap3A_1066, %swap3A_1067] {strides = array<i32>} : memref<50x128xi32, #tpu.memory_space<vmem>>, vector<16xi32>,
        tpu.vector_store %arg7[%swap3A_1066, %swap3A_1067], %gather3A_1065 {strides = array<i32>} : memref<50x128xi32, #tpu.memory_space<vmem>>, vector<16xi32>,
        %swap3A_1069 = arith.index_cast %add3A_987 : i32 to index
        %swap3A_1070 = arith.constant 48 : index
        %swap3A_1071 = tpu.vector_load %arg8[%swap3A_1069, %swap3A_1070] {strides = array<i32>} : memref<50x128xi32, #tpu.memory_space<vmem>>, vector<16xi32>,
        tpu.vector_store %arg8[%swap3A_1069, %swap3A_1070], %gather3A_1061 {strides = array<i32>} : memref<50x128xi32, #tpu.memory_space<vmem>>, vector<16xi32>,
        %add3A_1072 = arith.constant 64 : i32
        %add3A_1073 = vector.broadcast %add3A_1072 : i32 to vector<16xi32>
        %add3A_1074 = arith.addi %add3A_1073, %iota3A : vector<16xi32>
        %mul3A_1075 = arith.constant 100 : i32
        %mul3A_1076 = vector.broadcast %mul3A_1075 : i32 to vector<16xi32>
        %mul3A_1077 = arith.muli %add3A_1074, %mul3A_1076 : vector<16xi32>
        %mul3A_1078 = arith.constant 2 : i32
        %mul3A_1079 = arith.muli %mul3A_1078, %add3A_987 : i32
        %add3A_1080 = vector.broadcast %mul3A_1079 : i32 to vector<16xi32>
        %add3A_1081 = arith.addi %mul3A_1077, %add3A_1080 : vector<16xi32>
        %gather3A_1082 = tpu.vector_load_idx %arg6[%add3A_1081] : memref<12800xi32, #tpu.memory_space<vmem>>[vector<16xi32>], vector<16xi32>,
        %add3A_1083 = arith.constant 1 : i32
        %add3A_1084 = vector.broadcast %add3A_1083 : i32 to vector<16xi32>
        %add3A_1085 = arith.addi %add3A_1081, %add3A_1084 : vector<16xi32>
        %gather3A_1086 = tpu.vector_load_idx %arg6[%add3A_1085] : memref<12800xi32, #tpu.memory_space<vmem>>[vector<16xi32>], vector<16xi32>,
        %swap3A_1087 = arith.index_cast %add3A_987 : i32 to index
        %swap3A_1088 = arith.constant 64 : index
        %swap3A_1089 = tpu.vector_load %arg7[%swap3A_1087, %swap3A_1088] {strides = array<i32>} : memref<50x128xi32, #tpu.memory_space<vmem>>, vector<16xi32>,
        tpu.vector_store %arg7[%swap3A_1087, %swap3A_1088], %gather3A_1086 {strides = array<i32>} : memref<50x128xi32, #tpu.memory_space<vmem>>, vector<16xi32>,
        %swap3A_1090 = arith.index_cast %add3A_987 : i32 to index
        %swap3A_1091 = arith.constant 64 : index
        %swap3A_1092 = tpu.vector_load %arg8[%swap3A_1090, %swap3A_1091] {strides = array<i32>} : memref<50x128xi32, #tpu.memory_space<vmem>>, vector<16xi32>,
        tpu.vector_store %arg8[%swap3A_1090, %swap3A_1091], %gather3A_1082 {strides = array<i32>} : memref<50x128xi32, #tpu.memory_space<vmem>>, vector<16xi32>,
        %add3A_1093 = arith.constant 80 : i32
        %add3A_1094 = vector.broadcast %add3A_1093 : i32 to vector<16xi32>
        %add3A_1095 = arith.addi %add3A_1094, %iota3A : vector<16xi32>
        %mul3A_1096 = arith.constant 100 : i32
        %mul3A_1097 = vector.broadcast %mul3A_1096 : i32 to vector<16xi32>
        %mul3A_1098 = arith.muli %add3A_1095, %mul3A_1097 : vector<16xi32>
        %mul3A_1099 = arith.constant 2 : i32
        %mul3A_1100 = arith.muli %mul3A_1099, %add3A_987 : i32
        %add3A_1101 = vector.broadcast %mul3A_1100 : i32 to vector<16xi32>
        %add3A_1102 = arith.addi %mul3A_1098, %add3A_1101 : vector<16xi32>
        %gather3A_1103 = tpu.vector_load_idx %arg6[%add3A_1102] : memref<12800xi32, #tpu.memory_space<vmem>>[vector<16xi32>], vector<16xi32>,
        %add3A_1104 = arith.constant 1 : i32
        %add3A_1105 = vector.broadcast %add3A_1104 : i32 to vector<16xi32>
        %add3A_1106 = arith.addi %add3A_1102, %add3A_1105 : vector<16xi32>
        %gather3A_1107 = tpu.vector_load_idx %arg6[%add3A_1106] : memref<12800xi32, #tpu.memory_space<vmem>>[vector<16xi32>], vector<16xi32>,
        %swap3A_1108 = arith.index_cast %add3A_987 : i32 to index
        %swap3A_1109 = arith.constant 80 : index
        %swap3A_1110 = tpu.vector_load %arg7[%swap3A_1108, %swap3A_1109] {strides = array<i32>} : memref<50x128xi32, #tpu.memory_space<vmem>>, vector<16xi32>,
        tpu.vector_store %arg7[%swap3A_1108, %swap3A_1109], %gather3A_1107 {strides = array<i32>} : memref<50x128xi32, #tpu.memory_space<vmem>>, vector<16xi32>,
        %swap3A_1111 = arith.index_cast %add3A_987 : i32 to index
        %swap3A_1112 = arith.constant 80 : index
        %swap3A_1113 = tpu.vector_load %arg8[%swap3A_1111, %swap3A_1112] {strides = array<i32>} : memref<50x128xi32, #tpu.memory_space<vmem>>, vector<16xi32>,
        tpu.vector_store %arg8[%swap3A_1111, %swap3A_1112], %gather3A_1103 {strides = array<i32>} : memref<50x128xi32, #tpu.memory_space<vmem>>, vector<16xi32>,
        %add3A_1114 = arith.constant 96 : i32
        %add3A_1115 = vector.broadcast %add3A_1114 : i32 to vector<16xi32>
        %add3A_1116 = arith.addi %add3A_1115, %iota3A : vector<16xi32>
        %mul3A_1117 = arith.constant 100 : i32
        %mul3A_1118 = vector.broadcast %mul3A_1117 : i32 to vector<16xi32>
        %mul3A_1119 = arith.muli %add3A_1116, %mul3A_1118 : vector<16xi32>
        %mul3A_1120 = arith.constant 2 : i32
        %mul3A_1121 = arith.muli %mul3A_1120, %add3A_987 : i32
        %add3A_1122 = vector.broadcast %mul3A_1121 : i32 to vector<16xi32>
        %add3A_1123 = arith.addi %mul3A_1119, %add3A_1122 : vector<16xi32>
        %gather3A_1124 = tpu.vector_load_idx %arg6[%add3A_1123] : memref<12800xi32, #tpu.memory_space<vmem>>[vector<16xi32>], vector<16xi32>,
        %add3A_1125 = arith.constant 1 : i32
        %add3A_1126 = vector.broadcast %add3A_1125 : i32 to vector<16xi32>
        %add3A_1127 = arith.addi %add3A_1123, %add3A_1126 : vector<16xi32>
        %gather3A_1128 = tpu.vector_load_idx %arg6[%add3A_1127] : memref<12800xi32, #tpu.memory_space<vmem>>[vector<16xi32>], vector<16xi32>,
        %swap3A_1129 = arith.index_cast %add3A_987 : i32 to index
        %swap3A_1130 = arith.constant 96 : index
        %swap3A_1131 = tpu.vector_load %arg7[%swap3A_1129, %swap3A_1130] {strides = array<i32>} : memref<50x128xi32, #tpu.memory_space<vmem>>, vector<16xi32>,
        tpu.vector_store %arg7[%swap3A_1129, %swap3A_1130], %gather3A_1128 {strides = array<i32>} : memref<50x128xi32, #tpu.memory_space<vmem>>, vector<16xi32>,
        %swap3A_1132 = arith.index_cast %add3A_987 : i32 to index
        %swap3A_1133 = arith.constant 96 : index
        %swap3A_1134 = tpu.vector_load %arg8[%swap3A_1132, %swap3A_1133] {strides = array<i32>} : memref<50x128xi32, #tpu.memory_space<vmem>>, vector<16xi32>,
        tpu.vector_store %arg8[%swap3A_1132, %swap3A_1133], %gather3A_1124 {strides = array<i32>} : memref<50x128xi32, #tpu.memory_space<vmem>>, vector<16xi32>,
        %add3A_1135 = arith.constant 112 : i32
        %add3A_1136 = vector.broadcast %add3A_1135 : i32 to vector<16xi32>
        %add3A_1137 = arith.addi %add3A_1136, %iota3A : vector<16xi32>
        %mul3A_1138 = arith.constant 100 : i32
        %mul3A_1139 = vector.broadcast %mul3A_1138 : i32 to vector<16xi32>
        %mul3A_1140 = arith.muli %add3A_1137, %mul3A_1139 : vector<16xi32>
        %mul3A_1141 = arith.constant 2 : i32
        %mul3A_1142 = arith.muli %mul3A_1141, %add3A_987 : i32
        %add3A_1143 = vector.broadcast %mul3A_1142 : i32 to vector<16xi32>
        %add3A_1144 = arith.addi %mul3A_1140, %add3A_1143 : vector<16xi32>
        %gather3A_1145 = tpu.vector_load_idx %arg6[%add3A_1144] : memref<12800xi32, #tpu.memory_space<vmem>>[vector<16xi32>], vector<16xi32>,
        %add3A_1146 = arith.constant 1 : i32
        %add3A_1147 = vector.broadcast %add3A_1146 : i32 to vector<16xi32>
        %add3A_1148 = arith.addi %add3A_1144, %add3A_1147 : vector<16xi32>
        %gather3A_1149 = tpu.vector_load_idx %arg6[%add3A_1148] : memref<12800xi32, #tpu.memory_space<vmem>>[vector<16xi32>], vector<16xi32>,
        %swap3A_1150 = arith.index_cast %add3A_987 : i32 to index
        %swap3A_1151 = arith.constant 112 : index
        %swap3A_1152 = tpu.vector_load %arg7[%swap3A_1150, %swap3A_1151] {strides = array<i32>} : memref<50x128xi32, #tpu.memory_space<vmem>>, vector<16xi32>,
        tpu.vector_store %arg7[%swap3A_1150, %swap3A_1151], %gather3A_1149 {strides = array<i32>} : memref<50x128xi32, #tpu.memory_space<vmem>>, vector<16xi32>,
        %swap3A_1153 = arith.index_cast %add3A_987 : i32 to index
        %swap3A_1154 = arith.constant 112 : index
        %swap3A_1155 = tpu.vector_load %arg8[%swap3A_1153, %swap3A_1154] {strides = array<i32>} : memref<50x128xi32, #tpu.memory_space<vmem>>, vector<16xi32>,
        tpu.vector_store %arg8[%swap3A_1153, %swap3A_1154], %gather3A_1145 {strides = array<i32>} : memref<50x128xi32, #tpu.memory_space<vmem>>, vector<16xi32>,
        %dma_start3A_1156 = arith.constant 0 : i32
        %dma_start3A_1157 = tpu.memref_slice %arg7[%add3A_987, %dma_start3A_1156] : memref<50x128xi32, #tpu.memory_space<vmem>> -> memref<1x128xi32, #tpu.memory_space<vmem>>
        %dma_start3A_1158 = tpu.memref_squeeze %dma_start3A_1157 : memref<1x128xi32, #tpu.memory_space<vmem>> -> memref<128xi32, #tpu.memory_space<vmem>>
        %dma_start3A_1159 = arith.constant 0 : i32
        %dma_start3A_1160 = arith.constant 0 : i32
        %dma_start3A_1161 = tpu.memref_slice %arg4[%dma_start3A_1159, %dma_start3A_1160] : memref<1440x64xf32, #tpu.memory_space<hbm>> -> memref<1440x64xf32, #tpu.memory_space<hbm>>
        tpu.enqueue_indirect_dma source(%dma_start3A_1161 : memref<1440x64xf32, #tpu.memory_space<hbm>>) target(%arg15 : memref<128x64xf32, #tpu.memory_space<vmem>>) offsets(%dma_start3A_1158 : memref<128xi32, #tpu.memory_space<vmem>>) semaphore(%arg19 : memref<!tpu.dma_semaphore, #tpu.memory_space<semaphore_mem>>)
        %dma_start3A_1162 = arith.constant 0 : i32
        %dma_start3A_1163 = tpu.memref_slice %arg8[%add3A_987, %dma_start3A_1162] : memref<50x128xi32, #tpu.memory_space<vmem>> -> memref<1x128xi32, #tpu.memory_space<vmem>>
        %dma_start3A_1164 = tpu.memref_squeeze %dma_start3A_1163 : memref<1x128xi32, #tpu.memory_space<vmem>> -> memref<128xi32, #tpu.memory_space<vmem>>
        %dma_start3A_1165 = arith.constant 0 : i32
        %dma_start3A_1166 = arith.constant 0 : i32
        %dma_start3A_1167 = tpu.memref_slice %arg3[%dma_start3A_1165, %dma_start3A_1166] : memref<366x64xf32, #tpu.memory_space<hbm>> -> memref<366x64xf32, #tpu.memory_space<hbm>>
        tpu.enqueue_indirect_dma source(%dma_start3A_1167 : memref<366x64xf32, #tpu.memory_space<hbm>>) target(%arg16 : memref<128x64xf32, #tpu.memory_space<vmem>>) offsets(%dma_start3A_1164 : memref<128xi32, #tpu.memory_space<vmem>>) semaphore(%arg19 : memref<!tpu.dma_semaphore, #tpu.memory_space<semaphore_mem>>)
      } else {
      }
    }
    %scan3A_765 = arith.constant 10 : i32
    %dma_wait3A = arith.constant 49 : i32
    %dma_wait3A_766 = arith.constant 0 : i32
    %dma_wait3A_767 = tpu.memref_slice %arg5[%dma_wait3A, %mul3A_2, %dma_wait3A_766] : memref<50x4096x128xf32, #tpu.memory_space<hbm>> -> memref<1x128x64xf32, #tpu.memory_space<hbm>>
    %dma_wait3A_768 = tpu.memref_squeeze %dma_wait3A_767 : memref<1x128x64xf32, #tpu.memory_space<hbm>> -> memref<128x64xf32, #tpu.memory_space<hbm>>
    %dma_wait3A_769 = arith.constant 0 : i32
    %dma_wait3A_770 = tpu.memref_slice %arg5[%dma_wait3A, %mul3A_2, %dma_wait3A_769] : memref<50x4096x128xf32, #tpu.memory_space<hbm>> -> memref<1x128x64xf32, #tpu.memory_space<hbm>>
    %dma_wait3A_771 = tpu.memref_squeeze %dma_wait3A_770 : memref<1x128x64xf32, #tpu.memory_space<hbm>> -> memref<128x64xf32, #tpu.memory_space<hbm>>
    tpu.wait_dma2 semaphore(%arg20 : memref<!tpu.dma_semaphore, #tpu.memory_space<semaphore_mem>>) src(%arg17 : memref<128x64xf32, #tpu.memory_space<vmem>>) dst(%dma_wait3A_771 : memref<128x64xf32, #tpu.memory_space<hbm>>)
    %dma_wait3A_772 = arith.constant 49 : i32
    %dma_wait3A_773 = arith.constant 64 : i32
    %dma_wait3A_774 = tpu.memref_slice %arg5[%dma_wait3A_772, %mul3A_2, %dma_wait3A_773] : memref<50x4096x128xf32, #tpu.memory_space<hbm>> -> memref<1x128x64xf32, #tpu.memory_space<hbm>>
    %dma_wait3A_775 = tpu.memref_squeeze %dma_wait3A_774 : memref<1x128x64xf32, #tpu.memory_space<hbm>> -> memref<128x64xf32, #tpu.memory_space<hbm>>
    %dma_wait3A_776 = arith.constant 64 : i32
    %dma_wait3A_777 = tpu.memref_slice %arg5[%dma_wait3A_772, %mul3A_2, %dma_wait3A_776] : memref<50x4096x128xf32, #tpu.memory_space<hbm>> -> memref<1x128x64xf32, #tpu.memory_space<hbm>>
    %dma_wait3A_778 = tpu.memref_squeeze %dma_wait3A_777 : memref<1x128x64xf32, #tpu.memory_space<hbm>> -> memref<128x64xf32, #tpu.memory_space<hbm>>
    tpu.wait_dma2 semaphore(%arg20 : memref<!tpu.dma_semaphore, #tpu.memory_space<semaphore_mem>>) src(%arg18 : memref<128x64xf32, #tpu.memory_space<vmem>>) dst(%dma_wait3A_778 : memref<128x64xf32, #tpu.memory_space<hbm>>)
    return
  }
}

</mosaic_0001>

<sc_bundles>
// kernel: kernel.3.cloned.1.call-start
scs
__scs_entry_jumppad:
0x0: {  	(pc) =	sbr.rel $0x88, $3  }
0x1: {  	(tag) =	ssettag $0x0;
	lr =	simm.s32 $0x1  }
0x2: {  	[smem:$0x3F9E] =	sst lr;
	_ =	strace $0xD0000000  }
0x3: {  	_ = 	snop  }
0x4: {  	_ = 	snop  }
0x5: {  	_ = 	snop  }
0x6: {  	_ = 	snop  }
0x7: {  	_ = 	snop  }
__scs_overlays_trampoline_lowered:
0x8: {  	[smem:$0x3FAD] =	sst s0  }
0x9: {  	[smem:$0x3FAE] =	sst s1  }
0xa: {  	[smem:$0x3FAF] =	sst s2  }
0xb: {  	[smem:$0x3FB0] =	sst s3  }
0xc: {  	[smem:$0x3FB1] =	sst s4  }
0xd: {  	[smem:$0x3FB2] =	sst s5  }
0xe: {  	[smem:$0x3FB3] =	sst s6  }
0xf: {  	[smem:$0x3FB4] =	sst s7  }
0x10: {  	[smem:$0x3FB5] =	sst s8  }
0x11: {  	[smem:$0x3FB6] =	sst s9;
	s0 =	simm.s32 @!p0 $0x0  }
0x12: {  	s1 =	sld [smem:$0x3F9C];
	s0 =	simm.s32 @p0 $0x1  }
0x13: {  	[smem:$0x3FB7] =	sst s0;
	s0 =	simm.s32 @!p1 $0x0  }
0x14: {  	s2 =	sld [smem:$0x3F9B];
	s0 =	simm.s32 @p1 $0x1  }
0x15: {  	[smem:$0x3FB8] =	sst s0;
	s0 =	simm.s32 @!p2 $0x0  }
0x16: {  	s3 =	sld [smem:$0x3FDB];
	s0 =	simm.s32 @p2 $0x1  }
0x17: {  	s4 =	simm.s32 $0x1BF5;
	[smem:$0x3FBA] =	sst s0  }
0x18: {  	s0 =	sld [smem:$0x3F9D];
	_ =	swait.ge [sflag:s4], $0x0  }
0x19: {  	s7 =	sld [smem:$0x3F9E]  }
0x1a: {  	s8 =	sadd.s32 $0xFFFFE003, lr  }
0x1b: {  	s9 =	sadd.s32 $0xFFFFFEF7, lr;
	s5 =	simm.s32 $0xFFFFFFFF;
	p2 =	slt.u32 s8, $0xFFFFF086  }
0x1c: {  	p1 =	slt.u32 s9, $0xF7A;
	s5 =	simm.s32 @!p2 $0x0  }
0x1d: {  	s5 =	simm.s32 @p1 $0x1;
	p0 =	seq.s32 s7, s2  }
0x1e: {  	s7 =	smul.u32 @!p0 $0xF7A, s2;
	p2 =	seq.s32 @!p0 s5, $0x0  }
0x1f: {  	s9 =	smul.u32 $0xF7A, s1;
	s8 =	simm.s32 @!p0 $0x1BF5;
	p2 =	por !p2, p0  }
0x20: {  	[sflag:s8] =	ssyncset.s32 @!p0 $0xFFFFF086;
	s6 =	sadd.s32 @!p0 s3, s7;
	s7 =	simm.s32 @!p0 $0x108  }
0x21: {  	s3 =	sadd.s32 s3, s9;
	s6 =	sadd.s32 @!p0 $0x88, s6;
	s7 =	simm.s32 @p2 $0x1082  }
0x22: {  	[simem:s7], [sflag:s8] =	dma.local @!p0 [hbm:s6], $0xF7A  }
0x23: {  	s9 =	sor.u32 $0xD0000000, s2;
	s6 =	simm.s32 $0x108;
	_ =	swait.ge @!p0 [sflag:s8], $0x0  }
0x24: {  	s3 =	sadd.s32 $0x88, s3;
	s6 =	simm.s32 @!p1 $0x1082;
	[sflag:s4] =	ssyncset.s32 $0xFFFFF086  }
0x25: {  	[simem:s6], [sflag:s4] =	dma.local [hbm:s3], $0xF7A  }
0x26: {  	[smem:$0x3F9E] =	sst s1;
	(tag) =	ssettag s2;
	_ =	strace s9  }
0x27: {  	s1 =	sld [smem:$0x3FAE]  }
0x28: {  	s2 =	sld [smem:$0x3FAF]  }
0x29: {  	s4 =	sld [smem:$0x3FB1]  }
0x2a: {  	p0 =	seq.s32 s5, $0x0;
	s5 =	sld [smem:$0x3FB2]  }
0x2b: {  	s6 =	sld [smem:$0x3FB3]  }
0x2c: {  	s7 =	sld [smem:$0x3FB4]  }
0x2d: {  	s3 =	simm.s32 $0x108;
	s8 =	sld [smem:$0x3FB5]  }
0x2e: {  	s3 =	simm.s32 @!p0 $0x1082;
	s9 =	sld [smem:$0x3FB6]  }
0x2f: {  	lr =	sadd.s32 s0, s3;
	s0 =	sld [smem:$0x3FAD]  }
0x30: {  	s3 =	sld [smem:$0x3FB0]  }
0x31: {  	[smem:$0x3FB9] =	sst s10  }
0x32: {  	s10 =	sld [smem:$0x3FB7];
	_ =	sdelay $0x3  }
0x33: {  	p0 =	seq.s32 s10, $0x1;
	s10 =	sld [smem:$0x3FB9];
	_ =	sdelay $0x3  }
0x34: {  	[smem:$0x3FB9] =	sst s10  }
0x35: {  	s10 =	sld [smem:$0x3FB8];
	_ =	sdelay $0x3  }
0x36: {  	p1 =	seq.s32 s10, $0x1;
	s10 =	sld [smem:$0x3FB9];
	_ =	sdelay $0x3  }
0x37: {  	[smem:$0x3FB9] =	sst s10  }
0x38: {  	s10 =	sld [smem:$0x3FBA]  }
0x39: {  	_ = 	snop;
	(pc) =	sbr.ind lr, $3  }
0x3a: {  	_ = 	snop  }
0x3b: {  	_ = 	snop  }
0x3c: {  	p2 =	seq.s32 s10, $0x1;
	s10 =	sld [smem:$0x3FB9]  }
0x3d: {  	_ =	shalt  }
0x3e: {  	_ =	shalt  }
0x3f: {  	_ =	shalt  }
0x40: {  	_ =	shalt  }
0x41: {  	_ =	shalt  }
0x42: {  	_ =	shalt  }
0x43: {  	_ =	shalt  }
0x44: {  	_ =	shalt  }
0x45: {  	_ =	shalt  }
0x46: {  	_ =	shalt  }
0x47: {  	_ =	shalt  }
0x48: {  	_ =	shalt  }
0x49: {  	_ =	shalt  }
0x4a: {  	_ =	shalt  }
0x4b: {  	_ =	shalt  }
0x4c: {  	_ =	shalt  }
0x4d: {  	_ =	shalt  }
0x4e: {  	_ =	shalt  }
0x4f: {  	_ =	shalt  }
0x50: {  	_ =	shalt  }
0x51: {  	_ =	shalt  }
0x52: {  	_ =	shalt  }
0x53: {  	_ =	shalt  }
0x54: {  	_ =	shalt  }
0x55: {  	_ =	shalt  }
0x56: {  	_ =	shalt  }
0x57: {  	_ =	shalt  }
0x58: {  	_ =	shalt  }
0x59: {  	_ =	shalt  }
0x5a: {  	_ =	shalt  }
0x5b: {  	_ =	shalt  }
0x5c: {  	_ =	shalt  }
0x5d: {  	_ =	shalt  }
0x5e: {  	_ =	shalt  }
0x5f: {  	_ =	shalt  }
0x60: {  	_ =	shalt  }
0x61: {  	_ =	shalt  }
0x62: {  	_ =	shalt  }
0x63: {  	_ =	shalt  }
0x64: {  	_ =	shalt  }
0x65: {  	_ =	shalt  }
0x66: {  	_ =	shalt  }
0x67: {  	_ =	shalt  }
0x68: {  	_ =	shalt  }
0x69: {  	_ =	shalt  }
0x6a: {  	_ =	shalt  }
0x6b: {  	_ =	shalt  }
0x6c: {  	_ =	shalt  }
0x6d: {  	_ =	shalt  }
0x6e: {  	_ =	shalt  }
0x6f: {  	_ =	shalt  }
0x70: {  	_ =	shalt  }
0x71: {  	_ =	shalt  }
0x72: {  	_ =	shalt  }
0x73: {  	_ =	shalt  }
0x74: {  	_ =	shalt  }
0x75: {  	_ =	shalt  }
0x76: {  	_ =	shalt  }
0x77: {  	_ =	shalt  }
0x78: {  	_ =	shalt  }
0x79: {  	_ =	shalt  }
0x7a: {  	_ =	shalt  }
0x7b: {  	_ =	shalt  }
0x7c: {  	_ =	shalt  }
0x7d: {  	_ =	shalt  }
0x7e: {  	_ =	shalt  }
0x7f: {  	_ =	shalt  }
0x80: {  	_ =	shalt  }
0x81: {  	_ =	shalt  }
0x82: {  	_ =	shalt  }
0x83: {  	_ =	shalt  }
0x84: {  	_ =	shalt  }
0x85: {  	_ =	shalt  }
0x86: {  	_ =	shalt  }
0x87: {  	_ =	shalt  }
.Lfunc_end0:
.L_simem_size_0:
called_computation_lowered:
.L_overlay_start_0:
0x88: {  	s2 =	sld [smem:$0x3FD9]  }
0x89: {  	s3 =	sld [smem:$0x3FFE];
	_ =	sdelay $0x1  }
0x8a: {  	s1 =	srdreg.scid  }
0x8b: {  	s0 =	sand.u32 $0x1, s1  }
0x8c: {  	s17 =	sshll.u32 s0, $0xA;
	s2 =	sadd.s32 s3, s2  }
0x8d: {  	s2 =	sadd.s32 s2, s17  }
0x8e: {  	[smem:$0x3FC5] =	sst s2  }
0x8f: {  	_ = 	snop  }
0x90: {  	s2 =	sld [smem:$0x3FD0];
	(tm) =	ssettm $0x1  }
0x91: {  	s18 =	sld [smem:$0x3FFB];
	_ =	sdelay $0x3  }
0x92: {  	_ =	strace s18  }
0x93: {  	s3 =	sld [smem:$0x3FFC];
	_ =	sdelay $0x3  }
0x94: {  	_ =	strace s3  }
0x95: {  	s3 =	sld [smem:$0x3FFD];
	_ =	sdelay $0x3  }
0x96: {  	_ =	strace s3  }
0x97: {  	_ =	strace $0x8FFFFFFF  }
0x98: {  	s19 =	sld [smem:$0x3FDB];
	_ =	sdelay $0x1  }
0x99: {  	s4 =	simm.s32 $_scs_section_size  }
0x9a: {  	s5 =	simm.s32 $_size__tile_overlayer_lowered;
	s6 =	simm.s32 $_tile_overlayer_lowered  }
0x9b: {  	s22 =	simm.s32 $0x1BFF;
	s21 =	sshll.u32 s6, $0x1;
	s3 =	sadd.s32 s4, s19  }
0x9c: {  	s7 =	simm.s32 $0x0;
	s20 =	sshll.u32 s5, $0x1;
	s5 =	sadd.s32 s21, s3  }
0x9d: {  	[timem:s7], [sflag:s22] =	dma.local [hbm:s5], s20  }
0x9e: {  	_ =	swait.ge [sflag:s22], s20  }
0x9f: {  	s4 =	ssub.s32 $0x0, s20;
	[sflag:s22] =	ssyncset.done $0x0  }
0xa0: {  	[sflag:s22] =	ssyncadd.s32 s4;
	_ =	sdelay $0x1  }
0xa1: {  	s23 =	simm.s32 $0x1B8B  }
0xa2: {  	_ =	swait.ge [sflag:s23], $0x1  }
0xa3: {  	[sflag:s23] =	ssyncset.done $0x0  }
0xa4: {  	s25 =	simm.s32 $0x1B8E;
	s24 =	sld [smem:$0x3FFE];
	[sflag:s23] =	ssyncadd.s32 $0xFFFFFFFF  }
0xa5: {  	s26 =	simm.s32 $execute0_lowered;
	[smem:$0x3FD2] =	sst s25  }
0xa6: {  	s5 =	sshll.u32 s26, $0x1;
	_ =	strace $0x80000046;
	[dreg:$0x1] =	wrdreg $0xFFFFFFFF  }
0xa7: {  	s28 =	simm.s32 $_size_execute0_lowered;
	s3 =	sadd.s32 s3, s5;
	[dreg:$0x0] =	wrdreg $0x0  }
0xa8: {  	s5 =	sshll.u32 s28, $0x1;
	[dreg:$0x2] =	wrdreg s3  }
0xa9: {  	[dreg:$0x3] =	wrdreg s5  }
0xaa: {  	[dreg:$0x4] =	wrdreg $0xC0  }
0xab: {  	_ =	task [dreg:s7], $0x5FFFF  }
0xac: {  	[dreg:$0x1] =	wrdreg $0xFFFFFFFF  }
0xad: {  	[dreg:$0x0] =	wrdreg $0x60  }
0xae: {  	[dreg:$0x2] =	wrdreg s24  }
0xaf: {  	[dreg:$0x3] =	wrdreg s2  }
0xb0: {  	[dreg:$0x4] =	wrdreg $0x9  }
0xb1: {  	_ =	task.clear_ibuf [dreg:s7], $0x5FFFF;
	_ =	strace $0x90000046  }
0xb2: {  	s29 =	simm.s32 $0x9;
	_ =	strace $0x80000048  }
0xb3: {  	_ =	swait.ge [sflag:s29], $0x1  }
0xb4: {  	[sflag:s29] =	ssyncadd.s32 $0xFFFFFFFF  }
0xb5: {  	_ =	strace $0x90000048  }
0xb6: {  	_ =	sfence  }
0xb7: {  	s30 =	sld [smem:$0x0];
	_ =	sdelay $0x2  }
0xb8: {  	s31 =	sshll.u32 s1, $0xD;
	s1 =	sshrl.u32 s1, $0x2  }
0xb9: {  	s3 =	sand.u32 $0x4000, s31;
	s1 =	sadd.s32 s1, s30  }
0xba: {  	s0 =	sor.u32 s3, s0;
	s1 =	sshll.u32 s1, $0x11  }
0xbb: {  	s0 =	sor.u32 s1, s0  }
0xbc: {  	s0 =	sadd.s32 $0x8F2B, s0  }
0xbd: {  	[sflag:s0] =	ssyncadd.remote.s32 $0x1  }
0xbe: {  	_ =	sfence.sel $0xFFFF  }
0xbf: {  	[dreg:$0x0] =	wrdreg $0xFFFFFFFF;
	(pc) =	sbr.abs _section_cstart, $3  }
0xc0: {  	[dreg:$0x1] =	wrdreg $0xFFFFFFFF  }
0xc1: {  	_ =	task.clear_ibuf [dreg:s7], $0x2FFFF;
	_ =	strace $0x9FFFFFFF  }
0xc2: {  	(tm) =	ssettm $0x7FFFFFFF  }
0xc3: {  	_ =	shalt  }
tec
execute0_lowered:
.L_overlay_start_1:
0x0: {  	(tag) =	ssettag $0x1  }
0x1: {  	v0 =	vlaneseq.u32  }
0x2: {  	v0 =	vmul.u32 $0x64, v0;
	_ =	sdelay $0x1  }
0x3: {  	v1 =	vor.u32 $0x1, v0;
	v2 =	vadd.s32 $0x640, v0;
	v3 =	vadd.s32 $0x641, v0  }
0x4: {  	v4 =	vadd.s32 $0xC80, v0;
	v5 =	vadd.s32 $0xC81, v0;
	v6 =	vadd.s32 $0x12C0, v0  }
0x5: {  	v7 =	vadd.s32 $0x12C1, v0;
	v8 =	vadd.s32 $0x1900, v0;
	v9 =	vadd.s32 $0x1901, v0  }
0x6: {  	v10 =	vadd.s32 $0x1F40, v0;
	v11 =	vadd.s32 $0x1F41, v0;
	v12 =	vadd.s32 $0x2580, v0  }
0x7: {  	v13 =	vadd.s32 $0x2581, v0;
	v14 =	vadd.s32 $0x2BC0, v0;
	v15 =	vadd.s32 $0x2BC1, v0  }
0x8: {  	s0 =	srdreg.scid;
	s5 =	stileid.u32;
	v16 =	vor.u32 $0x2, v0;
	v20 =	vadd.s32 $0xC82, v0;
	v21 =	vadd.s32 $0xC83, v0  }
0x9: {  	s1 =	rddreg [dreg:$0x0];
	s3 =	simm.s32 $0x0;
	s13 =	simm.s32 $0x3;
	v22 =	vadd.s32 $0x12C2, v0;
	v23 =	vadd.s32 $0x12C3, v0;
	v24 =	vadd.s32 $0x1902, v0  }
0xa: {  	s14 =	simm.s32 $0x80;
	s16 =	simm.s32 $0x6400;
	s18 =	simm.s32 $0x8400;
	v25 =	vadd.s32 $0x1903, v0;
	v26 =	vadd.s32 $0x1F42, v0;
	v27 =	vadd.s32 $0x1F43, v0  }
0xb: {  	s20 =	simm.s32 $0xA400;
	s22 =	simm.s32 $0xC400;
	s29 =	simm.s32 $0x12400;
	v28 =	vadd.s32 $0x2582, v0;
	v29 =	vadd.s32 $0x2583, v0;
	v30 =	vadd.s32 $0x2BC2, v0  }
0xc: {  	s31 =	simm.s32 $0x14400;
	s15 =	simm.s32 $0x18400;
	s17 =	simm.s32 $0x2;
	v31 =	vadd.s32 $0x2BC3, v0;
	v32 =	vadd.s32 $0x4, v0;
	v33 =	vadd.s32 $0x5, v0  }
0xd: {  	s19 =	simm.s32 $0x0;
	s0 =	sand.u32 $0x1, s0;
	s2 =	sshll.u32 s5, $0x1;
	v34 =	vadd.s32 $0x644, v0;
	v35 =	vadd.s32 $0x645, v0;
	v36 =	vadd.s32 $0xC84, v0  }
0xe: {  	[smem:$0x7FF] =	sst s3;
	s4 =	sadd.s32 $0x3600, s1;
	s7 =	sshll.u32 s5, $0xF;
	v37 =	vadd.s32 $0xC85, v0;
	v38 =	vadd.s32 $0x12C4, v0;
	v39 =	vadd.s32 $0x12C5, v0  }
0xf: {  	s2 =	sor.u32 s0, s2;
	s6 =	ssub.s32 $0x2, s0;
	s0 =	sshll.u32 s0, $0xE;
	v40 =	vadd.s32 $0x1904, v0;
	v41 =	vadd.s32 $0x1905, v0;
	v42 =	vadd.s32 $0x1F44, v0  }
0x10: {  	s5 =	sadd.s32 $0x800, s1;
	s2 =	smul.u32 $0x640, s2;
	s0 =	sor.u32 s0, s7;
	v43 =	vadd.s32 $0x1F45, v0;
	v44 =	vadd.s32 $0x2584, v0;
	v45 =	vadd.s32 $0x2585, v0  }
0x11: {  	s24 =	sshrl.u32 s6, $0x1;
	v46 =	vadd.s32 $0x2BC4, v0;
	v47 =	vadd.s32 $0x2BC5, v0;
	v50 =	vadd.s32 $0x646, v0;
	s25 =	sor.u32 $0x180000, s0;
	s26 =	sor.u32 $0x100000, s0  }
0x12: {  	v51 =	vadd.s32 $0x647, v0;
	v52 =	vadd.s32 $0xC86, v0;
	v53 =	vadd.s32 $0xC87, v0;
	s28 =	sor.u32 $0x80000, s0;
	s30 =	sor.u32 $0x200000, s0;
	s11 =	sshrl.u32 s0, $0x3  }
.Ltmp0:
0x13: {  	v54 =	vadd.s32 $0x12C6, v0;
	v55 =	vadd.s32 $0x12C7, v0;
	v56 =	vadd.s32 $0x1906, v0;
	s0 =	simm.s32 $0x40;
	s2 =	sadd.s32 s2, s1;
	(pc) =	sbr.rel .LBB2_1-.Ltmp0, $4  }
0x14: {  	v57 =	vadd.s32 $0x1907, v0;
	v58 =	vadd.s32 $0x1F46, v0;
	[tilespmem:$0x1FFC0] =	vst v16;
	v16 =	vor.u32 $0x3, v0;
	s1 =	ssub.s32 s6, s24;
	s8 =	sshrl.u32 s25, $0x3;
	s9 =	sshrl.u32 s26, $0x3  }
0x15: {  	v59 =	vadd.s32 $0x1F47, v0;
	v60 =	vadd.s32 $0x2586, v0;
	[tilespmem:$0x1FFD0] =	vst v16;
	v16 =	vadd.s32 $0x642, v0;
	s10 =	sshrl.u32 s28, $0x3;
	s12 =	sshrl.u32 s30, $0x3;
	s24 =	simm.s32 $0xE400  }
0x16: {  	v48 =	vadd.s32 $0x6, v0;
	v61 =	vadd.s32 $0x2587, v0;
	s26 =	simm.s32 $0x10400;
	[tilespmem:$0x1FFE0] =	vst v16;
	v16 =	vadd.s32 $0x643, v0;
	s6 =	sadd.s32 $0x380800, s2;
	s7 =	smax.u32 s1, $0x1  }
0x17: {  	v49 =	vadd.s32 $0x7, v0;
	v62 =	vadd.s32 $0x2BC6, v0;
	v63 =	vadd.s32 $0x2BC7, v0;
	s1 =	simm.s32 $0x1;
	s2 =	simm.s32 $0x16400;
	_ =	strace $0x80000047;
	[tilespmem:$0x1FFF0] =	vst v16  }
.LBB2_4:
0x18: {  	s19 =	sadd.s32 $0x1, s19  }
0x19: {  	_ =	swait.ge [sflag:s17], $0x2000;
	p0 =	sne.s32 s19, s7  }
.Ltmp1:
0x1a: {  	[sflag:s17] =	ssyncset.done $0x0;
	(pc) =	sbr.rel @!p0 .LBB2_5-.Ltmp1, $4  }
0x1b: {  	[sflag:s17] =	ssyncadd.s32 $0xFFFFE000  }
0x1c: {  	_ =	swait.ge [sflag:s17], $0x2000  }
0x1d: {  	[sflag:s17] =	ssyncset.done $0x0  }
0x1e: {  	[sflag:s17] =	ssyncadd.s32 $0xFFFFE000  }
.LBB2_1:
0x1f: {  	[tilespmem:s3], [sflag:$0x3] =	stream.linear.gather [hbm4b:s6+s3], $0x3200, $0x38;
	[tilespmem:$0x1A400] =	vst v63  }
0x20: {  	_ =	swait.ge [sflag:s13], $0x3200  }
0x21: {  	[sflag:s13] =	ssyncset.done $0x0  }
0x22: {  	[sflag:s13] =	ssyncadd.s32 $0xFFFFCE00  }
0x23: {  	v16 =	vld.idx.msk [tilespmem:v1+s3+$0x0], $0xffff  }
0x24: {  	v17 =	vld.idx.msk [tilespmem:v0+s3+$0x0], $0xffff;
	_ =	sdelay $0x3  }
0x25: {  	[tilespmem:$0x3200] =	vst v16  }
0x26: {  	[tilespmem:$0x4B00] =	vst v17  }
0x27: {  	v16 =	vld.idx.msk [tilespmem:v3+s3+$0x0], $0xffff  }
0x28: {  	v17 =	vld.idx.msk [tilespmem:v2+s3+$0x0], $0xffff;
	_ =	sdelay $0x3  }
0x29: {  	[tilespmem:$0x3210] =	vst v16  }
0x2a: {  	[tilespmem:$0x4B10] =	vst v17  }
0x2b: {  	v16 =	vld.idx.msk [tilespmem:v5+s3+$0x0], $0xffff  }
0x2c: {  	v17 =	vld.idx.msk [tilespmem:v4+s3+$0x0], $0xffff;
	_ =	sdelay $0x3  }
0x2d: {  	[tilespmem:$0x3220] =	vst v16  }
0x2e: {  	[tilespmem:$0x4B20] =	vst v17  }
0x2f: {  	v16 =	vld.idx.msk [tilespmem:v7+s3+$0x0], $0xffff  }
0x30: {  	v17 =	vld.idx.msk [tilespmem:v6+s3+$0x0], $0xffff;
	_ =	sdelay $0x3  }
0x31: {  	[tilespmem:$0x3230] =	vst v16  }
0x32: {  	[tilespmem:$0x4B30] =	vst v17  }
0x33: {  	v16 =	vld.idx.msk [tilespmem:v9+s3+$0x0], $0xffff  }
0x34: {  	v17 =	vld.idx.msk [tilespmem:v8+s3+$0x0], $0xffff;
	_ =	sdelay $0x3  }
0x35: {  	[tilespmem:$0x3240] =	vst v16  }
0x36: {  	[tilespmem:$0x4B40] =	vst v17  }
0x37: {  	v16 =	vld.idx.msk [tilespmem:v11+s3+$0x0], $0xffff  }
0x38: {  	v17 =	vld.idx.msk [tilespmem:v10+s3+$0x0], $0xffff;
	_ =	sdelay $0x3  }
0x39: {  	[tilespmem:$0x3250] =	vst v16  }
0x3a: {  	[tilespmem:$0x4B50] =	vst v17  }
0x3b: {  	v16 =	vld.idx.msk [tilespmem:v13+s3+$0x0], $0xffff  }
0x3c: {  	v17 =	vld.idx.msk [tilespmem:v12+s3+$0x0], $0xffff;
	_ =	sdelay $0x3  }
0x3d: {  	[tilespmem:$0x3260] =	vst v16  }
0x3e: {  	[tilespmem:$0x4B60] =	vst v17  }
0x3f: {  	v16 =	vld.idx.msk [tilespmem:v15+s3+$0x0], $0xffff  }
0x40: {  	v17 =	vld.idx.msk [tilespmem:v14+s3+$0x0], $0xffff;
	_ =	sdelay $0x3  }
0x41: {  	[tilespmem:$0x3270] =	vst v16;
	v16 =	vld [tilespmem:$0x1FFD0]  }
0x42: {  	[tilespmem:$0x4B70] =	vst v17;
	v17 =	vld [tilespmem:$0x1FFC0];
	_ =	sdelay $0x2  }
0x43: {  	s21 =	simm.s32 $0x3200  }
0x44: {  	[tilespmem:s16], [sflag:$0x1] =	stream.indirect.gather [hbm4b:s5+s14], $0x40, s21, s14, $0xb8;
	[tilespmem:$0x1A400] =	vst v63  }
0x45: {  	s25 =	simm.s32 $0x4B00  }
0x46: {  	[tilespmem:s18], [sflag:$0x1] =	stream.indirect.gather [hbm4b:s4+s14], $0x40, s25, s14, $0xb8;
	[tilespmem:$0x1A400] =	vst v63  }
0x47: {  	v16 =	vld.idx.msk [tilespmem:v16+s3+$0x0], $0xffff  }
0x48: {  	v17 =	vld.idx.msk [tilespmem:v17+s3+$0x0], $0xffff;
	_ =	sdelay $0x3  }
0x49: {  	[tilespmem:$0x3280] =	vst v16;
	v16 =	vld [tilespmem:$0x1FFF0]  }
0x4a: {  	[tilespmem:$0x4B80] =	vst v17;
	v17 =	vld [tilespmem:$0x1FFE0];
	_ =	sdelay $0x6  }
0x4b: {  	v16 =	vld.idx.msk [tilespmem:v16+s3+$0x0], $0xffff  }
0x4c: {  	v17 =	vld.idx.msk [tilespmem:v17+s3+$0x0], $0xffff;
	_ =	sdelay $0x3  }
0x4d: {  	[tilespmem:$0x3290] =	vst v16  }
0x4e: {  	[tilespmem:$0x4B90] =	vst v17  }
0x4f: {  	v16 =	vld.idx.msk [tilespmem:v21+s3+$0x0], $0xffff  }
0x50: {  	v17 =	vld.idx.msk [tilespmem:v20+s3+$0x0], $0xffff;
	_ =	sdelay $0x3  }
0x51: {  	[tilespmem:$0x32A0] =	vst v16  }
0x52: {  	[tilespmem:$0x4BA0] =	vst v17  }
0x53: {  	v16 =	vld.idx.msk [tilespmem:v23+s3+$0x0], $0xffff  }
0x54: {  	v17 =	vld.idx.msk [tilespmem:v22+s3+$0x0], $0xffff;
	_ =	sdelay $0x3  }
0x55: {  	[tilespmem:$0x32B0] =	vst v16  }
0x56: {  	[tilespmem:$0x4BB0] =	vst v17  }
0x57: {  	v16 =	vld.idx.msk [tilespmem:v25+s3+$0x0], $0xffff  }
0x58: {  	v17 =	vld.idx.msk [tilespmem:v24+s3+$0x0], $0xffff;
	_ =	sdelay $0x3  }
0x59: {  	[tilespmem:$0x32C0] =	vst v16  }
0x5a: {  	[tilespmem:$0x4BC0] =	vst v17  }
0x5b: {  	v16 =	vld.idx.msk [tilespmem:v27+s3+$0x0], $0xffff  }
0x5c: {  	v17 =	vld.idx.msk [tilespmem:v26+s3+$0x0], $0xffff;
	_ =	sdelay $0x3  }
0x5d: {  	[tilespmem:$0x32D0] =	vst v16  }
0x5e: {  	[tilespmem:$0x4BD0] =	vst v17  }
0x5f: {  	v16 =	vld.idx.msk [tilespmem:v29+s3+$0x0], $0xffff  }
0x60: {  	v17 =	vld.idx.msk [tilespmem:v28+s3+$0x0], $0xffff;
	_ =	sdelay $0x3  }
0x61: {  	[tilespmem:$0x32E0] =	vst v16  }
0x62: {  	[tilespmem:$0x4BE0] =	vst v17  }
0x63: {  	v16 =	vld.idx.msk [tilespmem:v31+s3+$0x0], $0xffff  }
0x64: {  	v17 =	vld.idx.msk [tilespmem:v30+s3+$0x0], $0xffff;
	_ =	sdelay $0x3  }
0x65: {  	[tilespmem:$0x32F0] =	vst v16  }
0x66: {  	s28 =	simm.s32 $0x3280;
	[tilespmem:$0x4BF0] =	vst v17  }
0x67: {  	[tilespmem:s20], [sflag:$0x1] =	stream.indirect.gather [hbm4b:s5+s14], $0x40, s28, s14, $0xb8;
	[tilespmem:$0x1A400] =	vst v63  }
0x68: {  	s30 =	simm.s32 $0x4B80  }
0x69: {  	[tilespmem:s22], [sflag:$0x1] =	stream.indirect.gather [hbm4b:s4+s14], $0x40, s30, s14, $0xb8;
	[tilespmem:$0x1A400] =	vst v63  }
0x6a: {  	v16 =	vld.idx.msk [tilespmem:v33+s3+$0x0], $0xffff  }
0x6b: {  	v17 =	vld.idx.msk [tilespmem:v32+s3+$0x0], $0xffff;
	_ =	sdelay $0x3  }
0x6c: {  	[tilespmem:$0x3300] =	vst v16  }
0x6d: {  	[tilespmem:$0x4C00] =	vst v17  }
0x6e: {  	v16 =	vld.idx.msk [tilespmem:v35+s3+$0x0], $0xffff  }
0x6f: {  	v17 =	vld.idx.msk [tilespmem:v34+s3+$0x0], $0xffff;
	_ =	sdelay $0x3  }
0x70: {  	[tilespmem:$0x3310] =	vst v16  }
0x71: {  	[tilespmem:$0x4C10] =	vst v17  }
0x72: {  	v16 =	vld.idx.msk [tilespmem:v37+s3+$0x0], $0xffff  }
0x73: {  	v17 =	vld.idx.msk [tilespmem:v36+s3+$0x0], $0xffff;
	_ =	sdelay $0x3  }
0x74: {  	[tilespmem:$0x3320] =	vst v16  }
0x75: {  	[tilespmem:$0x4C20] =	vst v17  }
0x76: {  	v16 =	vld.idx.msk [tilespmem:v39+s3+$0x0], $0xffff  }
0x77: {  	v17 =	vld.idx.msk [tilespmem:v38+s3+$0x0], $0xffff;
	_ =	sdelay $0x3  }
0x78: {  	[tilespmem:$0x3330] =	vst v16  }
0x79: {  	[tilespmem:$0x4C30] =	vst v17  }
0x7a: {  	v16 =	vld.idx.msk [tilespmem:v41+s3+$0x0], $0xffff  }
0x7b: {  	v17 =	vld.idx.msk [tilespmem:v40+s3+$0x0], $0xffff;
	_ =	sdelay $0x3  }
0x7c: {  	[tilespmem:$0x3340] =	vst v16  }
0x7d: {  	[tilespmem:$0x4C40] =	vst v17  }
0x7e: {  	v16 =	vld.idx.msk [tilespmem:v43+s3+$0x0], $0xffff  }
0x7f: {  	v17 =	vld.idx.msk [tilespmem:v42+s3+$0x0], $0xffff;
	_ =	sdelay $0x3  }
0x80: {  	[tilespmem:$0x3350] =	vst v16  }
0x81: {  	[tilespmem:$0x4C50] =	vst v17  }
0x82: {  	v16 =	vld.idx.msk [tilespmem:v45+s3+$0x0], $0xffff  }
0x83: {  	v17 =	vld.idx.msk [tilespmem:v44+s3+$0x0], $0xffff;
	_ =	sdelay $0x3  }
0x84: {  	[tilespmem:$0x3360] =	vst v16  }
0x85: {  	[tilespmem:$0x4C60] =	vst v17  }
0x86: {  	v16 =	vld.idx.msk [tilespmem:v47+s3+$0x0], $0xffff  }
0x87: {  	v17 =	vld.idx.msk [tilespmem:v46+s3+$0x0], $0xffff;
	_ =	sdelay $0x3  }
0x88: {  	[tilespmem:$0x3370] =	vst v16  }
0x89: {  	s23 =	simm.s32 $0x3300;
	[tilespmem:$0x4C70] =	vst v17  }
0x8a: {  	[tilespmem:s24], [sflag:$0x1] =	stream.indirect.gather [hbm4b:s5+s14], $0x40, s23, s14, $0xb8;
	[tilespmem:$0x1A400] =	vst v63  }
0x8b: {  	s25 =	simm.s32 $0x4C00  }
0x8c: {  	[tilespmem:s26], [sflag:$0x1] =	stream.indirect.gather [hbm4b:s4+s14], $0x40, s25, s14, $0xb8;
	[tilespmem:$0x1A400] =	vst v63  }
0x8d: {  	v16 =	vld.idx.msk [tilespmem:v49+s3+$0x0], $0xffff  }
0x8e: {  	v17 =	vld.idx.msk [tilespmem:v48+s3+$0x0], $0xffff;
	_ =	sdelay $0x3  }
0x8f: {  	[tilespmem:$0x3380] =	vst v16  }
0x90: {  	[tilespmem:$0x4C80] =	vst v17  }
0x91: {  	v16 =	vld.idx.msk [tilespmem:v51+s3+$0x0], $0xffff  }
0x92: {  	v17 =	vld.idx.msk [tilespmem:v50+s3+$0x0], $0xffff;
	_ =	sdelay $0x3  }
0x93: {  	[tilespmem:$0x3390] =	vst v16  }
0x94: {  	[tilespmem:$0x4C90] =	vst v17  }
0x95: {  	v16 =	vld.idx.msk [tilespmem:v53+s3+$0x0], $0xffff  }
0x96: {  	v17 =	vld.idx.msk [tilespmem:v52+s3+$0x0], $0xffff;
	_ =	sdelay $0x3  }
0x97: {  	[tilespmem:$0x33A0] =	vst v16  }
0x98: {  	[tilespmem:$0x4CA0] =	vst v17  }
0x99: {  	v16 =	vld.idx.msk [tilespmem:v55+s3+$0x0], $0xffff  }
0x9a: {  	v17 =	vld.idx.msk [tilespmem:v54+s3+$0x0], $0xffff;
	_ =	sdelay $0x3  }
0x9b: {  	[tilespmem:$0x33B0] =	vst v16  }
0x9c: {  	[tilespmem:$0x4CB0] =	vst v17  }
0x9d: {  	v16 =	vld.idx.msk [tilespmem:v57+s3+$0x0], $0xffff  }
0x9e: {  	v17 =	vld.idx.msk [tilespmem:v56+s3+$0x0], $0xffff;
	_ =	sdelay $0x3  }
0x9f: {  	[tilespmem:$0x33C0] =	vst v16  }
0xa0: {  	[tilespmem:$0x4CC0] =	vst v17  }
0xa1: {  	v16 =	vld.idx.msk [tilespmem:v59+s3+$0x0], $0xffff  }
0xa2: {  	v17 =	vld.idx.msk [tilespmem:v58+s3+$0x0], $0xffff;
	_ =	sdelay $0x3  }
0xa3: {  	[tilespmem:$0x33D0] =	vst v16  }
0xa4: {  	[tilespmem:$0x4CD0] =	vst v17  }
0xa5: {  	v16 =	vld.idx.msk [tilespmem:v61+s3+$0x0], $0xffff  }
0xa6: {  	v17 =	vld.idx.msk [tilespmem:v60+s3+$0x0], $0xffff;
	_ =	sdelay $0x3  }
0xa7: {  	[tilespmem:$0x33E0] =	vst v16  }
0xa8: {  	[tilespmem:$0x4CE0] =	vst v17  }
0xa9: {  	v16 =	vld.idx.msk [tilespmem:v63+s3+$0x0], $0xffff  }
0xaa: {  	v17 =	vld.idx.msk [tilespmem:v62+s3+$0x0], $0xffff;
	_ =	sdelay $0x3  }
0xab: {  	[tilespmem:$0x33F0] =	vst v16  }
0xac: {  	s21 =	simm.s32 $0x10;
	s28 =	simm.s32 $0x3380;
	[tilespmem:$0x4CF0] =	vst v17  }
0xad: {  	[tilespmem:s29], [sflag:$0x1] =	stream.indirect.gather [hbm4b:s5+s14], $0x40, s28, s14, $0xb8;
	[tilespmem:$0x1A400] =	vst v63  }
0xae: {  	s30 =	simm.s32 $0x4C80;
	s23 =	simm.s32 $0x0;
	s25 =	rddreg [dreg:$0x1]  }
0xaf: {  	[tilespmem:s31], [sflag:$0x1] =	stream.indirect.gather [hbm4b:s4+s14], $0x40, s30, s14, $0xb8;
	[tilespmem:$0x1A400] =	vst v63  }
.LBB2_2:
0xb0: {  	_ =	swait.ge [sflag:s1], $0x2000  }
0xb1: {  	[sflag:s1] =	ssyncset.done $0x0  }
0xb2: {  	[sflag:s1] =	ssyncadd.s32 $0xFFFFE000  }
0xb3: {  	_ =	swait.ge [sflag:s1], $0x2000  }
0xb4: {  	p0 =	seq.s32 s23, $0x0;
	[sflag:s1] =	ssyncset.done $0x0  }
0xb5: {  	s28 =	simm.s32 @!p0 $0x2;
	[sflag:s1] =	ssyncadd.s32 $0xFFFFE000  }
0xb6: {  	_ =	swait.ge @!p0 [sflag:s28], $0x2000  }
0xb7: {  	[sflag:s28] =	ssyncset.done @!p0 $0x0  }
0xb8: {  	[sflag:s28] =	ssyncadd.s32 @!p0 $0xFFFFE000  }
0xb9: {  	s30 =	sadd.s32 $0xFFFFFFF8, s21;
	_ =	swait.ge @!p0 [sflag:s28], $0x2000  }
0xba: {  	v16 =	vadd.s32 s30, v1;
	[sflag:s28] =	ssyncset.done @!p0 $0x0  }
0xbb: {  	v17 =	vadd.s32 s30, v0;
	[sflag:s28] =	ssyncadd.s32 @!p0 $0xFFFFE000;
	s28 =	sadd.s32 s25, s11  }
0xbc: {  	[hbm4b:s28+s0] =	stream.strided.scatter [tilespmem:s16], [sflag:$0x2], $0x2000, s14, s0, $0x38;
	[tilespmem:$0x1A400] =	vst v63  }
0xbd: {  	s28 =	sadd.s32 $0x8, s28  }
0xbe: {  	[hbm4b:s28+s0] =	stream.strided.scatter [tilespmem:s18], [sflag:$0x2], $0x2000, s14, s0, $0x38;
	[tilespmem:$0x1A400] =	vst v63  }
0xbf: {  	v16 =	vld.idx.msk [tilespmem:v16+s3+$0x0], $0xffff  }
0xc0: {  	v17 =	vld.idx.msk [tilespmem:v17+s3+$0x0], $0xffff  }
0xc1: {  	v18 =	vadd.s32 s30, v3  }
0xc2: {  	v19 =	vadd.s32 s30, v2  }
0xc3: {  	s28 =	sshra.s32 s23, $0x2  }
0xc4: {  	[tilespmem:s28+$0x3400] =	vst v16  }
0xc5: {  	[tilespmem:s28+$0x4D00] =	vst v17  }
0xc6: {  	v16 =	vld.idx.msk [tilespmem:v18+s3+$0x0], $0xffff  }
0xc7: {  	v17 =	vld.idx.msk [tilespmem:v19+s3+$0x0], $0xffff  }
0xc8: {  	v18 =	vadd.s32 s30, v5  }
0xc9: {  	v19 =	vadd.s32 s30, v4;
	_ =	sdelay $0x1  }
0xca: {  	[tilespmem:s28+$0x3410] =	vst v16  }
0xcb: {  	[tilespmem:s28+$0x4D10] =	vst v17  }
0xcc: {  	v16 =	vld.idx.msk [tilespmem:v18+s3+$0x0], $0xffff  }
0xcd: {  	v17 =	vld.idx.msk [tilespmem:v19+s3+$0x0], $0xffff  }
0xce: {  	v18 =	vadd.s32 s30, v7  }
0xcf: {  	v19 =	vadd.s32 s30, v6;
	_ =	sdelay $0x1  }
0xd0: {  	[tilespmem:s28+$0x3420] =	vst v16  }
0xd1: {  	[tilespmem:s28+$0x4D20] =	vst v17  }
0xd2: {  	v16 =	vld.idx.msk [tilespmem:v18+s3+$0x0], $0xffff  }
0xd3: {  	v17 =	vld.idx.msk [tilespmem:v19+s3+$0x0], $0xffff  }
0xd4: {  	v18 =	vadd.s32 s30, v9  }
0xd5: {  	v19 =	vadd.s32 s30, v8;
	_ =	sdelay $0x1  }
0xd6: {  	[tilespmem:s28+$0x3430] =	vst v16  }
0xd7: {  	[tilespmem:s28+$0x4D30] =	vst v17  }
0xd8: {  	v16 =	vld.idx.msk [tilespmem:v18+s3+$0x0], $0xffff  }
0xd9: {  	v17 =	vld.idx.msk [tilespmem:v19+s3+$0x0], $0xffff  }
0xda: {  	v18 =	vadd.s32 s30, v11  }
0xdb: {  	v19 =	vadd.s32 s30, v10;
	_ =	sdelay $0x1  }
0xdc: {  	[tilespmem:s28+$0x3440] =	vst v16  }
0xdd: {  	[tilespmem:s28+$0x4D40] =	vst v17  }
0xde: {  	v16 =	vld.idx.msk [tilespmem:v18+s3+$0x0], $0xffff  }
0xdf: {  	v17 =	vld.idx.msk [tilespmem:v19+s3+$0x0], $0xffff  }
0xe0: {  	v18 =	vadd.s32 s30, v13  }
0xe1: {  	v19 =	vadd.s32 s30, v12;
	_ =	sdelay $0x1  }
0xe2: {  	[tilespmem:s28+$0x3450] =	vst v16  }
0xe3: {  	[tilespmem:s28+$0x4D50] =	vst v17  }
0xe4: {  	v16 =	vld.idx.msk [tilespmem:v18+s3+$0x0], $0xffff  }
0xe5: {  	v17 =	vld.idx.msk [tilespmem:v19+s3+$0x0], $0xffff  }
0xe6: {  	v18 =	vadd.s32 s30, v15  }
0xe7: {  	v19 =	vadd.s32 s30, v14;
	_ =	sdelay $0x1  }
0xe8: {  	[tilespmem:s28+$0x3460] =	vst v16  }
0xe9: {  	[tilespmem:s28+$0x4D60] =	vst v17  }
0xea: {  	v16 =	vld.idx.msk [tilespmem:v18+s3+$0x0], $0xffff  }
0xeb: {  	v17 =	vld.idx.msk [tilespmem:v19+s3+$0x0], $0xffff;
	_ =	sdelay $0x3  }
0xec: {  	[tilespmem:s28+$0x3470] =	vst v16  }
0xed: {  	s30 =	sadd.s32 $0x3400, s28;
	[tilespmem:s28+$0x4D70] =	vst v17  }
0xee: {  	[tilespmem:s2], [sflag:$0x1] =	stream.indirect.gather [hbm4b:s5+s14], $0x40, s30, s14, $0xb8;
	[tilespmem:$0x1A400] =	vst v63  }
0xef: {  	s30 =	sadd.s32 $0x4D00, s28  }
0xf0: {  	[tilespmem:s15], [sflag:$0x1] =	stream.indirect.gather [hbm4b:s4+s14], $0x40, s30, s14, $0xb8;
	[tilespmem:$0x1A400] =	vst v63  }
0xf1: {  	_ =	swait.ge [sflag:s1], $0x2000  }
0xf2: {  	[sflag:s1] =	ssyncset.done $0x0  }
0xf3: {  	[sflag:s1] =	ssyncadd.s32 $0xFFFFE000  }
0xf4: {  	_ =	swait.ge [sflag:s1], $0x2000  }
0xf5: {  	[sflag:s1] =	ssyncset.done $0x0  }
0xf6: {  	[sflag:s1] =	ssyncadd.s32 $0xFFFFE000  }
0xf7: {  	_ =	swait.ge [sflag:s17], $0x2000  }
0xf8: {  	[sflag:s17] =	ssyncset.done $0x0  }
0xf9: {  	[sflag:s17] =	ssyncadd.s32 $0xFFFFE000  }
0xfa: {  	_ =	swait.ge [sflag:s17], $0x2000  }
0xfb: {  	[sflag:s17] =	ssyncset.done $0x0  }
0xfc: {  	s30 =	sadd.s32 s25, s10;
	[sflag:s17] =	ssyncadd.s32 $0xFFFFE000  }
0xfd: {  	[hbm4b:s30+s0] =	stream.strided.scatter [tilespmem:s20], [sflag:$0x2], $0x2000, s14, s0, $0x38;
	[tilespmem:$0x1A400] =	vst v63  }
0xfe: {  	p0 =	seq.s32 s23, $0x5A00;
	s30 =	sadd.s32 $0x8, s30  }
0xff: {  	[hbm4b:s30+s0] =	stream.strided.scatter [tilespmem:s22], [sflag:$0x2], $0x2000, s14, s0, $0x38;
	[tilespmem:$0x1A400] =	vst v63  }
0x100: {  	s30 =	sadd.s32 @!p0 $0xFFFFFFFA, s21  }
0x101: {  	v16 =	vadd.s32 @!p0 s30, v1  }
0x102: {  	v17 =	vadd.s32 @!p0 s30, v0;
	_ =	sdelay $0x3  }
0x103: {  	v16 =	vld.idx.msk @!p0 [tilespmem:v16+s3+$0x0], $0xffff  }
0x104: {  	v17 =	vld.idx.msk @!p0 [tilespmem:v17+s3+$0x0], $0xffff  }
0x105: {  	v18 =	vadd.s32 @!p0 s30, v3  }
0x106: {  	v19 =	vadd.s32 @!p0 s30, v2;
	_ =	sdelay $0x1  }
0x107: {  	[tilespmem:s28+$0x3480] =	vst @!p0 v16  }
0x108: {  	[tilespmem:s28+$0x4D80] =	vst @!p0 v17  }
0x109: {  	v16 =	vld.idx.msk @!p0 [tilespmem:v18+s3+$0x0], $0xffff  }
0x10a: {  	v17 =	vld.idx.msk @!p0 [tilespmem:v19+s3+$0x0], $0xffff  }
0x10b: {  	v18 =	vadd.s32 @!p0 s30, v5  }
0x10c: {  	v19 =	vadd.s32 @!p0 s30, v4;
	_ =	sdelay $0x1  }
0x10d: {  	[tilespmem:s28+$0x3490] =	vst @!p0 v16  }
0x10e: {  	[tilespmem:s28+$0x4D90] =	vst @!p0 v17  }
0x10f: {  	v16 =	vld.idx.msk @!p0 [tilespmem:v18+s3+$0x0], $0xffff  }
0x110: {  	v17 =	vld.idx.msk @!p0 [tilespmem:v19+s3+$0x0], $0xffff  }
0x111: {  	v18 =	vadd.s32 @!p0 s30, v7  }
0x112: {  	v19 =	vadd.s32 @!p0 s30, v6;
	_ =	sdelay $0x1  }
0x113: {  	[tilespmem:s28+$0x34A0] =	vst @!p0 v16  }
0x114: {  	[tilespmem:s28+$0x4DA0] =	vst @!p0 v17  }
0x115: {  	v16 =	vld.idx.msk @!p0 [tilespmem:v18+s3+$0x0], $0xffff  }
0x116: {  	v17 =	vld.idx.msk @!p0 [tilespmem:v19+s3+$0x0], $0xffff  }
0x117: {  	v18 =	vadd.s32 @!p0 s30, v9  }
0x118: {  	v19 =	vadd.s32 @!p0 s30, v8;
	_ =	sdelay $0x1  }
0x119: {  	[tilespmem:s28+$0x34B0] =	vst @!p0 v16  }
0x11a: {  	[tilespmem:s28+$0x4DB0] =	vst @!p0 v17  }
0x11b: {  	v16 =	vld.idx.msk @!p0 [tilespmem:v18+s3+$0x0], $0xffff  }
0x11c: {  	v17 =	vld.idx.msk @!p0 [tilespmem:v19+s3+$0x0], $0xffff  }
0x11d: {  	v18 =	vadd.s32 @!p0 s30, v11  }
0x11e: {  	v19 =	vadd.s32 @!p0 s30, v10;
	_ =	sdelay $0x1  }
0x11f: {  	[tilespmem:s28+$0x34C0] =	vst @!p0 v16  }
0x120: {  	[tilespmem:s28+$0x4DC0] =	vst @!p0 v17  }
0x121: {  	v16 =	vld.idx.msk @!p0 [tilespmem:v18+s3+$0x0], $0xffff  }
0x122: {  	v17 =	vld.idx.msk @!p0 [tilespmem:v19+s3+$0x0], $0xffff  }
0x123: {  	v18 =	vadd.s32 @!p0 s30, v13  }
0x124: {  	v19 =	vadd.s32 @!p0 s30, v12;
	_ =	sdelay $0x1  }
0x125: {  	[tilespmem:s28+$0x34D0] =	vst @!p0 v16  }
0x126: {  	[tilespmem:s28+$0x4DD0] =	vst @!p0 v17  }
0x127: {  	v16 =	vld.idx.msk @!p0 [tilespmem:v18+s3+$0x0], $0xffff  }
0x128: {  	v17 =	vld.idx.msk @!p0 [tilespmem:v19+s3+$0x0], $0xffff  }
0x129: {  	v18 =	vadd.s32 @!p0 s30, v15  }
0x12a: {  	v19 =	vadd.s32 @!p0 s30, v14;
	_ =	sdelay $0x1  }
0x12b: {  	[tilespmem:s28+$0x34E0] =	vst @!p0 v16  }
0x12c: {  	[tilespmem:s28+$0x4DE0] =	vst @!p0 v17  }
0x12d: {  	v16 =	vld.idx.msk @!p0 [tilespmem:v18+s3+$0x0], $0xffff  }
0x12e: {  	v17 =	vld.idx.msk @!p0 [tilespmem:v19+s3+$0x0], $0xffff;
	_ =	sdelay $0x3  }
0x12f: {  	[tilespmem:s28+$0x34F0] =	vst @!p0 v16  }
0x130: {  	s30 =	sadd.s32 @!p0 $0x3480, s28;
	[tilespmem:s28+$0x4DF0] =	vst @!p0 v17  }
0x131: {  	[tilespmem:s16], [sflag:$0x1] =	stream.indirect.gather @!p0 [hbm4b:s5+s14], $0x40, s30, s14, $0xb8;
	[tilespmem:$0x1A400] =	vst v63  }
0x132: {  	s30 =	sadd.s32 @!p0 $0x4D80, s28  }
0x133: {  	[tilespmem:s18], [sflag:$0x1] =	stream.indirect.gather @!p0 [hbm4b:s4+s14], $0x40, s30, s14, $0xb8;
	[tilespmem:$0x1A400] =	vst v63  }
0x134: {  	_ =	swait.ge [sflag:s1], $0x2000  }
0x135: {  	[sflag:s1] =	ssyncset.done $0x0  }
0x136: {  	[sflag:s1] =	ssyncadd.s32 $0xFFFFE000  }
0x137: {  	_ =	swait.ge [sflag:s1], $0x2000  }
0x138: {  	[sflag:s1] =	ssyncset.done $0x0  }
0x139: {  	[sflag:s1] =	ssyncadd.s32 $0xFFFFE000  }
0x13a: {  	_ =	swait.ge [sflag:s17], $0x2000  }
0x13b: {  	[sflag:s17] =	ssyncset.done $0x0  }
0x13c: {  	[sflag:s17] =	ssyncadd.s32 $0xFFFFE000  }
0x13d: {  	_ =	swait.ge [sflag:s17], $0x2000  }
0x13e: {  	[sflag:s17] =	ssyncset.done $0x0  }
0x13f: {  	s30 =	sadd.s32 s25, s9;
	[sflag:s17] =	ssyncadd.s32 $0xFFFFE000  }
0x140: {  	[hbm4b:s30+s0] =	stream.strided.scatter [tilespmem:s24], [sflag:$0x2], $0x2000, s14, s0, $0x38;
	[tilespmem:$0x1A400] =	vst v63  }
0x141: {  	s30 =	sadd.s32 $0x8, s30  }
0x142: {  	[hbm4b:s30+s0] =	stream.strided.scatter [tilespmem:s26], [sflag:$0x2], $0x2000, s14, s0, $0x38;
	[tilespmem:$0x1A400] =	vst v63  }
0x143: {  	s30 =	sadd.s32 @!p0 $0xFFFFFFFC, s21  }
0x144: {  	v16 =	vadd.s32 @!p0 s30, v1  }
0x145: {  	v17 =	vadd.s32 @!p0 s30, v0;
	_ =	sdelay $0x3  }
0x146: {  	v16 =	vld.idx.msk @!p0 [tilespmem:v16+s3+$0x0], $0xffff  }
0x147: {  	v17 =	vld.idx.msk @!p0 [tilespmem:v17+s3+$0x0], $0xffff  }
0x148: {  	v18 =	vadd.s32 @!p0 s30, v3  }
0x149: {  	v19 =	vadd.s32 @!p0 s30, v2;
	_ =	sdelay $0x1  }
0x14a: {  	[tilespmem:s28+$0x3500] =	vst @!p0 v16  }
0x14b: {  	[tilespmem:s28+$0x4E00] =	vst @!p0 v17  }
0x14c: {  	v16 =	vld.idx.msk @!p0 [tilespmem:v18+s3+$0x0], $0xffff  }
0x14d: {  	v17 =	vld.idx.msk @!p0 [tilespmem:v19+s3+$0x0], $0xffff  }
0x14e: {  	v18 =	vadd.s32 @!p0 s30, v5  }
0x14f: {  	v19 =	vadd.s32 @!p0 s30, v4;
	_ =	sdelay $0x1  }
0x150: {  	[tilespmem:s28+$0x3510] =	vst @!p0 v16  }
0x151: {  	[tilespmem:s28+$0x4E10] =	vst @!p0 v17  }
0x152: {  	v16 =	vld.idx.msk @!p0 [tilespmem:v18+s3+$0x0], $0xffff  }
0x153: {  	v17 =	vld.idx.msk @!p0 [tilespmem:v19+s3+$0x0], $0xffff  }
0x154: {  	v18 =	vadd.s32 @!p0 s30, v7  }
0x155: {  	v19 =	vadd.s32 @!p0 s30, v6;
	_ =	sdelay $0x1  }
0x156: {  	[tilespmem:s28+$0x3520] =	vst @!p0 v16  }
0x157: {  	[tilespmem:s28+$0x4E20] =	vst @!p0 v17  }
0x158: {  	v16 =	vld.idx.msk @!p0 [tilespmem:v18+s3+$0x0], $0xffff  }
0x159: {  	v17 =	vld.idx.msk @!p0 [tilespmem:v19+s3+$0x0], $0xffff  }
0x15a: {  	v18 =	vadd.s32 @!p0 s30, v9  }
0x15b: {  	v19 =	vadd.s32 @!p0 s30, v8;
	_ =	sdelay $0x1  }
0x15c: {  	[tilespmem:s28+$0x3530] =	vst @!p0 v16  }
0x15d: {  	[tilespmem:s28+$0x4E30] =	vst @!p0 v17  }
0x15e: {  	v16 =	vld.idx.msk @!p0 [tilespmem:v18+s3+$0x0], $0xffff  }
0x15f: {  	v17 =	vld.idx.msk @!p0 [tilespmem:v19+s3+$0x0], $0xffff  }
0x160: {  	v18 =	vadd.s32 @!p0 s30, v11  }
0x161: {  	v19 =	vadd.s32 @!p0 s30, v10;
	_ =	sdelay $0x1  }
0x162: {  	[tilespmem:s28+$0x3540] =	vst @!p0 v16  }
0x163: {  	[tilespmem:s28+$0x4E40] =	vst @!p0 v17  }
0x164: {  	v16 =	vld.idx.msk @!p0 [tilespmem:v18+s3+$0x0], $0xffff  }
0x165: {  	v17 =	vld.idx.msk @!p0 [tilespmem:v19+s3+$0x0], $0xffff  }
0x166: {  	v18 =	vadd.s32 @!p0 s30, v13  }
0x167: {  	v19 =	vadd.s32 @!p0 s30, v12;
	_ =	sdelay $0x1  }
0x168: {  	[tilespmem:s28+$0x3550] =	vst @!p0 v16  }
0x169: {  	[tilespmem:s28+$0x4E50] =	vst @!p0 v17  }
0x16a: {  	v16 =	vld.idx.msk @!p0 [tilespmem:v18+s3+$0x0], $0xffff  }
0x16b: {  	v17 =	vld.idx.msk @!p0 [tilespmem:v19+s3+$0x0], $0xffff  }
0x16c: {  	v18 =	vadd.s32 @!p0 s30, v15  }
0x16d: {  	v19 =	vadd.s32 @!p0 s30, v14;
	_ =	sdelay $0x1  }
0x16e: {  	[tilespmem:s28+$0x3560] =	vst @!p0 v16  }
0x16f: {  	[tilespmem:s28+$0x4E60] =	vst @!p0 v17  }
0x170: {  	v16 =	vld.idx.msk @!p0 [tilespmem:v18+s3+$0x0], $0xffff  }
0x171: {  	v17 =	vld.idx.msk @!p0 [tilespmem:v19+s3+$0x0], $0xffff;
	_ =	sdelay $0x3  }
0x172: {  	[tilespmem:s28+$0x3570] =	vst @!p0 v16  }
0x173: {  	s30 =	sadd.s32 @!p0 $0x3500, s28;
	[tilespmem:s28+$0x4E70] =	vst @!p0 v17  }
0x174: {  	[tilespmem:s20], [sflag:$0x1] =	stream.indirect.gather @!p0 [hbm4b:s5+s14], $0x40, s30, s14, $0xb8;
	[tilespmem:$0x1A400] =	vst v63  }
0x175: {  	s30 =	sadd.s32 @!p0 $0x4E00, s28  }
0x176: {  	[tilespmem:s22], [sflag:$0x1] =	stream.indirect.gather @!p0 [hbm4b:s4+s14], $0x40, s30, s14, $0xb8;
	[tilespmem:$0x1A400] =	vst v63  }
0x177: {  	_ =	swait.ge [sflag:s1], $0x2000  }
0x178: {  	[sflag:s1] =	ssyncset.done $0x0  }
0x179: {  	[sflag:s1] =	ssyncadd.s32 $0xFFFFE000  }
0x17a: {  	_ =	swait.ge [sflag:s1], $0x2000  }
0x17b: {  	[sflag:s1] =	ssyncset.done $0x0  }
0x17c: {  	[sflag:s1] =	ssyncadd.s32 $0xFFFFE000  }
0x17d: {  	_ =	swait.ge [sflag:s17], $0x2000  }
0x17e: {  	[sflag:s17] =	ssyncset.done $0x0  }
0x17f: {  	[sflag:s17] =	ssyncadd.s32 $0xFFFFE000  }
0x180: {  	_ =	swait.ge [sflag:s17], $0x2000  }
0x181: {  	[sflag:s17] =	ssyncset.done $0x0  }
0x182: {  	s30 =	sadd.s32 s25, s8;
	[sflag:s17] =	ssyncadd.s32 $0xFFFFE000  }
0x183: {  	[hbm4b:s30+s0] =	stream.strided.scatter [tilespmem:s29], [sflag:$0x2], $0x2000, s14, s0, $0x38;
	[tilespmem:$0x1A400] =	vst v63  }
0x184: {  	s30 =	sadd.s32 $0x8, s30  }
0x185: {  	[hbm4b:s30+s0] =	stream.strided.scatter [tilespmem:s31], [sflag:$0x2], $0x2000, s14, s0, $0x38;
	[tilespmem:$0x1A400] =	vst v63  }
0x186: {  	s30 =	sadd.s32 @!p0 $0xFFFFFFFE, s21  }
0x187: {  	v16 =	vadd.s32 @!p0 s30, v1  }
0x188: {  	v17 =	vadd.s32 @!p0 s30, v0;
	_ =	sdelay $0x3  }
0x189: {  	v16 =	vld.idx.msk @!p0 [tilespmem:v16+s3+$0x0], $0xffff  }
0x18a: {  	v17 =	vld.idx.msk @!p0 [tilespmem:v17+s3+$0x0], $0xffff  }
0x18b: {  	v18 =	vadd.s32 @!p0 s30, v3  }
0x18c: {  	v19 =	vadd.s32 @!p0 s30, v2;
	_ =	sdelay $0x1  }
0x18d: {  	[tilespmem:s28+$0x3580] =	vst @!p0 v16  }
0x18e: {  	[tilespmem:s28+$0x4E80] =	vst @!p0 v17  }
0x18f: {  	v16 =	vld.idx.msk @!p0 [tilespmem:v18+s3+$0x0], $0xffff  }
0x190: {  	v17 =	vld.idx.msk @!p0 [tilespmem:v19+s3+$0x0], $0xffff  }
0x191: {  	v18 =	vadd.s32 @!p0 s30, v5  }
0x192: {  	v19 =	vadd.s32 @!p0 s30, v4;
	_ =	sdelay $0x1  }
0x193: {  	[tilespmem:s28+$0x3590] =	vst @!p0 v16  }
0x194: {  	[tilespmem:s28+$0x4E90] =	vst @!p0 v17  }
0x195: {  	v16 =	vld.idx.msk @!p0 [tilespmem:v18+s3+$0x0], $0xffff  }
0x196: {  	v17 =	vld.idx.msk @!p0 [tilespmem:v19+s3+$0x0], $0xffff  }
0x197: {  	v18 =	vadd.s32 @!p0 s30, v7  }
0x198: {  	v19 =	vadd.s32 @!p0 s30, v6;
	_ =	sdelay $0x1  }
0x199: {  	[tilespmem:s28+$0x35A0] =	vst @!p0 v16  }
0x19a: {  	[tilespmem:s28+$0x4EA0] =	vst @!p0 v17  }
0x19b: {  	v16 =	vld.idx.msk @!p0 [tilespmem:v18+s3+$0x0], $0xffff  }
0x19c: {  	v17 =	vld.idx.msk @!p0 [tilespmem:v19+s3+$0x0], $0xffff  }
0x19d: {  	v18 =	vadd.s32 @!p0 s30, v9  }
0x19e: {  	v19 =	vadd.s32 @!p0 s30, v8;
	_ =	sdelay $0x1  }
0x19f: {  	[tilespmem:s28+$0x35B0] =	vst @!p0 v16  }
0x1a0: {  	[tilespmem:s28+$0x4EB0] =	vst @!p0 v17  }
0x1a1: {  	v16 =	vld.idx.msk @!p0 [tilespmem:v18+s3+$0x0], $0xffff  }
0x1a2: {  	v17 =	vld.idx.msk @!p0 [tilespmem:v19+s3+$0x0], $0xffff  }
0x1a3: {  	v18 =	vadd.s32 @!p0 s30, v11  }
0x1a4: {  	v19 =	vadd.s32 @!p0 s30, v10;
	_ =	sdelay $0x1  }
0x1a5: {  	[tilespmem:s28+$0x35C0] =	vst @!p0 v16  }
0x1a6: {  	[tilespmem:s28+$0x4EC0] =	vst @!p0 v17  }
0x1a7: {  	v16 =	vld.idx.msk @!p0 [tilespmem:v18+s3+$0x0], $0xffff  }
0x1a8: {  	v17 =	vld.idx.msk @!p0 [tilespmem:v19+s3+$0x0], $0xffff  }
0x1a9: {  	v18 =	vadd.s32 @!p0 s30, v13  }
0x1aa: {  	v19 =	vadd.s32 @!p0 s30, v12;
	_ =	sdelay $0x1  }
0x1ab: {  	[tilespmem:s28+$0x35D0] =	vst @!p0 v16  }
0x1ac: {  	[tilespmem:s28+$0x4ED0] =	vst @!p0 v17  }
0x1ad: {  	v16 =	vld.idx.msk @!p0 [tilespmem:v18+s3+$0x0], $0xffff  }
0x1ae: {  	v17 =	vld.idx.msk @!p0 [tilespmem:v19+s3+$0x0], $0xffff  }
0x1af: {  	v18 =	vadd.s32 @!p0 s30, v15  }
0x1b0: {  	v19 =	vadd.s32 @!p0 s30, v14;
	_ =	sdelay $0x1  }
0x1b1: {  	[tilespmem:s28+$0x35E0] =	vst @!p0 v16  }
0x1b2: {  	[tilespmem:s28+$0x4EE0] =	vst @!p0 v17  }
0x1b3: {  	v16 =	vld.idx.msk @!p0 [tilespmem:v18+s3+$0x0], $0xffff  }
0x1b4: {  	v17 =	vld.idx.msk @!p0 [tilespmem:v19+s3+$0x0], $0xffff;
	_ =	sdelay $0x3  }
0x1b5: {  	[tilespmem:s28+$0x35F0] =	vst @!p0 v16  }
0x1b6: {  	s30 =	sadd.s32 @!p0 $0x3580, s28;
	[tilespmem:s28+$0x4EF0] =	vst @!p0 v17  }
0x1b7: {  	[tilespmem:s24], [sflag:$0x1] =	stream.indirect.gather @!p0 [hbm4b:s5+s14], $0x40, s30, s14, $0xb8;
	[tilespmem:$0x1A400] =	vst v63  }
0x1b8: {  	s30 =	sadd.s32 @!p0 $0x4E80, s28  }
0x1b9: {  	[tilespmem:s26], [sflag:$0x1] =	stream.indirect.gather @!p0 [hbm4b:s4+s14], $0x40, s30, s14, $0xb8;
	[tilespmem:$0x1A400] =	vst v63  }
0x1ba: {  	_ =	swait.ge [sflag:s1], $0x2000  }
0x1bb: {  	[sflag:s1] =	ssyncset.done $0x0  }
0x1bc: {  	[sflag:s1] =	ssyncadd.s32 $0xFFFFE000  }
0x1bd: {  	_ =	swait.ge [sflag:s1], $0x2000  }
0x1be: {  	[sflag:s1] =	ssyncset.done $0x0  }
0x1bf: {  	[sflag:s1] =	ssyncadd.s32 $0xFFFFE000  }
0x1c0: {  	_ =	swait.ge [sflag:s17], $0x2000  }
0x1c1: {  	[sflag:s17] =	ssyncset.done $0x0  }
0x1c2: {  	[sflag:s17] =	ssyncadd.s32 $0xFFFFE000  }
0x1c3: {  	_ =	swait.ge [sflag:s17], $0x2000  }
.Ltmp2:
0x1c4: {  	[sflag:s17] =	ssyncset.done $0x0;
	(pc) =	sbr.rel @p0 .LBB2_4-.Ltmp2, $4  }
0x1c5: {  	s30 =	sadd.s32 s25, s12;
	[sflag:s17] =	ssyncadd.s32 $0xFFFFE000  }
0x1c6: {  	[hbm4b:s30+s0] =	stream.strided.scatter [tilespmem:s2], [sflag:$0x2], $0x2000, s14, s0, $0x38;
	[tilespmem:$0x1A400] =	vst v63  }
0x1c7: {  	s30 =	sadd.s32 $0x8, s30  }
0x1c8: {  	[hbm4b:s30+s0] =	stream.strided.scatter [tilespmem:s15], [sflag:$0x2], $0x2000, s14, s0, $0x38;
	[tilespmem:$0x1A400] =	vst v63  }
0x1c9: {  	v16 =	vadd.s32 s21, v1  }
0x1ca: {  	v17 =	vadd.s32 s21, v0;
	_ =	sdelay $0x3  }
0x1cb: {  	v16 =	vld.idx.msk [tilespmem:v16+s3+$0x0], $0xffff  }
0x1cc: {  	v17 =	vld.idx.msk [tilespmem:v17+s3+$0x0], $0xffff  }
0x1cd: {  	v18 =	vadd.s32 s21, v3  }
0x1ce: {  	v19 =	vadd.s32 s21, v2;
	_ =	sdelay $0x1  }
0x1cf: {  	[tilespmem:s28+$0x3600] =	vst v16  }
0x1d0: {  	[tilespmem:s28+$0x4F00] =	vst v17  }
0x1d1: {  	v16 =	vld.idx.msk [tilespmem:v18+s3+$0x0], $0xffff  }
0x1d2: {  	v17 =	vld.idx.msk [tilespmem:v19+s3+$0x0], $0xffff  }
0x1d3: {  	v18 =	vadd.s32 s21, v5  }
0x1d4: {  	v19 =	vadd.s32 s21, v4;
	_ =	sdelay $0x1  }
0x1d5: {  	[tilespmem:s28+$0x3610] =	vst v16  }
0x1d6: {  	[tilespmem:s28+$0x4F10] =	vst v17  }
0x1d7: {  	v16 =	vld.idx.msk [tilespmem:v18+s3+$0x0], $0xffff  }
0x1d8: {  	v17 =	vld.idx.msk [tilespmem:v19+s3+$0x0], $0xffff  }
0x1d9: {  	v18 =	vadd.s32 s21, v7  }
0x1da: {  	v19 =	vadd.s32 s21, v6;
	_ =	sdelay $0x1  }
0x1db: {  	[tilespmem:s28+$0x3620] =	vst v16  }
0x1dc: {  	[tilespmem:s28+$0x4F20] =	vst v17  }
0x1dd: {  	v16 =	vld.idx.msk [tilespmem:v18+s3+$0x0], $0xffff  }
0x1de: {  	v17 =	vld.idx.msk [tilespmem:v19+s3+$0x0], $0xffff  }
0x1df: {  	v18 =	vadd.s32 s21, v9  }
0x1e0: {  	v19 =	vadd.s32 s21, v8;
	_ =	sdelay $0x1  }
0x1e1: {  	[tilespmem:s28+$0x3630] =	vst v16  }
0x1e2: {  	[tilespmem:s28+$0x4F30] =	vst v17  }
0x1e3: {  	v16 =	vld.idx.msk [tilespmem:v18+s3+$0x0], $0xffff  }
0x1e4: {  	v17 =	vld.idx.msk [tilespmem:v19+s3+$0x0], $0xffff  }
0x1e5: {  	v18 =	vadd.s32 s21, v11  }
0x1e6: {  	v19 =	vadd.s32 s21, v10;
	_ =	sdelay $0x1  }
0x1e7: {  	[tilespmem:s28+$0x3640] =	vst v16  }
0x1e8: {  	[tilespmem:s28+$0x4F40] =	vst v17  }
0x1e9: {  	v16 =	vld.idx.msk [tilespmem:v18+s3+$0x0], $0xffff  }
0x1ea: {  	v17 =	vld.idx.msk [tilespmem:v19+s3+$0x0], $0xffff  }
0x1eb: {  	v18 =	vadd.s32 s21, v13  }
0x1ec: {  	v19 =	vadd.s32 s21, v12;
	_ =	sdelay $0x1  }
0x1ed: {  	[tilespmem:s28+$0x3650] =	vst v16  }
0x1ee: {  	[tilespmem:s28+$0x4F50] =	vst v17  }
0x1ef: {  	v16 =	vld.idx.msk [tilespmem:v18+s3+$0x0], $0xffff  }
0x1f0: {  	v17 =	vld.idx.msk [tilespmem:v19+s3+$0x0], $0xffff  }
0x1f1: {  	v18 =	vadd.s32 s21, v15  }
0x1f2: {  	v19 =	vadd.s32 s21, v14;
	_ =	sdelay $0x1  }
0x1f3: {  	[tilespmem:s28+$0x3660] =	vst v16  }
0x1f4: {  	[tilespmem:s28+$0x4F60] =	vst v17  }
0x1f5: {  	v16 =	vld.idx.msk [tilespmem:v18+s3+$0x0], $0xffff  }
0x1f6: {  	v17 =	vld.idx.msk [tilespmem:v19+s3+$0x0], $0xffff;
	_ =	sdelay $0x3  }
.Ltmp3:
0x1f7: {  	[tilespmem:s28+$0x3670] =	vst v16;
	(pc) =	sbr.rel .LBB2_2-.Ltmp3, $4  }
0x1f8: {  	s30 =	sadd.s32 $0x3600, s28;
	s25 =	sadd.s32 $0x50000, s25;
	[tilespmem:s28+$0x4F70] =	vst v17  }
0x1f9: {  	[tilespmem:s29], [sflag:$0x1] =	stream.indirect.gather [hbm4b:s5+s14], $0x40, s30, s14, $0xb8;
	[tilespmem:$0x1A400] =	vst v63  }
0x1fa: {  	s23 =	sadd.s32 $0xA00, s23;
	s21 =	sadd.s32 $0xA, s21;
	s30 =	sadd.s32 $0x4F00, s28  }
0x1fb: {  	[tilespmem:s31], [sflag:$0x1] =	stream.indirect.gather [hbm4b:s4+s14], $0x40, s30, s14, $0xb8;
	[tilespmem:$0x1A400] =	vst v63  }
.LBB2_5:
0x1fc: {  	_ =	sfence.sel $0x180000  }
0x1fd: {  	[bflag:$0x0] =	sbarrier.arrive $0xFFFF  }
0x1fe: {  	_ =	strace $0x90000047  }
0x1ff: {  	s0 =	stileid.u32;
	[bflag:$0x2] =	sbarrier.arrive $0xFFFF  }
0x200: {  	p0 =	sne.s32 s0, $0x0;
	s0 =	rddreg [dreg:$0x2]  }
0x201: {  	s0 =	sadd.s32 @!p0 $0x100000, s0  }
0x202: {  	[sflag:s0] =	ssyncadd.tile.s32 @!p0 $0x1;
	_ =	shalt  }
.Lfunc_end2:
_tile_overlayer_lowered:
.L_overlay_start_2:
0x203: {  	(tag) =	ssettag $0x2  }
0x204: {  	s0 =	rddreg [dreg:$0x0];
	s2 =	stileid.u32  }
0x205: {  	s1 =	rddreg [dreg:$0x1];
	p0 =	sne.s32 s2, $0x0  }
0x206: {  	s3 =	rddreg [dreg:$0x2];
	[bflag:$0x3] =	sbarrier.arrive $0xFFFF;
	s2 =	simm.s32 @!p0 $0x1C03  }
0x207: {  	[timem:s3], [sflag:s2] =	dma.local @!p0 [hbm:s0], s1  }
0x208: {  	s0 =	simm.s32 @!p0 $0x3  }
0x209: {  	_ =	swait.ge @!p0 [sflag:s0], s1  }
0x20a: {  	s1 =	ssub.s32 @!p0 $0x0, s1;
	[sflag:s0] =	ssyncset.done @!p0 $0x0  }
0x20b: {  	[sflag:s0] =	ssyncadd.s32 @!p0 s1  }
0x20c: {  	[bflag:$0x3] =	sbarrier.arrive $0xFFFF  }
0x20d: {  	_ =	shalt  }

</sc_bundles>
